<compile_context>
chip_gen: v7x
topology: tpu7x:2x2x1
jax: 0.10.2.dev20260603
libtpu: 0.0.44.dev20260713+nightly
codegen_flags: <defaults>
</compile_context>

<pallas_src>
import functools

import jax
import jax.numpy as jnp
from jax import lax
from jax.experimental import pallas as pl
from jax.experimental.pallas import tpu as pltpu
from jax.experimental.pallas import tpu_sc as plsc

N = 10000
E = 160000
F = 256
FE = 16
B = 16
FU = 64
NT = 4
ET = 8
TE = 16
H = 256

CHUNK = 128
E_PAD = 163840
NCHUNK = E_PAD // CHUNK
NWORK = 32
GCH_PER_W = NCHUNK // NWORK
SCH_PER_T = NCHUNK // 16
BN = 1000
BE = 1024


def _prec_body(x_ref, ohb_ref, wcat_ref, u_ref, au_ref, te_ref, ate_ref,
               ntm_ref, bt_ref, bu_ref, be1_ref, bn1_ref,
               trow_ref, tcol_ref, tabs_ref):
    p = x_ref[...] @ wcat_ref[...]
    u_tab = u_ref[...] @ au_ref[...]
    t0 = p[:, :H] + ohb_ref[...] @ u_tab + be1_ref[...]
    t2 = p[:, H:2 * H] + bn1_ref[...]
    trow_ref[...] = jnp.concatenate([t0, t2], axis=1)
    tcol_ref[...] = p[:, 2 * H:]

    @pl.when(pl.program_id(0) == 0)
    def _():
        te_tab = te_ref[...] @ ate_ref[...]
        nt_tab = ntm_ref[...] @ bt_ref[...]
        ub_tab = u_ref[...] @ bu_ref[...]
        tabs_ref[...] = jnp.concatenate(
            [te_tab, nt_tab, jnp.zeros((4, H), jnp.float32), ub_tab], axis=0)


def _precompute(x, ohb, wcat, u, a_u, te_emb, a_te, nt_emb, b_t, b_u, be1, bn1):
    grid = N // BN
    full = lambda shape: pl.BlockSpec(shape, lambda i: (0, 0))
    return pl.pallas_call(
        _prec_body,
        grid=(grid,),
        in_specs=[
            pl.BlockSpec((BN, F), lambda i: (i, 0)),
            pl.BlockSpec((BN, B), lambda i: (i, 0)),
            full((F, 3 * H)), full((B, FU)), full((FU, H)),
            full((ET, TE)), full((TE, H)),
            full((NT, TE)), full((TE, H)), full((FU, H)),
            full((1, H)), full((1, H)),
        ],
        out_specs=[
            pl.BlockSpec((BN, 2 * H), lambda i: (i, 0)),
            pl.BlockSpec((BN, H), lambda i: (i, 0)),
            pl.BlockSpec((2 * B, H), lambda i: (0, 0)),
        ],
        out_shape=[
            jax.ShapeDtypeStruct((N, 2 * H), jnp.float32),
            jax.ShapeDtypeStruct((N, H), jnp.float32),
            jax.ShapeDtypeStruct((2 * B, H), jnp.float32),
        ],
    )(x, ohb, wcat, u, a_u, te_emb, a_te, nt_emb, b_t, b_u, be1, bn1)


CG = 64
GC2_PER_W = E_PAD // CG // NWORK


def _gather_body(trow_hbm, tcol_hbm, ridx_hbm, cidx_hbm,
                 grow_hbm, gcol_hbm, ridx_v, cidx_v,
                 rbuf0, cbuf0, rbuf1, cbuf1, sem_r0, sem_c0, sem_r1, sem_c1):
    wid = lax.axis_index("s") * 2 + lax.axis_index("c")
    c0 = wid * GC2_PER_W
    pltpu.sync_copy(ridx_hbm.at[pl.ds(c0, GC2_PER_W)], ridx_v)
    pltpu.sync_copy(cidx_hbm.at[pl.ds(c0, GC2_PER_W)], cidx_v)

    def body(k, carry):
        j0 = 2 * k
        j1 = 2 * k + 1
        e0 = (c0 + j0) * CG
        e1 = (c0 + j1) * CG
        cp_r0 = pltpu.async_copy(trow_hbm.at[ridx_v.at[j0]], rbuf0, sem_r0)
        cp_c0 = pltpu.async_copy(tcol_hbm.at[cidx_v.at[j0]], cbuf0, sem_c0)
        cp_r1 = pltpu.async_copy(trow_hbm.at[ridx_v.at[j1]], rbuf1, sem_r1)
        cp_c1 = pltpu.async_copy(tcol_hbm.at[cidx_v.at[j1]], cbuf1, sem_c1)
        cp_r0.wait()
        cp_c0.wait()
        pltpu.sync_copy(rbuf0, grow_hbm.at[pl.ds(e0, CG)])
        pltpu.sync_copy(cbuf0, gcol_hbm.at[pl.ds(e0, CG)])
        cp_r1.wait()
        cp_c1.wait()
        pltpu.sync_copy(rbuf1, grow_hbm.at[pl.ds(e1, CG)])
        pltpu.sync_copy(cbuf1, gcol_hbm.at[pl.ds(e1, CG)])
        return carry

    lax.fori_loop(0, GC2_PER_W // 2, body, 0)


def _gather(trow, tcol, ridx, cidx):
    mesh = plsc.VectorSubcoreMesh(core_axis_name="c", subcore_axis_name="s")
    fn = functools.partial(
        pl.kernel, _gather_body, mesh=mesh,
        out_type=[
            jax.ShapeDtypeStruct((E_PAD, 2 * H), jnp.float32),
            jax.ShapeDtypeStruct((E_PAD, H), jnp.float32),
        ],
        scratch_types=[
            pltpu.VMEM((GC2_PER_W, CG), jnp.int32),
            pltpu.VMEM((GC2_PER_W, CG), jnp.int32),
            pltpu.VMEM((CG, 2 * H), jnp.float32),
            pltpu.VMEM((CG, H), jnp.float32),
            pltpu.VMEM((CG, 2 * H), jnp.float32),
            pltpu.VMEM((CG, H), jnp.float32),
            pltpu.SemaphoreType.DMA,
            pltpu.SemaphoreType.DMA,
            pltpu.SemaphoreType.DMA,
            pltpu.SemaphoreType.DMA,
        ],
    )()
    return fn(trow, tcol, ridx, cidx)


def _edge_body(grow_ref, gcol_ref, ohet_ref, fe_ref, tabs_ref, afe_ref,
               we2_ref, be2_ref, me_ref, newe_ref, hm0_ref, hm1_ref):
    g = grow_ref[...]
    s = g[:, :H] + gcol_ref[...]
    h_e = jnp.maximum(
        s + fe_ref[...] @ afe_ref[...] + ohet_ref[...] @ tabs_ref[0:ET], 0.0)
    ne = h_e @ we2_ref[...] + be2_ref[...]
    newe_ref[...] = ne
    hm = jnp.maximum(g[:, H:] + ne @ me_ref[...], 0.0)
    rows = pl.program_id(0) * BE + lax.broadcasted_iota(jnp.int32, (BE, 1), 0)
    hm = jnp.where(rows < E, hm, 0.0)
    hm0_ref[...] = hm[:, :128]
    hm1_ref[...] = hm[:, 128:]


def _edge(grow, gcol, ohet, fe_pad, tabs, a_fe, we2, be2, m_e):
    grid = E_PAD // BE
    full = lambda shape: pl.BlockSpec(shape, lambda i: (0, 0))
    return pl.pallas_call(
        _edge_body,
        grid=(grid,),
        in_specs=[
            pl.BlockSpec((BE, 2 * H), lambda i: (i, 0)),
            pl.BlockSpec((BE, H), lambda i: (i, 0)),
            pl.BlockSpec((BE, ET), lambda i: (i, 0)),
            pl.BlockSpec((BE, FE), lambda i: (i, 0)),
            full((2 * B, H)), full((FE, H)), full((H, FE)), full((1, FE)),
            full((FE, H)),
        ],
        out_specs=[
            pl.BlockSpec((BE, FE), lambda i: (i, 0)),
            pl.BlockSpec((BE, 128), lambda i: (i, 0)),
            pl.BlockSpec((BE, 128), lambda i: (i, 0)),
        ],
        out_shape=[
            jax.ShapeDtypeStruct((E_PAD, FE), jnp.float32),
            jax.ShapeDtypeStruct((E_PAD, 128), jnp.float32),
            jax.ShapeDtypeStruct((E_PAD, 128), jnp.float32),
        ],
    )(grow, gcol, ohet, fe_pad, tabs, a_fe, we2, be2, m_e)


def _scatter_half(hm_ref, cidx_hbm, idx_v, valbuf, agg_sh, s):
    def body(j, carry):
        e0 = (s * SCH_PER_T + j) * CHUNK
        pltpu.sync_copy(cidx_hbm.at[pl.ds(e0, CHUNK)], idx_v)
        pltpu.sync_copy(hm_ref.at[pl.ds(e0, CHUNK)], valbuf)
        pltpu.sync_copy(valbuf, agg_sh.at[idx_v], add=True)
        return carry

    lax.fori_loop(0, SCH_PER_T, body, 0)


def _scatter_body(hm0_hbm, hm1_hbm, cidx_hbm, z128_hbm,
                  agg0_hbm, agg1_hbm,
                  idx_v, valbuf, agg_sh):
    c = lax.axis_index("c")
    s = lax.axis_index("s")
    n0 = s * 640

    @pl.when(s < 15)
    def _():
        pltpu.sync_copy(z128_hbm.at[pl.ds(n0, 640)], agg_sh.at[pl.ds(n0, 640)])

    @pl.when(s == 15)
    def _():
        pltpu.sync_copy(z128_hbm.at[pl.ds(n0, 400)], agg_sh.at[pl.ds(n0, 400)])

    plsc.subcore_barrier()

    @pl.when(c == 0)
    def _():
        _scatter_half(hm0_hbm, cidx_hbm, idx_v, valbuf, agg_sh, s)

    @pl.when(c == 1)
    def _():
        _scatter_half(hm1_hbm, cidx_hbm, idx_v, valbuf, agg_sh, s)

    plsc.subcore_barrier()

    @pl.when(s < 15)
    def _():
        @pl.when(c == 0)
        def _():
            pltpu.sync_copy(agg_sh.at[pl.ds(n0, 640)], agg0_hbm.at[pl.ds(n0, 640)])

        @pl.when(c == 1)
        def _():
            pltpu.sync_copy(agg_sh.at[pl.ds(n0, 640)], agg1_hbm.at[pl.ds(n0, 640)])

    @pl.when(s == 15)
    def _():
        @pl.when(c == 0)
        def _():
            pltpu.sync_copy(agg_sh.at[pl.ds(n0, 400)], agg0_hbm.at[pl.ds(n0, 400)])

        @pl.when(c == 1)
        def _():
            pltpu.sync_copy(agg_sh.at[pl.ds(n0, 400)], agg1_hbm.at[pl.ds(n0, 400)])


def _scatter(hm0, hm1, cidx, z128):
    mesh = plsc.VectorSubcoreMesh(core_axis_name="c", subcore_axis_name="s")
    fn = functools.partial(
        pl.kernel, _scatter_body, mesh=mesh,
        out_type=[
            jax.ShapeDtypeStruct((N, 128), jnp.float32),
            jax.ShapeDtypeStruct((N, 128), jnp.float32),
        ],
        scratch_types=[
            pltpu.VMEM((CHUNK,), jnp.int32),
            pltpu.VMEM((CHUNK, 128), jnp.float32),
            pltpu.VMEM_SHARED((N, 128), jnp.float32),
        ],
    )()
    return fn(hm0, hm1, cidx, z128)


def _node_body(x_ref, agg0_ref, agg1_ref, cnt_ref, ohnt_ref, ohb_ref,
               tabs_ref, wn2_ref, bn2_ref, bx_ref, bm_ref, bn3_ref,
               wn4_ref, bn4_ref, u_ref, wg1_ref, bg1_ref, wg2_ref, bg2_ref,
               newx_ref, newu_ref, gsum_acc, gcnt_acc):
    i = pl.program_id(0)
    cnt = cnt_ref[...][:, 0:1]
    wn2 = wn2_ref[...]
    aggw = agg0_ref[...] @ wn2[:128] + agg1_ref[...] @ wn2[128:]
    mean = (aggw + cnt * bn2_ref[...]) / jnp.maximum(cnt, 1.0)
    tabs = tabs_ref[...]
    h = jnp.maximum(
        x_ref[...] @ bx_ref[...] + mean @ bm_ref[...]
        + ohnt_ref[...] @ tabs[ET:2 * ET] + ohb_ref[...] @ tabs[B:2 * B]
        + bn3_ref[...], 0.0)
    nx = h @ wn4_ref[...] + bn4_ref[...]
    newx_ref[...] = nx

    ohb = ohb_ref[...]
    part = lax.dot_general(ohb, nx, (((0,), (0,)), ((), ())))
    pcnt = lax.dot_general(ohb, jnp.ones((BN, 1), jnp.float32),
                           (((0,), (0,)), ((), ())))

    @pl.when(i == 0)
    def _():
        gsum_acc[...] = part
        gcnt_acc[...] = pcnt

    @pl.when(i > 0)
    def _():
        gsum_acc[...] += part
        gcnt_acc[...] += pcnt

    @pl.when(i == pl.num_programs(0) - 1)
    def _():
        gmean = gsum_acc[...] / jnp.maximum(gcnt_acc[...], 1.0)
        wg1 = wg1_ref[...]
        g1 = jnp.maximum(
            u_ref[...] @ wg1[:FU] + gmean @ wg1[FU:] + bg1_ref[...], 0.0)
        newu_ref[...] = g1 @ wg2_ref[...] + bg2_ref[...]


def _node(x, agg0, agg1, cnt, ohnt, ohb, tabs, wn2, bn2, b_x, b_m, bn3,
          wn4, bn4, u, wg1, bg1, wg2, bg2):
    grid = N // BN
    full = lambda shape: pl.BlockSpec(shape, lambda i: (0, 0))
    return pl.pallas_call(
        _node_body,
        grid=(grid,),
        in_specs=[
            pl.BlockSpec((BN, F), lambda i: (i, 0)),
            pl.BlockSpec((BN, 128), lambda i: (i, 0)),
            pl.BlockSpec((BN, 128), lambda i: (i, 0)),
            pl.BlockSpec((BN, 1), lambda i: (i, 0)),
            pl.BlockSpec((BN, ET), lambda i: (i, 0)),
            pl.BlockSpec((BN, B), lambda i: (i, 0)),
            full((2 * B, H)), full((H, H)), full((1, H)),
            full((F, H)), full((H, H)), full((1, H)),
            full((H, F)), full((1, F)),
            full((B, FU)), full((FU + F, 128)), full((1, 128)),
            full((128, FU)), full((1, FU)),
        ],
        out_specs=[
            pl.BlockSpec((BN, F), lambda i: (i, 0)),
            pl.BlockSpec((B, FU), lambda i: (0, 0)),
        ],
        out_shape=[
            jax.ShapeDtypeStruct((N, F), jnp.float32),
            jax.ShapeDtypeStruct((B, FU), jnp.float32),
        ],
        scratch_shapes=[
            pltpu.VMEM((B, F), jnp.float32),
            pltpu.VMEM((B, 1), jnp.float32),
        ],
    )(x, agg0, agg1, cnt, ohnt, ohb, tabs, wn2, bn2, b_x, b_m, bn3,
      wn4, bn4, u, wg1, bg1, wg2, bg2)


def kernel(features_of_nodes, node_ids_for_edges, features_of_edges,
           global_features, node_type_ids, edge_type_ids, batch_ids,
           edge_type_emb, node_type_emb, We1, be1, We2, be2, Wn1, bn1,
           Wn2, bn2, Wn3, bn3, Wn4, bn4, Wg1, bg1, Wg2, bg2):
    x = features_of_nodes
    row = node_ids_for_edges[0]
    col = node_ids_for_edges[1]

    a_s, a_d = We1[:F], We1[F:2 * F]
    a_fe = We1[2 * F:2 * F + FE]
    a_te = We1[2 * F + FE:2 * F + FE + TE]
    a_u = We1[2 * F + FE + TE:]
    m_x, m_e = Wn1[:F], Wn1[F:]
    b_x, b_m = Wn3[:F], Wn3[F:F + H]
    b_t, b_u = Wn3[F + H:F + H + TE], Wn3[F + H + TE:]
    wcat = jnp.concatenate([a_s, m_x, a_d], axis=1)

    ohb = (batch_ids[:, None] == jnp.arange(B)[None, :]).astype(jnp.float32)
    ohnt = (node_type_ids[:, None] == jnp.arange(ET)[None, :]).astype(jnp.float32)
    pad = E_PAD - E
    ohet = jnp.pad(
        (edge_type_ids[:, None] == jnp.arange(ET)[None, :]).astype(jnp.float32),
        ((0, pad), (0, 0)))
    fe_pad = jnp.pad(features_of_edges, ((0, pad), (0, 0)))
    cidx_flat = jnp.pad(col, (0, pad))
    ridx = jnp.pad(row, (0, pad)).reshape(E_PAD // CG, CG)
    cidx = cidx_flat.reshape(E_PAD // CG, CG)
    z128 = jnp.zeros((N, 128), jnp.float32)

    trow, tcol, tabs = _precompute(
        x, ohb, wcat, global_features, a_u, edge_type_emb, a_te,
        node_type_emb, b_t, b_u, be1.reshape(1, H), bn1.reshape(1, H))

    grow, gcol = _gather(trow, tcol, ridx, cidx)

    new_e_pad, hm0, hm1 = _edge(
        grow, gcol, ohet, fe_pad, tabs, a_fe, We2, be2.reshape(1, FE), m_e)

    agg0, agg1 = _scatter(hm0, hm1, cidx_flat, z128)
    cnt = jax.ops.segment_sum(
        jnp.ones((E,), jnp.float32), col, num_segments=N)[:, None]

    new_x, new_u = _node(
        x, agg0, agg1, cnt, ohnt, ohb, tabs, Wn2, bn2.reshape(1, H),
        b_x, b_m, bn3.reshape(1, H), Wn4, bn4.reshape(1, F),
        global_features, Wg1, bg1.reshape(1, 128), Wg2, bg2.reshape(1, FU))

    return (new_x, new_e_pad[:E], new_u)

# --- scband reference (transcript-rebuilt; emitter-appended) ---
"""Pipeline reference for scband-heterogeneous-meta-layer-21784074125496 (READ-ONLY COPY).

The authoritative reference and input builder live on the scoring server;
editing this copy changes nothing except your own understanding.
"""

import jax, jax.numpy as jnp
import numpy as np

N = 10000
E = 160000
F = 256
FE = 16
B = 16
FU = 64
NT = 4
ET = 8
TE = 16
H = 256


def _lin_init(key, fan_in, fan_out):
    s = 1.0 / np.sqrt(fan_in)
    return jax.random.uniform(key, (fan_in, fan_out), jnp.float32, -s, s)


def setup_inputs(seed: int = 0):
    key = jax.random.key(seed)
    ks = jax.random.split(key, 32)
    inp = {}
    inp['features_of_nodes'] = jax.random.normal(ks[0], (N, F), jnp.float32)
    inp['node_ids_for_edges'] = jax.random.randint(ks[1], (2, E), 0, N)
    inp['features_of_edges'] = jax.random.normal(ks[2], (E, FE), jnp.float32)
    inp['global_features'] = jax.random.normal(ks[3], (B, FU), jnp.float32)
    inp['node_type_ids'] = jax.random.randint(ks[4], (N,), 0, NT)
    inp['edge_type_ids'] = jax.random.randint(ks[5], (E,), 0, ET)
    inp['batch_ids'] = jnp.sort(jax.random.randint(ks[6], (N,), 0, B))
    inp['edge_type_emb'] = jax.random.normal(ks[7], (ET, TE), jnp.float32) * 0.02
    inp['node_type_emb'] = jax.random.normal(ks[8], (NT, TE), jnp.float32) * 0.02
    de_in = F + F + FE + TE + FU
    inp['We1'] = _lin_init(ks[9], de_in, H)
    inp['be1'] = jnp.zeros((H,), jnp.float32)
    inp['We2'] = _lin_init(ks[10], H, FE)
    inp['be2'] = jnp.zeros((FE,), jnp.float32)
    dm_in = F + FE
    inp['Wn1'] = _lin_init(ks[11], dm_in, H)
    inp['bn1'] = jnp.zeros((H,), jnp.float32)
    inp['Wn2'] = _lin_init(ks[12], H, H)
    inp['bn2'] = jnp.zeros((H,), jnp.float32)
    dn_in = F + H + TE + FU
    inp['Wn3'] = _lin_init(ks[13], dn_in, H)
    inp['bn3'] = jnp.zeros((H,), jnp.float32)
    inp['Wn4'] = _lin_init(ks[14], H, F)
    inp['bn4'] = jnp.zeros((F,), jnp.float32)
    dg_in = FU + F
    inp['Wg1'] = _lin_init(ks[15], dg_in, 128)
    inp['bg1'] = jnp.zeros((128,), jnp.float32)
    inp['Wg2'] = _lin_init(ks[16], 128, FU)
    inp['bg2'] = jnp.zeros((FU,), jnp.float32)
    return inp


def _forward(features_of_nodes, features_of_edges, global_features, edge_type_emb, node_type_emb,
             We1, be1, We2, be2, Wn1, bn1, Wn2, bn2, Wn3, bn3, Wn4, bn4, Wg1, bg1, Wg2, bg2,
             node_ids_for_edges, node_type_ids, edge_type_ids, batch_ids):
    x = features_of_nodes
    row = node_ids_for_edges[0]
    col = node_ids_for_edges[1]
    # Edge model: cat([src, dst, edge_attr, edge_type_emb, u[batch_e]]) -> MLP
    src = x[row]
    dst = x[col]
    batch_e = batch_ids[row]
    e_in = jnp.concatenate([src, dst, features_of_edges, edge_type_emb[edge_type_ids],
                            global_features[batch_e]], axis=1)
    new_e = jax.nn.relu(e_in @ We1 + be1) @ We2 + be2
    # Node model: message MLP, scatter_mean over dst, then node MLP
    m_in = jnp.concatenate([src, new_e], axis=1)
    m = jax.nn.relu(m_in @ Wn1 + bn1) @ Wn2 + bn2
    agg = jax.ops.segment_sum(m, col, num_segments=N)
    cnt = jax.ops.segment_sum(jnp.ones((E,), jnp.float32), col, num_segments=N)
    mean = agg / jnp.maximum(cnt, 1.0)[:, None]
    n_in = jnp.concatenate([x, mean, node_type_emb[node_type_ids], global_features[batch_ids]], axis=1)
    new_x = jax.nn.relu(n_in @ Wn3 + bn3) @ Wn4 + bn4
    # Global model: cat([u, scatter_mean(new_x, batch)]) -> MLP
    gsum = jax.ops.segment_sum(new_x, batch_ids, num_segments=B)
    gcnt = jax.ops.segment_sum(jnp.ones((N,), jnp.float32), batch_ids, num_segments=B)
    gmean = gsum / jnp.maximum(gcnt, 1.0)[:, None]
    g_in = jnp.concatenate([global_features, gmean], axis=1)
    new_u = jax.nn.relu(g_in @ Wg1 + bg1) @ Wg2 + bg2
    return (new_x, new_e, new_u)


def reference(features_of_nodes, node_ids_for_edges, features_of_edges, global_features,
              node_type_ids, edge_type_ids, batch_ids, edge_type_emb, node_type_emb,
              We1, be1, We2, be2, Wn1, bn1, Wn2, bn2, Wn3, bn3, Wn4, bn4, Wg1, bg1, Wg2, bg2):
    return _forward(features_of_nodes, features_of_edges, global_features, edge_type_emb,
                    node_type_emb, We1, be1, We2, be2, Wn1, bn1, Wn2, bn2, Wn3, bn3, Wn4, bn4,
                    Wg1, bg1, Wg2, bg2, node_ids_for_edges, node_type_ids, edge_type_ids, batch_ids)

if __name__ == "__main__":
    import jax
    _d = setup_inputs()
    print(jax.jit(kernel)(*tuple(_d.values())))

</pallas_src>

<mosaic_0001>
#map = affine_map<(d0, d1) -> (0, 0)>
module attributes {stable_mosaic.version = 14 : i64} {
  func.func @_gather_body(%arg0: i32, %arg1: i32, %arg2: memref<10000x512xf32, #tpu.memory_space<hbm>>, %arg3: memref<10000x256xf32, #tpu.memory_space<hbm>>, %arg4: memref<2560x64xi32, #tpu.memory_space<hbm>>, %arg5: memref<2560x64xi32, #tpu.memory_space<hbm>>, %arg6: memref<163840x512xf32, #tpu.memory_space<hbm>>, %arg7: memref<163840x256xf32, #tpu.memory_space<hbm>>, %arg8: memref<80x64xi32, #tpu.memory_space<vmem>>, %arg9: memref<80x64xi32, #tpu.memory_space<vmem>>, %arg10: memref<64x512xf32, #tpu.memory_space<vmem>>, %arg11: memref<64x256xf32, #tpu.memory_space<vmem>>, %arg12: memref<64x512xf32, #tpu.memory_space<vmem>>, %arg13: memref<64x256xf32, #tpu.memory_space<vmem>>, %arg14: memref<!tpu.dma_semaphore, #tpu.memory_space<semaphore_mem>>, %arg15: memref<!tpu.dma_semaphore, #tpu.memory_space<semaphore_mem>>, %arg16: memref<!tpu.dma_semaphore, #tpu.memory_space<semaphore_mem>>, %arg17: memref<!tpu.dma_semaphore, #tpu.memory_space<semaphore_mem>>) attributes {dimension_semantics = [#tpu.dimension_semantics<core_parallel>, #tpu.dimension_semantics<subcore_parallel>], iteration_bounds = array<i64: 2, 16>, scalar_prefetch = 0 : i64, scratch_operands = 10 : i64, tpu.core_type = #tpu.core_type<sc_vector_subcore>, window_params = [{transform_indices = #map}, {transform_indices = #map}, {transform_indices = #map}, {transform_indices = #map}, {transform_indices = #map}, {transform_indices = #map}]} {
    %mul3A = arith.constant 2 : i32
    %mul3A_0 = arith.muli %arg1, %mul3A : i32
    %add3A = arith.addi %mul3A_0, %arg0 : i32
    %mul3A_1 = arith.constant 80 : i32
    %mul3A_2 = arith.muli %add3A, %mul3A_1 : i32
    "tpu.region"() ({
      %run_scoped3A = tpu.sem_alloc : memref<!tpu.dma_semaphore, #tpu.memory_space<semaphore_mem>>
      %dma_start3A = arith.constant 0 : i32
      %dma_start3A_8 = tpu.memref_slice %arg4[%mul3A_2, %dma_start3A] : memref<2560x64xi32, #tpu.memory_space<hbm>> -> memref<80x64xi32, #tpu.memory_space<hbm>>
      %dma_start3A_9 = arith.constant 0 : i32
      %dma_start3A_10 = tpu.memref_slice %arg4[%mul3A_2, %dma_start3A_9] : memref<2560x64xi32, #tpu.memory_space<hbm>> -> memref<80x64xi32, #tpu.memory_space<hbm>>
      tpu.enqueue_dma source(%dma_start3A_10 : memref<80x64xi32, #tpu.memory_space<hbm>>) target(%arg8 : memref<80x64xi32, #tpu.memory_space<vmem>>) target_semaphore(%run_scoped3A : memref<!tpu.dma_semaphore, #tpu.memory_space<semaphore_mem>>)
      %dma_wait3A = arith.constant 0 : i32
      %dma_wait3A_11 = tpu.memref_slice %arg4[%mul3A_2, %dma_wait3A] : memref<2560x64xi32, #tpu.memory_space<hbm>> -> memref<80x64xi32, #tpu.memory_space<hbm>>
      %dma_wait3A_12 = arith.constant 0 : i32
      %dma_wait3A_13 = tpu.memref_slice %arg4[%mul3A_2, %dma_wait3A_12] : memref<2560x64xi32, #tpu.memory_space<hbm>> -> memref<80x64xi32, #tpu.memory_space<hbm>>
      tpu.wait_dma2 semaphore(%run_scoped3A : memref<!tpu.dma_semaphore, #tpu.memory_space<semaphore_mem>>) src(%dma_wait3A_13 : memref<80x64xi32, #tpu.memory_space<hbm>>) dst(%arg8 : memref<80x64xi32, #tpu.memory_space<vmem>>)
      tpu.yield
    }) : () -> ()
    "tpu.region"() ({
      %run_scoped3A = tpu.sem_alloc : memref<!tpu.dma_semaphore, #tpu.memory_space<semaphore_mem>>
      %dma_start3A = arith.constant 0 : i32
      %dma_start3A_8 = tpu.memref_slice %arg5[%mul3A_2, %dma_start3A] : memref<2560x64xi32, #tpu.memory_space<hbm>> -> memref<80x64xi32, #tpu.memory_space<hbm>>
      %dma_start3A_9 = arith.constant 0 : i32
      %dma_start3A_10 = tpu.memref_slice %arg5[%mul3A_2, %dma_start3A_9] : memref<2560x64xi32, #tpu.memory_space<hbm>> -> memref<80x64xi32, #tpu.memory_space<hbm>>
      tpu.enqueue_dma source(%dma_start3A_10 : memref<80x64xi32, #tpu.memory_space<hbm>>) target(%arg9 : memref<80x64xi32, #tpu.memory_space<vmem>>) target_semaphore(%run_scoped3A : memref<!tpu.dma_semaphore, #tpu.memory_space<semaphore_mem>>)
      %dma_wait3A = arith.constant 0 : i32
      %dma_wait3A_11 = tpu.memref_slice %arg5[%mul3A_2, %dma_wait3A] : memref<2560x64xi32, #tpu.memory_space<hbm>> -> memref<80x64xi32, #tpu.memory_space<hbm>>
      %dma_wait3A_12 = arith.constant 0 : i32
      %dma_wait3A_13 = tpu.memref_slice %arg5[%mul3A_2, %dma_wait3A_12] : memref<2560x64xi32, #tpu.memory_space<hbm>> -> memref<80x64xi32, #tpu.memory_space<hbm>>
      tpu.wait_dma2 semaphore(%run_scoped3A : memref<!tpu.dma_semaphore, #tpu.memory_space<semaphore_mem>>) src(%dma_wait3A_13 : memref<80x64xi32, #tpu.memory_space<hbm>>) dst(%arg9 : memref<80x64xi32, #tpu.memory_space<vmem>>)
      tpu.yield
    }) : () -> ()
    %scan3A = arith.constant 0 : i32
    %scan3A_3 = arith.constant 0 : i32
    %scan3A_4 = arith.constant 40 : i32
    %scan3A_5 = arith.addi %scan3A_3, %scan3A_4 : i32
    %scan3A_6 = arith.constant 1 : i32
    scf.for %scan3A_8 = %scan3A_3 to %scan3A_5 step %scan3A_6  : i32 {
      %mul3A_9 = arith.constant 2 : i32
      %mul3A_10 = arith.muli %mul3A_9, %scan3A_8 : i32
      %mul3A_11 = arith.constant 2 : i32
      %mul3A_12 = arith.muli %mul3A_11, %scan3A_8 : i32
      %add3A_13 = arith.constant 1 : i32
      %add3A_14 = arith.addi %mul3A_12, %add3A_13 : i32
      %add3A_15 = arith.addi %mul3A_2, %mul3A_10 : i32
      %mul3A_16 = arith.constant 64 : i32
      %mul3A_17 = arith.muli %add3A_15, %mul3A_16 : i32
      %add3A_18 = arith.addi %mul3A_2, %add3A_14 : i32
      %mul3A_19 = arith.constant 64 : i32
      %mul3A_20 = arith.muli %add3A_18, %mul3A_19 : i32
      %dma_start3A = arith.constant 0 : i32
      %dma_start3A_21 = tpu.memref_slice %arg8[%mul3A_10, %dma_start3A] : memref<80x64xi32, #tpu.memory_space<vmem>> -> memref<1x64xi32, #tpu.memory_space<vmem>>
      %dma_start3A_22 = tpu.memref_squeeze %dma_start3A_21 : memref<1x64xi32, #tpu.memory_space<vmem>> -> memref<64xi32, #tpu.memory_space<vmem>>
      %dma_start3A_23 = arith.constant 0 : i32
      %dma_start3A_24 = arith.constant 0 : i32
      %dma_start3A_25 = tpu.memref_slice %arg2[%dma_start3A_23, %dma_start3A_24] : memref<10000x512xf32, #tpu.memory_space<hbm>> -> memref<10000x512xf32, #tpu.memory_space<hbm>>
      tpu.enqueue_indirect_dma source(%dma_start3A_25 : memref<10000x512xf32, #tpu.memory_space<hbm>>) target(%arg10 : memref<64x512xf32, #tpu.memory_space<vmem>>) offsets(%dma_start3A_22 : memref<64xi32, #tpu.memory_space<vmem>>) semaphore(%arg14 : memref<!tpu.dma_semaphore, #tpu.memory_space<semaphore_mem>>)
      %dma_start3A_26 = arith.constant 0 : i32
      %dma_start3A_27 = tpu.memref_slice %arg9[%mul3A_10, %dma_start3A_26] : memref<80x64xi32, #tpu.memory_space<vmem>> -> memref<1x64xi32, #tpu.memory_space<vmem>>
      %dma_start3A_28 = tpu.memref_squeeze %dma_start3A_27 : memref<1x64xi32, #tpu.memory_space<vmem>> -> memref<64xi32, #tpu.memory_space<vmem>>
      %dma_start3A_29 = arith.constant 0 : i32
      %dma_start3A_30 = arith.constant 0 : i32
      %dma_start3A_31 = tpu.memref_slice %arg3[%dma_start3A_29, %dma_start3A_30] : memref<10000x256xf32, #tpu.memory_space<hbm>> -> memref<10000x256xf32, #tpu.memory_space<hbm>>
      tpu.enqueue_indirect_dma source(%dma_start3A_31 : memref<10000x256xf32, #tpu.memory_space<hbm>>) target(%arg11 : memref<64x256xf32, #tpu.memory_space<vmem>>) offsets(%dma_start3A_28 : memref<64xi32, #tpu.memory_space<vmem>>) semaphore(%arg15 : memref<!tpu.dma_semaphore, #tpu.memory_space<semaphore_mem>>)
      %dma_start3A_32 = arith.constant 0 : i32
      %dma_start3A_33 = tpu.memref_slice %arg8[%add3A_14, %dma_start3A_32] : memref<80x64xi32, #tpu.memory_space<vmem>> -> memref<1x64xi32, #tpu.memory_space<vmem>>
      %dma_start3A_34 = tpu.memref_squeeze %dma_start3A_33 : memref<1x64xi32, #tpu.memory_space<vmem>> -> memref<64xi32, #tpu.memory_space<vmem>>
      %dma_start3A_35 = arith.constant 0 : i32
      %dma_start3A_36 = arith.constant 0 : i32
      %dma_start3A_37 = tpu.memref_slice %arg2[%dma_start3A_35, %dma_start3A_36] : memref<10000x512xf32, #tpu.memory_space<hbm>> -> memref<10000x512xf32, #tpu.memory_space<hbm>>
      tpu.enqueue_indirect_dma source(%dma_start3A_37 : memref<10000x512xf32, #tpu.memory_space<hbm>>) target(%arg12 : memref<64x512xf32, #tpu.memory_space<vmem>>) offsets(%dma_start3A_34 : memref<64xi32, #tpu.memory_space<vmem>>) semaphore(%arg16 : memref<!tpu.dma_semaphore, #tpu.memory_space<semaphore_mem>>)
      %dma_start3A_38 = arith.constant 0 : i32
      %dma_start3A_39 = tpu.memref_slice %arg9[%add3A_14, %dma_start3A_38] : memref<80x64xi32, #tpu.memory_space<vmem>> -> memref<1x64xi32, #tpu.memory_space<vmem>>
      %dma_start3A_40 = tpu.memref_squeeze %dma_start3A_39 : memref<1x64xi32, #tpu.memory_space<vmem>> -> memref<64xi32, #tpu.memory_space<vmem>>
      %dma_start3A_41 = arith.constant 0 : i32
      %dma_start3A_42 = arith.constant 0 : i32
      %dma_start3A_43 = tpu.memref_slice %arg3[%dma_start3A_41, %dma_start3A_42] : memref<10000x256xf32, #tpu.memory_space<hbm>> -> memref<10000x256xf32, #tpu.memory_space<hbm>>
      tpu.enqueue_indirect_dma source(%dma_start3A_43 : memref<10000x256xf32, #tpu.memory_space<hbm>>) target(%arg13 : memref<64x256xf32, #tpu.memory_space<vmem>>) offsets(%dma_start3A_40 : memref<64xi32, #tpu.memory_space<vmem>>) semaphore(%arg17 : memref<!tpu.dma_semaphore, #tpu.memory_space<semaphore_mem>>)
      %dma_wait3A = arith.constant 0 : i32
      %dma_wait3A_44 = tpu.memref_slice %arg8[%mul3A_10, %dma_wait3A] : memref<80x64xi32, #tpu.memory_space<vmem>> -> memref<1x64xi32, #tpu.memory_space<vmem>>
      %dma_wait3A_45 = tpu.memref_squeeze %dma_wait3A_44 : memref<1x64xi32, #tpu.memory_space<vmem>> -> memref<64xi32, #tpu.memory_space<vmem>>
      %dma_wait3A_46 = arith.constant 0 : i32
      %dma_wait3A_47 = arith.constant 0 : i32
      %dma_wait3A_48 = tpu.memref_slice %arg2[%dma_wait3A_46, %dma_wait3A_47] : memref<10000x512xf32, #tpu.memory_space<hbm>> -> memref<10000x512xf32, #tpu.memory_space<hbm>>
      tpu.wait_indirect_dma semaphore(%arg14 : memref<!tpu.dma_semaphore, #tpu.memory_space<semaphore_mem>>) src(%dma_wait3A_48 : memref<10000x512xf32, #tpu.memory_space<hbm>>) dst(%arg10 : memref<64x512xf32, #tpu.memory_space<vmem>>)
      %dma_wait3A_49 = arith.constant 0 : i32
      %dma_wait3A_50 = tpu.memref_slice %arg9[%mul3A_10, %dma_wait3A_49] : memref<80x64xi32, #tpu.memory_space<vmem>> -> memref<1x64xi32, #tpu.memory_space<vmem>>
      %dma_wait3A_51 = tpu.memref_squeeze %dma_wait3A_50 : memref<1x64xi32, #tpu.memory_space<vmem>> -> memref<64xi32, #tpu.memory_space<vmem>>
      %dma_wait3A_52 = arith.constant 0 : i32
      %dma_wait3A_53 = arith.constant 0 : i32
      %dma_wait3A_54 = tpu.memref_slice %arg3[%dma_wait3A_52, %dma_wait3A_53] : memref<10000x256xf32, #tpu.memory_space<hbm>> -> memref<10000x256xf32, #tpu.memory_space<hbm>>
      tpu.wait_indirect_dma semaphore(%arg15 : memref<!tpu.dma_semaphore, #tpu.memory_space<semaphore_mem>>) src(%dma_wait3A_54 : memref<10000x256xf32, #tpu.memory_space<hbm>>) dst(%arg11 : memref<64x256xf32, #tpu.memory_space<vmem>>)
      "tpu.region"() ({
        %run_scoped3A = tpu.sem_alloc : memref<!tpu.dma_semaphore, #tpu.memory_space<semaphore_mem>>
        %dma_start3A_67 = arith.constant 0 : i32
        %dma_start3A_68 = tpu.memref_slice %arg6[%mul3A_17, %dma_start3A_67] : memref<163840x512xf32, #tpu.memory_space<hbm>> -> memref<64x512xf32, #tpu.memory_space<hbm>>
        %dma_start3A_69 = arith.constant 0 : i32
        %dma_start3A_70 = tpu.memref_slice %arg6[%mul3A_17, %dma_start3A_69] : memref<163840x512xf32, #tpu.memory_space<hbm>> -> memref<64x512xf32, #tpu.memory_space<hbm>>
        tpu.enqueue_dma source(%arg10 : memref<64x512xf32, #tpu.memory_space<vmem>>) target(%dma_start3A_70 : memref<64x512xf32, #tpu.memory_space<hbm>>) target_semaphore(%run_scoped3A : memref<!tpu.dma_semaphore, #tpu.memory_space<semaphore_mem>>)
        %dma_wait3A_71 = arith.constant 0 : i32
        %dma_wait3A_72 = tpu.memref_slice %arg6[%mul3A_17, %dma_wait3A_71] : memref<163840x512xf32, #tpu.memory_space<hbm>> -> memref<64x512xf32, #tpu.memory_space<hbm>>
        %dma_wait3A_73 = arith.constant 0 : i32
        %dma_wait3A_74 = tpu.memref_slice %arg6[%mul3A_17, %dma_wait3A_73] : memref<163840x512xf32, #tpu.memory_space<hbm>> -> memref<64x512xf32, #tpu.memory_space<hbm>>
        tpu.wait_dma2 semaphore(%run_scoped3A : memref<!tpu.dma_semaphore, #tpu.memory_space<semaphore_mem>>) src(%arg10 : memref<64x512xf32, #tpu.memory_space<vmem>>) dst(%dma_wait3A_74 : memref<64x512xf32, #tpu.memory_space<hbm>>)
        tpu.yield
      }) : () -> ()
      "tpu.region"() ({
        %run_scoped3A = tpu.sem_alloc : memref<!tpu.dma_semaphore, #tpu.memory_space<semaphore_mem>>
        %dma_start3A_67 = arith.constant 0 : i32
        %dma_start3A_68 = tpu.memref_slice %arg7[%mul3A_17, %dma_start3A_67] : memref<163840x256xf32, #tpu.memory_space<hbm>> -> memref<64x256xf32, #tpu.memory_space<hbm>>
        %dma_start3A_69 = arith.constant 0 : i32
        %dma_start3A_70 = tpu.memref_slice %arg7[%mul3A_17, %dma_start3A_69] : memref<163840x256xf32, #tpu.memory_space<hbm>> -> memref<64x256xf32, #tpu.memory_space<hbm>>
        tpu.enqueue_dma source(%arg11 : memref<64x256xf32, #tpu.memory_space<vmem>>) target(%dma_start3A_70 : memref<64x256xf32, #tpu.memory_space<hbm>>) target_semaphore(%run_scoped3A : memref<!tpu.dma_semaphore, #tpu.memory_space<semaphore_mem>>)
        %dma_wait3A_71 = arith.constant 0 : i32
        %dma_wait3A_72 = tpu.memref_slice %arg7[%mul3A_17, %dma_wait3A_71] : memref<163840x256xf32, #tpu.memory_space<hbm>> -> memref<64x256xf32, #tpu.memory_space<hbm>>
        %dma_wait3A_73 = arith.constant 0 : i32
        %dma_wait3A_74 = tpu.memref_slice %arg7[%mul3A_17, %dma_wait3A_73] : memref<163840x256xf32, #tpu.memory_space<hbm>> -> memref<64x256xf32, #tpu.memory_space<hbm>>
        tpu.wait_dma2 semaphore(%run_scoped3A : memref<!tpu.dma_semaphore, #tpu.memory_space<semaphore_mem>>) src(%arg11 : memref<64x256xf32, #tpu.memory_space<vmem>>) dst(%dma_wait3A_74 : memref<64x256xf32, #tpu.memory_space<hbm>>)
        tpu.yield
      }) : () -> ()
      %dma_wait3A_55 = arith.constant 0 : i32
      %dma_wait3A_56 = tpu.memref_slice %arg8[%add3A_14, %dma_wait3A_55] : memref<80x64xi32, #tpu.memory_space<vmem>> -> memref<1x64xi32, #tpu.memory_space<vmem>>
      %dma_wait3A_57 = tpu.memref_squeeze %dma_wait3A_56 : memref<1x64xi32, #tpu.memory_space<vmem>> -> memref<64xi32, #tpu.memory_space<vmem>>
      %dma_wait3A_58 = arith.constant 0 : i32
      %dma_wait3A_59 = arith.constant 0 : i32
      %dma_wait3A_60 = tpu.memref_slice %arg2[%dma_wait3A_58, %dma_wait3A_59] : memref<10000x512xf32, #tpu.memory_space<hbm>> -> memref<10000x512xf32, #tpu.memory_space<hbm>>
      tpu.wait_indirect_dma semaphore(%arg16 : memref<!tpu.dma_semaphore, #tpu.memory_space<semaphore_mem>>) src(%dma_wait3A_60 : memref<10000x512xf32, #tpu.memory_space<hbm>>) dst(%arg12 : memref<64x512xf32, #tpu.memory_space<vmem>>)
      %dma_wait3A_61 = arith.constant 0 : i32
      %dma_wait3A_62 = tpu.memref_slice %arg9[%add3A_14, %dma_wait3A_61] : memref<80x64xi32, #tpu.memory_space<vmem>> -> memref<1x64xi32, #tpu.memory_space<vmem>>
      %dma_wait3A_63 = tpu.memref_squeeze %dma_wait3A_62 : memref<1x64xi32, #tpu.memory_space<vmem>> -> memref<64xi32, #tpu.memory_space<vmem>>
      %dma_wait3A_64 = arith.constant 0 : i32
      %dma_wait3A_65 = arith.constant 0 : i32
      %dma_wait3A_66 = tpu.memref_slice %arg3[%dma_wait3A_64, %dma_wait3A_65] : memref<10000x256xf32, #tpu.memory_space<hbm>> -> memref<10000x256xf32, #tpu.memory_space<hbm>>
      tpu.wait_indirect_dma semaphore(%arg17 : memref<!tpu.dma_semaphore, #tpu.memory_space<semaphore_mem>>) src(%dma_wait3A_66 : memref<10000x256xf32, #tpu.memory_space<hbm>>) dst(%arg13 : memref<64x256xf32, #tpu.memory_space<vmem>>)
      "tpu.region"() ({
        %run_scoped3A = tpu.sem_alloc : memref<!tpu.dma_semaphore, #tpu.memory_space<semaphore_mem>>
        %dma_start3A_67 = arith.constant 0 : i32
        %dma_start3A_68 = tpu.memref_slice %arg6[%mul3A_20, %dma_start3A_67] : memref<163840x512xf32, #tpu.memory_space<hbm>> -> memref<64x512xf32, #tpu.memory_space<hbm>>
        %dma_start3A_69 = arith.constant 0 : i32
        %dma_start3A_70 = tpu.memref_slice %arg6[%mul3A_20, %dma_start3A_69] : memref<163840x512xf32, #tpu.memory_space<hbm>> -> memref<64x512xf32, #tpu.memory_space<hbm>>
        tpu.enqueue_dma source(%arg12 : memref<64x512xf32, #tpu.memory_space<vmem>>) target(%dma_start3A_70 : memref<64x512xf32, #tpu.memory_space<hbm>>) target_semaphore(%run_scoped3A : memref<!tpu.dma_semaphore, #tpu.memory_space<semaphore_mem>>)
        %dma_wait3A_71 = arith.constant 0 : i32
        %dma_wait3A_72 = tpu.memref_slice %arg6[%mul3A_20, %dma_wait3A_71] : memref<163840x512xf32, #tpu.memory_space<hbm>> -> memref<64x512xf32, #tpu.memory_space<hbm>>
        %dma_wait3A_73 = arith.constant 0 : i32
        %dma_wait3A_74 = tpu.memref_slice %arg6[%mul3A_20, %dma_wait3A_73] : memref<163840x512xf32, #tpu.memory_space<hbm>> -> memref<64x512xf32, #tpu.memory_space<hbm>>
        tpu.wait_dma2 semaphore(%run_scoped3A : memref<!tpu.dma_semaphore, #tpu.memory_space<semaphore_mem>>) src(%arg12 : memref<64x512xf32, #tpu.memory_space<vmem>>) dst(%dma_wait3A_74 : memref<64x512xf32, #tpu.memory_space<hbm>>)
        tpu.yield
      }) : () -> ()
      "tpu.region"() ({
        %run_scoped3A = tpu.sem_alloc : memref<!tpu.dma_semaphore, #tpu.memory_space<semaphore_mem>>
        %dma_start3A_67 = arith.constant 0 : i32
        %dma_start3A_68 = tpu.memref_slice %arg7[%mul3A_20, %dma_start3A_67] : memref<163840x256xf32, #tpu.memory_space<hbm>> -> memref<64x256xf32, #tpu.memory_space<hbm>>
        %dma_start3A_69 = arith.constant 0 : i32
        %dma_start3A_70 = tpu.memref_slice %arg7[%mul3A_20, %dma_start3A_69] : memref<163840x256xf32, #tpu.memory_space<hbm>> -> memref<64x256xf32, #tpu.memory_space<hbm>>
        tpu.enqueue_dma source(%arg13 : memref<64x256xf32, #tpu.memory_space<vmem>>) target(%dma_start3A_70 : memref<64x256xf32, #tpu.memory_space<hbm>>) target_semaphore(%run_scoped3A : memref<!tpu.dma_semaphore, #tpu.memory_space<semaphore_mem>>)
        %dma_wait3A_71 = arith.constant 0 : i32
        %dma_wait3A_72 = tpu.memref_slice %arg7[%mul3A_20, %dma_wait3A_71] : memref<163840x256xf32, #tpu.memory_space<hbm>> -> memref<64x256xf32, #tpu.memory_space<hbm>>
        %dma_wait3A_73 = arith.constant 0 : i32
        %dma_wait3A_74 = tpu.memref_slice %arg7[%mul3A_20, %dma_wait3A_73] : memref<163840x256xf32, #tpu.memory_space<hbm>> -> memref<64x256xf32, #tpu.memory_space<hbm>>
        tpu.wait_dma2 semaphore(%run_scoped3A : memref<!tpu.dma_semaphore, #tpu.memory_space<semaphore_mem>>) src(%arg13 : memref<64x256xf32, #tpu.memory_space<vmem>>) dst(%dma_wait3A_74 : memref<64x256xf32, #tpu.memory_space<hbm>>)
        tpu.yield
      }) : () -> ()
    }
    %scan3A_7 = arith.constant 40 : i32
    return
  }
}

#map = affine_map<(d0, d1) -> (0, 0)>
#map1 = affine_map<(d0, d1) -> (0)>
module attributes {stable_mosaic.version = 14 : i64} {
  func.func @_scatter_body(%arg0: i32, %arg1: i32, %arg2: memref<163840x128xf32, #tpu.memory_space<hbm>>, %arg3: memref<163840x128xf32, #tpu.memory_space<hbm>>, %arg4: memref<163840xi32, #tpu.memory_space<hbm>>, %arg5: memref<10000x128xf32, #tpu.memory_space<hbm>>, %arg6: memref<10000x128xf32, #tpu.memory_space<hbm>>, %arg7: memref<10000x128xf32, #tpu.memory_space<hbm>>, %arg8: memref<128xi32, #tpu.memory_space<vmem>>, %arg9: memref<128x128xf32, #tpu.memory_space<vmem>>, %arg10: memref<10000x128xf32, #tpu.memory_space<vmem_shared>>) attributes {dimension_semantics = [#tpu.dimension_semantics<core_parallel>, #tpu.dimension_semantics<subcore_parallel>], iteration_bounds = array<i64: 2, 16>, scalar_prefetch = 0 : i64, scratch_operands = 3 : i64, tpu.core_type = #tpu.core_type<sc_vector_subcore>, window_params = [{transform_indices = #map}, {transform_indices = #map}, {transform_indices = #map1}, {transform_indices = #map}, {transform_indices = #map}, {transform_indices = #map}]} {
    %mul3A = arith.constant 640 : i32
    %mul3A_0 = arith.muli %arg1, %mul3A : i32
    %lt3A = arith.constant 15 : i32
    %lt3A_1 = arith.cmpi slt, %arg1, %lt3A : i32
    %convert_element_type3A = arith.extui %lt3A_1 : i1 to i32
    %cond3A = arith.constant 0 : i32
    %cond3A_2 = arith.cmpi ne, %convert_element_type3A, %cond3A : i32
    scf.if %cond3A_2 {
      "tpu.region"() ({
        %run_scoped3A = tpu.sem_alloc : memref<!tpu.dma_semaphore, #tpu.memory_space<semaphore_mem>>
        %dma_start3A = arith.constant 0 : i32
        %dma_start3A_28 = tpu.memref_slice %arg10[%mul3A_0, %dma_start3A] : memref<10000x128xf32, #tpu.memory_space<vmem_shared>> -> memref<640x128xf32, #tpu.memory_space<vmem_shared>>
        %dma_start3A_29 = arith.constant 0 : i32
        %dma_start3A_30 = tpu.memref_slice %arg5[%mul3A_0, %dma_start3A_29] : memref<10000x128xf32, #tpu.memory_space<hbm>> -> memref<640x128xf32, #tpu.memory_space<hbm>>
        tpu.enqueue_dma source(%dma_start3A_30 : memref<640x128xf32, #tpu.memory_space<hbm>>) target(%dma_start3A_28 : memref<640x128xf32, #tpu.memory_space<vmem_shared>>) target_semaphore(%run_scoped3A : memref<!tpu.dma_semaphore, #tpu.memory_space<semaphore_mem>>)
        %dma_wait3A = arith.constant 0 : i32
        %dma_wait3A_31 = tpu.memref_slice %arg10[%mul3A_0, %dma_wait3A] : memref<10000x128xf32, #tpu.memory_space<vmem_shared>> -> memref<640x128xf32, #tpu.memory_space<vmem_shared>>
        %dma_wait3A_32 = arith.constant 0 : i32
        %dma_wait3A_33 = tpu.memref_slice %arg5[%mul3A_0, %dma_wait3A_32] : memref<10000x128xf32, #tpu.memory_space<hbm>> -> memref<640x128xf32, #tpu.memory_space<hbm>>
        tpu.wait_dma2 semaphore(%run_scoped3A : memref<!tpu.dma_semaphore, #tpu.memory_space<semaphore_mem>>) src(%dma_wait3A_33 : memref<640x128xf32, #tpu.memory_space<hbm>>) dst(%dma_wait3A_31 : memref<640x128xf32, #tpu.memory_space<vmem_shared>>)
        tpu.yield
      }) : () -> ()
    } else {
    }
    %eq3A = arith.constant 15 : i32
    %eq3A_3 = arith.cmpi eq, %arg1, %eq3A : i32
    %convert_element_type3A_4 = arith.extui %eq3A_3 : i1 to i32
    %cond3A_5 = arith.constant 0 : i32
    %cond3A_6 = arith.cmpi ne, %convert_element_type3A_4, %cond3A_5 : i32
    scf.if %cond3A_6 {
      "tpu.region"() ({
        %run_scoped3A = tpu.sem_alloc : memref<!tpu.dma_semaphore, #tpu.memory_space<semaphore_mem>>
        %dma_start3A = arith.constant 0 : i32
        %dma_start3A_28 = tpu.memref_slice %arg10[%mul3A_0, %dma_start3A] : memref<10000x128xf32, #tpu.memory_space<vmem_shared>> -> memref<400x128xf32, #tpu.memory_space<vmem_shared>>
        %dma_start3A_29 = arith.constant 0 : i32
        %dma_start3A_30 = tpu.memref_slice %arg5[%mul3A_0, %dma_start3A_29] : memref<10000x128xf32, #tpu.memory_space<hbm>> -> memref<400x128xf32, #tpu.memory_space<hbm>>
        tpu.enqueue_dma source(%dma_start3A_30 : memref<400x128xf32, #tpu.memory_space<hbm>>) target(%dma_start3A_28 : memref<400x128xf32, #tpu.memory_space<vmem_shared>>) target_semaphore(%run_scoped3A : memref<!tpu.dma_semaphore, #tpu.memory_space<semaphore_mem>>)
        %dma_wait3A = arith.constant 0 : i32
        %dma_wait3A_31 = tpu.memref_slice %arg10[%mul3A_0, %dma_wait3A] : memref<10000x128xf32, #tpu.memory_space<vmem_shared>> -> memref<400x128xf32, #tpu.memory_space<vmem_shared>>
        %dma_wait3A_32 = arith.constant 0 : i32
        %dma_wait3A_33 = tpu.memref_slice %arg5[%mul3A_0, %dma_wait3A_32] : memref<10000x128xf32, #tpu.memory_space<hbm>> -> memref<400x128xf32, #tpu.memory_space<hbm>>
        tpu.wait_dma2 semaphore(%run_scoped3A : memref<!tpu.dma_semaphore, #tpu.memory_space<semaphore_mem>>) src(%dma_wait3A_33 : memref<400x128xf32, #tpu.memory_space<hbm>>) dst(%dma_wait3A_31 : memref<400x128xf32, #tpu.memory_space<vmem_shared>>)
        tpu.yield
      }) : () -> ()
    } else {
    }
    %barrier3A = arith.constant 0 : index
    tpu.barrier barrier_id(%barrier3A)
    %eq3A_7 = arith.constant 0 : i32
    %eq3A_8 = arith.cmpi eq, %arg0, %eq3A_7 : i32
    %convert_element_type3A_9 = arith.extui %eq3A_8 : i1 to i32
    %cond3A_10 = arith.constant 0 : i32
    %cond3A_11 = arith.cmpi ne, %convert_element_type3A_9, %cond3A_10 : i32
    scf.if %cond3A_11 {
      %scan3A = arith.constant 0 : i32
      %scan3A_28 = arith.constant 0 : i32
      %scan3A_29 = arith.constant 80 : i32
      %scan3A_30 = arith.addi %scan3A_28, %scan3A_29 : i32
      %scan3A_31 = arith.constant 1 : i32
      scf.for %scan3A_33 = %scan3A_28 to %scan3A_30 step %scan3A_31  : i32 {
        %mul3A_34 = arith.constant 80 : i32
        %mul3A_35 = arith.muli %arg1, %mul3A_34 : i32
        %add3A = arith.addi %mul3A_35, %scan3A_33 : i32
        %mul3A_36 = arith.constant 128 : i32
        %mul3A_37 = arith.muli %add3A, %mul3A_36 : i32
        "tpu.region"() ({
          %run_scoped3A = tpu.sem_alloc : memref<!tpu.dma_semaphore, #tpu.memory_space<semaphore_mem>>
          %dma_start3A = tpu.memref_slice %arg4[%mul3A_37] : memref<163840xi32, #tpu.memory_space<hbm>> -> memref<128xi32, #tpu.memory_space<hbm>>
          %dma_start3A_38 = tpu.memref_slice %arg4[%mul3A_37] : memref<163840xi32, #tpu.memory_space<hbm>> -> memref<128xi32, #tpu.memory_space<hbm>>
          tpu.enqueue_dma source(%dma_start3A_38 : memref<128xi32, #tpu.memory_space<hbm>>) target(%arg8 : memref<128xi32, #tpu.memory_space<vmem>>) target_semaphore(%run_scoped3A : memref<!tpu.dma_semaphore, #tpu.memory_space<semaphore_mem>>)
          %dma_wait3A = tpu.memref_slice %arg4[%mul3A_37] : memref<163840xi32, #tpu.memory_space<hbm>> -> memref<128xi32, #tpu.memory_space<hbm>>
          %dma_wait3A_39 = tpu.memref_slice %arg4[%mul3A_37] : memref<163840xi32, #tpu.memory_space<hbm>> -> memref<128xi32, #tpu.memory_space<hbm>>
          tpu.wait_dma2 semaphore(%run_scoped3A : memref<!tpu.dma_semaphore, #tpu.memory_space<semaphore_mem>>) src(%dma_wait3A_39 : memref<128xi32, #tpu.memory_space<hbm>>) dst(%arg8 : memref<128xi32, #tpu.memory_space<vmem>>)
          tpu.yield
        }) : () -> ()
        "tpu.region"() ({
          %run_scoped3A = tpu.sem_alloc : memref<!tpu.dma_semaphore, #tpu.memory_space<semaphore_mem>>
          %dma_start3A = arith.constant 0 : i32
          %dma_start3A_38 = tpu.memref_slice %arg2[%mul3A_37, %dma_start3A] : memref<163840x128xf32, #tpu.memory_space<hbm>> -> memref<128x128xf32, #tpu.memory_space<hbm>>
          %dma_start3A_39 = arith.constant 0 : i32
          %dma_start3A_40 = tpu.memref_slice %arg2[%mul3A_37, %dma_start3A_39] : memref<163840x128xf32, #tpu.memory_space<hbm>> -> memref<128x128xf32, #tpu.memory_space<hbm>>
          tpu.enqueue_dma source(%dma_start3A_40 : memref<128x128xf32, #tpu.memory_space<hbm>>) target(%arg9 : memref<128x128xf32, #tpu.memory_space<vmem>>) target_semaphore(%run_scoped3A : memref<!tpu.dma_semaphore, #tpu.memory_space<semaphore_mem>>)
          %dma_wait3A = arith.constant 0 : i32
          %dma_wait3A_41 = tpu.memref_slice %arg2[%mul3A_37, %dma_wait3A] : memref<163840x128xf32, #tpu.memory_space<hbm>> -> memref<128x128xf32, #tpu.memory_space<hbm>>
          %dma_wait3A_42 = arith.constant 0 : i32
          %dma_wait3A_43 = tpu.memref_slice %arg2[%mul3A_37, %dma_wait3A_42] : memref<163840x128xf32, #tpu.memory_space<hbm>> -> memref<128x128xf32, #tpu.memory_space<hbm>>
          tpu.wait_dma2 semaphore(%run_scoped3A : memref<!tpu.dma_semaphore, #tpu.memory_space<semaphore_mem>>) src(%dma_wait3A_43 : memref<128x128xf32, #tpu.memory_space<hbm>>) dst(%arg9 : memref<128x128xf32, #tpu.memory_space<vmem>>)
          tpu.yield
        }) : () -> ()
        "tpu.region"() ({
          %run_scoped3A = tpu.sem_alloc : memref<!tpu.dma_semaphore, #tpu.memory_space<semaphore_mem>>
          %dma_start3A = arith.constant 0 : i32
          %dma_start3A_38 = arith.constant 0 : i32
          %dma_start3A_39 = tpu.memref_slice %arg10[%dma_start3A, %dma_start3A_38] : memref<10000x128xf32, #tpu.memory_space<vmem_shared>> -> memref<10000x128xf32, #tpu.memory_space<vmem_shared>>
          tpu.enqueue_indirect_dma source(%arg9 : memref<128x128xf32, #tpu.memory_space<vmem>>) target(%dma_start3A_39 : memref<10000x128xf32, #tpu.memory_space<vmem_shared>>) offsets(%arg8 : memref<128xi32, #tpu.memory_space<vmem>>) semaphore(%run_scoped3A : memref<!tpu.dma_semaphore, #tpu.memory_space<semaphore_mem>>) {add = true}
          %dma_wait3A = arith.constant 0 : i32
          %dma_wait3A_40 = arith.constant 0 : i32
          %dma_wait3A_41 = tpu.memref_slice %arg10[%dma_wait3A, %dma_wait3A_40] : memref<10000x128xf32, #tpu.memory_space<vmem_shared>> -> memref<10000x128xf32, #tpu.memory_space<vmem_shared>>
          tpu.wait_indirect_dma semaphore(%run_scoped3A : memref<!tpu.dma_semaphore, #tpu.memory_space<semaphore_mem>>) src(%arg9 : memref<128x128xf32, #tpu.memory_space<vmem>>) dst(%dma_wait3A_41 : memref<10000x128xf32, #tpu.memory_space<vmem_shared>>)
          tpu.yield
        }) : () -> ()
      }
      %scan3A_32 = arith.constant 80 : i32
    } else {
    }
    %eq3A_12 = arith.constant 1 : i32
    %eq3A_13 = arith.cmpi eq, %arg0, %eq3A_12 : i32
    %convert_element_type3A_14 = arith.extui %eq3A_13 : i1 to i32
    %cond3A_15 = arith.constant 0 : i32
    %cond3A_16 = arith.cmpi ne, %convert_element_type3A_14, %cond3A_15 : i32
    scf.if %cond3A_16 {
      %scan3A = arith.constant 0 : i32
      %scan3A_28 = arith.constant 0 : i32
      %scan3A_29 = arith.constant 80 : i32
      %scan3A_30 = arith.addi %scan3A_28, %scan3A_29 : i32
      %scan3A_31 = arith.constant 1 : i32
      scf.for %scan3A_33 = %scan3A_28 to %scan3A_30 step %scan3A_31  : i32 {
        %mul3A_34 = arith.constant 80 : i32
        %mul3A_35 = arith.muli %arg1, %mul3A_34 : i32
        %add3A = arith.addi %mul3A_35, %scan3A_33 : i32
        %mul3A_36 = arith.constant 128 : i32
        %mul3A_37 = arith.muli %add3A, %mul3A_36 : i32
        "tpu.region"() ({
          %run_scoped3A = tpu.sem_alloc : memref<!tpu.dma_semaphore, #tpu.memory_space<semaphore_mem>>
          %dma_start3A = tpu.memref_slice %arg4[%mul3A_37] : memref<163840xi32, #tpu.memory_space<hbm>> -> memref<128xi32, #tpu.memory_space<hbm>>
          %dma_start3A_38 = tpu.memref_slice %arg4[%mul3A_37] : memref<163840xi32, #tpu.memory_space<hbm>> -> memref<128xi32, #tpu.memory_space<hbm>>
          tpu.enqueue_dma source(%dma_start3A_38 : memref<128xi32, #tpu.memory_space<hbm>>) target(%arg8 : memref<128xi32, #tpu.memory_space<vmem>>) target_semaphore(%run_scoped3A : memref<!tpu.dma_semaphore, #tpu.memory_space<semaphore_mem>>)
          %dma_wait3A = tpu.memref_slice %arg4[%mul3A_37] : memref<163840xi32, #tpu.memory_space<hbm>> -> memref<128xi32, #tpu.memory_space<hbm>>
          %dma_wait3A_39 = tpu.memref_slice %arg4[%mul3A_37] : memref<163840xi32, #tpu.memory_space<hbm>> -> memref<128xi32, #tpu.memory_space<hbm>>
          tpu.wait_dma2 semaphore(%run_scoped3A : memref<!tpu.dma_semaphore, #tpu.memory_space<semaphore_mem>>) src(%dma_wait3A_39 : memref<128xi32, #tpu.memory_space<hbm>>) dst(%arg8 : memref<128xi32, #tpu.memory_space<vmem>>)
          tpu.yield
        }) : () -> ()
        "tpu.region"() ({
          %run_scoped3A = tpu.sem_alloc : memref<!tpu.dma_semaphore, #tpu.memory_space<semaphore_mem>>
          %dma_start3A = arith.constant 0 : i32
          %dma_start3A_38 = tpu.memref_slice %arg3[%mul3A_37, %dma_start3A] : memref<163840x128xf32, #tpu.memory_space<hbm>> -> memref<128x128xf32, #tpu.memory_space<hbm>>
          %dma_start3A_39 = arith.constant 0 : i32
          %dma_start3A_40 = tpu.memref_slice %arg3[%mul3A_37, %dma_start3A_39] : memref<163840x128xf32, #tpu.memory_space<hbm>> -> memref<128x128xf32, #tpu.memory_space<hbm>>
          tpu.enqueue_dma source(%dma_start3A_40 : memref<128x128xf32, #tpu.memory_space<hbm>>) target(%arg9 : memref<128x128xf32, #tpu.memory_space<vmem>>) target_semaphore(%run_scoped3A : memref<!tpu.dma_semaphore, #tpu.memory_space<semaphore_mem>>)
          %dma_wait3A = arith.constant 0 : i32
          %dma_wait3A_41 = tpu.memref_slice %arg3[%mul3A_37, %dma_wait3A] : memref<163840x128xf32, #tpu.memory_space<hbm>> -> memref<128x128xf32, #tpu.memory_space<hbm>>
          %dma_wait3A_42 = arith.constant 0 : i32
          %dma_wait3A_43 = tpu.memref_slice %arg3[%mul3A_37, %dma_wait3A_42] : memref<163840x128xf32, #tpu.memory_space<hbm>> -> memref<128x128xf32, #tpu.memory_space<hbm>>
          tpu.wait_dma2 semaphore(%run_scoped3A : memref<!tpu.dma_semaphore, #tpu.memory_space<semaphore_mem>>) src(%dma_wait3A_43 : memref<128x128xf32, #tpu.memory_space<hbm>>) dst(%arg9 : memref<128x128xf32, #tpu.memory_space<vmem>>)
          tpu.yield
        }) : () -> ()
        "tpu.region"() ({
          %run_scoped3A = tpu.sem_alloc : memref<!tpu.dma_semaphore, #tpu.memory_space<semaphore_mem>>
          %dma_start3A = arith.constant 0 : i32
          %dma_start3A_38 = arith.constant 0 : i32
          %dma_start3A_39 = tpu.memref_slice %arg10[%dma_start3A, %dma_start3A_38] : memref<10000x128xf32, #tpu.memory_space<vmem_shared>> -> memref<10000x128xf32, #tpu.memory_space<vmem_shared>>
          tpu.enqueue_indirect_dma source(%arg9 : memref<128x128xf32, #tpu.memory_space<vmem>>) target(%dma_start3A_39 : memref<10000x128xf32, #tpu.memory_space<vmem_shared>>) offsets(%arg8 : memref<128xi32, #tpu.memory_space<vmem>>) semaphore(%run_scoped3A : memref<!tpu.dma_semaphore, #tpu.memory_space<semaphore_mem>>) {add = true}
          %dma_wait3A = arith.constant 0 : i32
          %dma_wait3A_40 = arith.constant 0 : i32
          %dma_wait3A_41 = tpu.memref_slice %arg10[%dma_wait3A, %dma_wait3A_40] : memref<10000x128xf32, #tpu.memory_space<vmem_shared>> -> memref<10000x128xf32, #tpu.memory_space<vmem_shared>>
          tpu.wait_indirect_dma semaphore(%run_scoped3A : memref<!tpu.dma_semaphore, #tpu.memory_space<semaphore_mem>>) src(%arg9 : memref<128x128xf32, #tpu.memory_space<vmem>>) dst(%dma_wait3A_41 : memref<10000x128xf32, #tpu.memory_space<vmem_shared>>)
          tpu.yield
        }) : () -> ()
      }
      %scan3A_32 = arith.constant 80 : i32
    } else {
    }
    %barrier3A_17 = arith.constant 0 : index
    tpu.barrier barrier_id(%barrier3A_17)
    %lt3A_18 = arith.constant 15 : i32
    %lt3A_19 = arith.cmpi slt, %arg1, %lt3A_18 : i32
    %convert_element_type3A_20 = arith.extui %lt3A_19 : i1 to i32
    %cond3A_21 = arith.constant 0 : i32
    %cond3A_22 = arith.cmpi ne, %convert_element_type3A_20, %cond3A_21 : i32
    scf.if %cond3A_22 {
      %eq3A_28 = arith.constant 0 : i32
      %eq3A_29 = arith.cmpi eq, %arg0, %eq3A_28 : i32
      %convert_element_type3A_30 = arith.extui %eq3A_29 : i1 to i32
      %cond3A_31 = arith.constant 0 : i32
      %cond3A_32 = arith.cmpi ne, %convert_element_type3A_30, %cond3A_31 : i32
      scf.if %cond3A_32 {
        "tpu.region"() ({
          %run_scoped3A = tpu.sem_alloc : memref<!tpu.dma_semaphore, #tpu.memory_space<semaphore_mem>>
          %dma_start3A = arith.constant 0 : i32
          %dma_start3A_38 = tpu.memref_slice %arg6[%mul3A_0, %dma_start3A] : memref<10000x128xf32, #tpu.memory_space<hbm>> -> memref<640x128xf32, #tpu.memory_space<hbm>>
          %dma_start3A_39 = arith.constant 0 : i32
          %dma_start3A_40 = tpu.memref_slice %arg10[%mul3A_0, %dma_start3A_39] : memref<10000x128xf32, #tpu.memory_space<vmem_shared>> -> memref<640x128xf32, #tpu.memory_space<vmem_shared>>
          tpu.enqueue_dma source(%dma_start3A_40 : memref<640x128xf32, #tpu.memory_space<vmem_shared>>) target(%dma_start3A_38 : memref<640x128xf32, #tpu.memory_space<hbm>>) target_semaphore(%run_scoped3A : memref<!tpu.dma_semaphore, #tpu.memory_space<semaphore_mem>>)
          %dma_wait3A = arith.constant 0 : i32
          %dma_wait3A_41 = tpu.memref_slice %arg6[%mul3A_0, %dma_wait3A] : memref<10000x128xf32, #tpu.memory_space<hbm>> -> memref<640x128xf32, #tpu.memory_space<hbm>>
          %dma_wait3A_42 = arith.constant 0 : i32
          %dma_wait3A_43 = tpu.memref_slice %arg10[%mul3A_0, %dma_wait3A_42] : memref<10000x128xf32, #tpu.memory_space<vmem_shared>> -> memref<640x128xf32, #tpu.memory_space<vmem_shared>>
          tpu.wait_dma2 semaphore(%run_scoped3A : memref<!tpu.dma_semaphore, #tpu.memory_space<semaphore_mem>>) src(%dma_wait3A_43 : memref<640x128xf32, #tpu.memory_space<vmem_shared>>) dst(%dma_wait3A_41 : memref<640x128xf32, #tpu.memory_space<hbm>>)
          tpu.yield
        }) : () -> ()
      } else {
      }
      %eq3A_33 = arith.constant 1 : i32
      %eq3A_34 = arith.cmpi eq, %arg0, %eq3A_33 : i32
      %convert_element_type3A_35 = arith.extui %eq3A_34 : i1 to i32
      %cond3A_36 = arith.constant 0 : i32
      %cond3A_37 = arith.cmpi ne, %convert_element_type3A_35, %cond3A_36 : i32
      scf.if %cond3A_37 {
        "tpu.region"() ({
          %run_scoped3A = tpu.sem_alloc : memref<!tpu.dma_semaphore, #tpu.memory_space<semaphore_mem>>
          %dma_start3A = arith.constant 0 : i32
          %dma_start3A_38 = tpu.memref_slice %arg7[%mul3A_0, %dma_start3A] : memref<10000x128xf32, #tpu.memory_space<hbm>> -> memref<640x128xf32, #tpu.memory_space<hbm>>
          %dma_start3A_39 = arith.constant 0 : i32
          %dma_start3A_40 = tpu.memref_slice %arg10[%mul3A_0, %dma_start3A_39] : memref<10000x128xf32, #tpu.memory_space<vmem_shared>> -> memref<640x128xf32, #tpu.memory_space<vmem_shared>>
          tpu.enqueue_dma source(%dma_start3A_40 : memref<640x128xf32, #tpu.memory_space<vmem_shared>>) target(%dma_start3A_38 : memref<640x128xf32, #tpu.memory_space<hbm>>) target_semaphore(%run_scoped3A : memref<!tpu.dma_semaphore, #tpu.memory_space<semaphore_mem>>)
          %dma_wait3A = arith.constant 0 : i32
          %dma_wait3A_41 = tpu.memref_slice %arg7[%mul3A_0, %dma_wait3A] : memref<10000x128xf32, #tpu.memory_space<hbm>> -> memref<640x128xf32, #tpu.memory_space<hbm>>
          %dma_wait3A_42 = arith.constant 0 : i32
          %dma_wait3A_43 = tpu.memref_slice %arg10[%mul3A_0, %dma_wait3A_42] : memref<10000x128xf32, #tpu.memory_space<vmem_shared>> -> memref<640x128xf32, #tpu.memory_space<vmem_shared>>
          tpu.wait_dma2 semaphore(%run_scoped3A : memref<!tpu.dma_semaphore, #tpu.memory_space<semaphore_mem>>) src(%dma_wait3A_43 : memref<640x128xf32, #tpu.memory_space<vmem_shared>>) dst(%dma_wait3A_41 : memref<640x128xf32, #tpu.memory_space<hbm>>)
          tpu.yield
        }) : () -> ()
      } else {
      }
    } else {
    }
    %eq3A_23 = arith.constant 15 : i32
    %eq3A_24 = arith.cmpi eq, %arg1, %eq3A_23 : i32
    %convert_element_type3A_25 = arith.extui %eq3A_24 : i1 to i32
    %cond3A_26 = arith.constant 0 : i32
    %cond3A_27 = arith.cmpi ne, %convert_element_type3A_25, %cond3A_26 : i32
    scf.if %cond3A_27 {
      %eq3A_28 = arith.constant 0 : i32
      %eq3A_29 = arith.cmpi eq, %arg0, %eq3A_28 : i32
      %convert_element_type3A_30 = arith.extui %eq3A_29 : i1 to i32
      %cond3A_31 = arith.constant 0 : i32
      %cond3A_32 = arith.cmpi ne, %convert_element_type3A_30, %cond3A_31 : i32
      scf.if %cond3A_32 {
        "tpu.region"() ({
          %run_scoped3A = tpu.sem_alloc : memref<!tpu.dma_semaphore, #tpu.memory_space<semaphore_mem>>
          %dma_start3A = arith.constant 0 : i32
          %dma_start3A_38 = tpu.memref_slice %arg6[%mul3A_0, %dma_start3A] : memref<10000x128xf32, #tpu.memory_space<hbm>> -> memref<400x128xf32, #tpu.memory_space<hbm>>
          %dma_start3A_39 = arith.constant 0 : i32
          %dma_start3A_40 = tpu.memref_slice %arg10[%mul3A_0, %dma_start3A_39] : memref<10000x128xf32, #tpu.memory_space<vmem_shared>> -> memref<400x128xf32, #tpu.memory_space<vmem_shared>>
          tpu.enqueue_dma source(%dma_start3A_40 : memref<400x128xf32, #tpu.memory_space<vmem_shared>>) target(%dma_start3A_38 : memref<400x128xf32, #tpu.memory_space<hbm>>) target_semaphore(%run_scoped3A : memref<!tpu.dma_semaphore, #tpu.memory_space<semaphore_mem>>)
          %dma_wait3A = arith.constant 0 : i32
          %dma_wait3A_41 = tpu.memref_slice %arg6[%mul3A_0, %dma_wait3A] : memref<10000x128xf32, #tpu.memory_space<hbm>> -> memref<400x128xf32, #tpu.memory_space<hbm>>
          %dma_wait3A_42 = arith.constant 0 : i32
          %dma_wait3A_43 = tpu.memref_slice %arg10[%mul3A_0, %dma_wait3A_42] : memref<10000x128xf32, #tpu.memory_space<vmem_shared>> -> memref<400x128xf32, #tpu.memory_space<vmem_shared>>
          tpu.wait_dma2 semaphore(%run_scoped3A : memref<!tpu.dma_semaphore, #tpu.memory_space<semaphore_mem>>) src(%dma_wait3A_43 : memref<400x128xf32, #tpu.memory_space<vmem_shared>>) dst(%dma_wait3A_41 : memref<400x128xf32, #tpu.memory_space<hbm>>)
          tpu.yield
        }) : () -> ()
      } else {
      }
      %eq3A_33 = arith.constant 1 : i32
      %eq3A_34 = arith.cmpi eq, %arg0, %eq3A_33 : i32
      %convert_element_type3A_35 = arith.extui %eq3A_34 : i1 to i32
      %cond3A_36 = arith.constant 0 : i32
      %cond3A_37 = arith.cmpi ne, %convert_element_type3A_35, %cond3A_36 : i32
      scf.if %cond3A_37 {
        "tpu.region"() ({
          %run_scoped3A = tpu.sem_alloc : memref<!tpu.dma_semaphore, #tpu.memory_space<semaphore_mem>>
          %dma_start3A = arith.constant 0 : i32
          %dma_start3A_38 = tpu.memref_slice %arg7[%mul3A_0, %dma_start3A] : memref<10000x128xf32, #tpu.memory_space<hbm>> -> memref<400x128xf32, #tpu.memory_space<hbm>>
          %dma_start3A_39 = arith.constant 0 : i32
          %dma_start3A_40 = tpu.memref_slice %arg10[%mul3A_0, %dma_start3A_39] : memref<10000x128xf32, #tpu.memory_space<vmem_shared>> -> memref<400x128xf32, #tpu.memory_space<vmem_shared>>
          tpu.enqueue_dma source(%dma_start3A_40 : memref<400x128xf32, #tpu.memory_space<vmem_shared>>) target(%dma_start3A_38 : memref<400x128xf32, #tpu.memory_space<hbm>>) target_semaphore(%run_scoped3A : memref<!tpu.dma_semaphore, #tpu.memory_space<semaphore_mem>>)
          %dma_wait3A = arith.constant 0 : i32
          %dma_wait3A_41 = tpu.memref_slice %arg7[%mul3A_0, %dma_wait3A] : memref<10000x128xf32, #tpu.memory_space<hbm>> -> memref<400x128xf32, #tpu.memory_space<hbm>>
          %dma_wait3A_42 = arith.constant 0 : i32
          %dma_wait3A_43 = tpu.memref_slice %arg10[%mul3A_0, %dma_wait3A_42] : memref<10000x128xf32, #tpu.memory_space<vmem_shared>> -> memref<400x128xf32, #tpu.memory_space<vmem_shared>>
          tpu.wait_dma2 semaphore(%run_scoped3A : memref<!tpu.dma_semaphore, #tpu.memory_space<semaphore_mem>>) src(%dma_wait3A_43 : memref<400x128xf32, #tpu.memory_space<vmem_shared>>) dst(%dma_wait3A_41 : memref<400x128xf32, #tpu.memory_space<hbm>>)
          tpu.yield
        }) : () -> ()
      } else {
      }
    } else {
    }
    return
  }
}

module attributes {stable_mosaic.version = 14 : i64} {
  func.func @_prec_body(%arg0: i32, %arg1: memref<1000x256xf32, #tpu.memory_space<vmem>>, %arg2: memref<1000x16xf32, #tpu.memory_space<vmem>>, %arg3: memref<256x768xf32, #tpu.memory_space<vmem>>, %arg4: memref<16x64xf32, #tpu.memory_space<vmem>>, %arg5: memref<64x256xf32, #tpu.memory_space<vmem>>, %arg6: memref<8x16xf32, #tpu.memory_space<vmem>>, %arg7: memref<16x256xf32, #tpu.memory_space<vmem>>, %arg8: memref<4x16xf32, #tpu.memory_space<vmem>>, %arg9: memref<16x256xf32, #tpu.memory_space<vmem>>, %arg10: memref<64x256xf32, #tpu.memory_space<vmem>>, %arg11: memref<1x256xf32, #tpu.memory_space<vmem>>, %arg12: memref<1x256xf32, #tpu.memory_space<vmem>>, %arg13: memref<1000x512xf32, #tpu.memory_space<vmem>>, %arg14: memref<1000x256xf32, #tpu.memory_space<vmem>>, %arg15: memref<32x256xf32, #tpu.memory_space<vmem>>) attributes {dimension_semantics = [#tpu.dimension_semantics<arbitrary>], iteration_bounds = array<i64: 10>, scalar_prefetch = 0 : i64, scratch_operands = 0 : i64, tpu.core_type = #tpu.core_type<tc>, window_params = [{transform_indices = @transform_0, window_bounds = array<i64: 1000, 256>}, {transform_indices = @transform_1, window_bounds = array<i64: 1000, 16>}, {pipeline_mode = #tpu.pipeline_mode<synchronous>, transform_indices = @transform_2, window_bounds = array<i64: 256, 768>}, {pipeline_mode = #tpu.pipeline_mode<synchronous>, transform_indices = @transform_3, window_bounds = array<i64: 16, 64>}, {pipeline_mode = #tpu.pipeline_mode<synchronous>, transform_indices = @transform_4, window_bounds = array<i64: 64, 256>}, {pipeline_mode = #tpu.pipeline_mode<synchronous>, transform_indices = @transform_5, window_bounds = array<i64: 8, 16>}, {pipeline_mode = #tpu.pipeline_mode<synchronous>, transform_indices = @transform_6, window_bounds = array<i64: 16, 256>}, {pipeline_mode = #tpu.pipeline_mode<synchronous>, transform_indices = @transform_7, window_bounds = array<i64: 4, 16>}, {pipeline_mode = #tpu.pipeline_mode<synchronous>, transform_indices = @transform_8, window_bounds = array<i64: 16, 256>}, {pipeline_mode = #tpu.pipeline_mode<synchronous>, transform_indices = @transform_9, window_bounds = array<i64: 64, 256>}, {pipeline_mode = #tpu.pipeline_mode<synchronous>, transform_indices = @transform_10, window_bounds = array<i64: 1, 256>}, {pipeline_mode = #tpu.pipeline_mode<synchronous>, transform_indices = @transform_11, window_bounds = array<i64: 1, 256>}, {transform_indices = @transform_12, window_bounds = array<i64: 1000, 512>}, {transform_indices = @transform_13, window_bounds = array<i64: 1000, 256>}, {pipeline_mode = #tpu.pipeline_mode<synchronous>, transform_indices = @transform_14, window_bounds = array<i64: 32, 256>}]} {
    %get3A = arith.constant 0 : index
    %get3A_0 = arith.constant 0 : index
    %get3A_1 = vector.load %arg1[%get3A, %get3A_0] : memref<1000x256xf32, #tpu.memory_space<vmem>>, vector<1000x256xf32>
    %get3A_2 = arith.constant 0 : index
    %get3A_3 = arith.constant 0 : index
    %get3A_4 = vector.load %arg3[%get3A_2, %get3A_3] : memref<256x768xf32, #tpu.memory_space<vmem>>, vector<256x768xf32>
    %dot_general3A = arith.constant dense<0.000000e+00> : vector<1000x768xf32>
    %dot_general3A_5 = tpu.matmul %get3A_1, %get3A_4, %dot_general3A {dimension_numbers = #tpu.dot_dimension_numbers<[1], [0], [0], [1], [0, 0, 1, 1], [], []>, transpose_lhs_hint = false} : vector<1000x256xf32>, vector<256x768xf32>, vector<1000x768xf32> -> vector<1000x768xf32>
    %get3A_6 = arith.constant 0 : index
    %get3A_7 = arith.constant 0 : index
    %get3A_8 = vector.load %arg4[%get3A_6, %get3A_7] : memref<16x64xf32, #tpu.memory_space<vmem>>, vector<16x64xf32>
    %get3A_9 = arith.constant 0 : index
    %get3A_10 = arith.constant 0 : index
    %get3A_11 = vector.load %arg5[%get3A_9, %get3A_10] : memref<64x256xf32, #tpu.memory_space<vmem>>, vector<64x256xf32>
    %dot_general3A_12 = arith.constant dense<0.000000e+00> : vector<16x256xf32>
    %dot_general3A_13 = tpu.matmul %get3A_8, %get3A_11, %dot_general3A_12 {dimension_numbers = #tpu.dot_dimension_numbers<[1], [0], [0], [1], [0, 0, 1, 1], [], []>, transpose_lhs_hint = false} : vector<16x64xf32>, vector<64x256xf32>, vector<16x256xf32> -> vector<16x256xf32>
    %slice3A = vector.extract_strided_slice %dot_general3A_5 {offsets = [0, 0], sizes = [1000, 256], strides = [1, 1]} : vector<1000x768xf32> to vector<1000x256xf32>
    %get3A_14 = arith.constant 0 : index
    %get3A_15 = arith.constant 0 : index
    %get3A_16 = vector.load %arg2[%get3A_14, %get3A_15] : memref<1000x16xf32, #tpu.memory_space<vmem>>, vector<1000x16xf32>
    %dot_general3A_17 = arith.constant dense<0.000000e+00> : vector<1000x256xf32>
    %dot_general3A_18 = tpu.matmul %get3A_16, %dot_general3A_13, %dot_general3A_17 {dimension_numbers = #tpu.dot_dimension_numbers<[1], [0], [0], [1], [0, 0, 1, 1], [], []>, transpose_lhs_hint = false} : vector<1000x16xf32>, vector<16x256xf32>, vector<1000x256xf32> -> vector<1000x256xf32>
    %add3A = arith.addf %slice3A, %dot_general3A_18 : vector<1000x256xf32>
    %get3A_19 = arith.constant 0 : index
    %get3A_20 = arith.constant 0 : index
    %get3A_21 = vector.load %arg11[%get3A_19, %get3A_20] : memref<1x256xf32, #tpu.memory_space<vmem>>, vector<1x256xf32>
    %add3A_22 = vector.broadcast %get3A_21 : vector<1x256xf32> to vector<1000x256xf32>
    %add3A_23 = arith.addf %add3A, %add3A_22 : vector<1000x256xf32>
    %slice3A_24 = vector.extract_strided_slice %dot_general3A_5 {offsets = [0, 256], sizes = [1000, 256], strides = [1, 1]} : vector<1000x768xf32> to vector<1000x256xf32>
    %get3A_25 = arith.constant 0 : index
    %get3A_26 = arith.constant 0 : index
    %get3A_27 = vector.load %arg12[%get3A_25, %get3A_26] : memref<1x256xf32, #tpu.memory_space<vmem>>, vector<1x256xf32>
    %add3A_28 = vector.broadcast %get3A_27 : vector<1x256xf32> to vector<1000x256xf32>
    %add3A_29 = arith.addf %slice3A_24, %add3A_28 : vector<1000x256xf32>
    %concatenate3A = tpu.concatenate %add3A_23, %add3A_29 in 1 : vector<1000x256xf32>, vector<1000x256xf32> -> vector<1000x512xf32>
    %swap3A = arith.constant 0 : index
    %swap3A_30 = arith.constant 0 : index
    %swap3A_31 = vector.load %arg13[%swap3A, %swap3A_30] : memref<1000x512xf32, #tpu.memory_space<vmem>>, vector<1000x512xf32>
    tpu.vector_store %arg13[%swap3A, %swap3A_30], %concatenate3A {strides = array<i32>} : memref<1000x512xf32, #tpu.memory_space<vmem>>, vector<1000x512xf32>,
    %slice3A_32 = vector.extract_strided_slice %dot_general3A_5 {offsets = [0, 512], sizes = [1000, 256], strides = [1, 1]} : vector<1000x768xf32> to vector<1000x256xf32>
    %swap3A_33 = arith.constant 0 : index
    %swap3A_34 = arith.constant 0 : index
    %swap3A_35 = vector.load %arg14[%swap3A_33, %swap3A_34] : memref<1000x256xf32, #tpu.memory_space<vmem>>, vector<1000x256xf32>
    tpu.vector_store %arg14[%swap3A_33, %swap3A_34], %slice3A_32 {strides = array<i32>} : memref<1000x256xf32, #tpu.memory_space<vmem>>, vector<1000x256xf32>,
    %eq3A = arith.constant 0 : i32
    %eq3A_36 = arith.cmpi eq, %arg0, %eq3A : i32
    %convert_element_type3A = arith.extui %eq3A_36 : i1 to i32
    %cond3A = arith.constant 0 : i32
    %cond3A_37 = arith.cmpi ne, %convert_element_type3A, %cond3A : i32
    scf.if %cond3A_37 {
      %get3A_38 = arith.constant 0 : index
      %get3A_39 = arith.constant 0 : index
      %get3A_40 = vector.load %arg6[%get3A_38, %get3A_39] : memref<8x16xf32, #tpu.memory_space<vmem>>, vector<8x16xf32>
      %get3A_41 = arith.constant 0 : index
      %get3A_42 = arith.constant 0 : index
      %get3A_43 = vector.load %arg7[%get3A_41, %get3A_42] : memref<16x256xf32, #tpu.memory_space<vmem>>, vector<16x256xf32>
      %dot_general3A_44 = arith.constant dense<0.000000e+00> : vector<8x256xf32>
      %dot_general3A_45 = tpu.matmul %get3A_40, %get3A_43, %dot_general3A_44 {dimension_numbers = #tpu.dot_dimension_numbers<[1], [0], [0], [1], [0, 0, 1, 1], [], []>, transpose_lhs_hint = false} : vector<8x16xf32>, vector<16x256xf32>, vector<8x256xf32> -> vector<8x256xf32>
      %get3A_46 = arith.constant 0 : index
      %get3A_47 = arith.constant 0 : index
      %get3A_48 = vector.load %arg8[%get3A_46, %get3A_47] : memref<4x16xf32, #tpu.memory_space<vmem>>, vector<4x16xf32>
      %get3A_49 = arith.constant 0 : index
      %get3A_50 = arith.constant 0 : index
      %get3A_51 = vector.load %arg9[%get3A_49, %get3A_50] : memref<16x256xf32, #tpu.memory_space<vmem>>, vector<16x256xf32>
      %dot_general3A_52 = arith.constant dense<0.000000e+00> : vector<4x256xf32>
      %dot_general3A_53 = tpu.matmul %get3A_48, %get3A_51, %dot_general3A_52 {dimension_numbers = #tpu.dot_dimension_numbers<[1], [0], [0], [1], [0, 0, 1, 1], [], []>, transpose_lhs_hint = false} : vector<4x16xf32>, vector<16x256xf32>, vector<4x256xf32> -> vector<4x256xf32>
      %get3A_54 = arith.constant 0 : index
      %get3A_55 = arith.constant 0 : index
      %get3A_56 = vector.load %arg4[%get3A_54, %get3A_55] : memref<16x64xf32, #tpu.memory_space<vmem>>, vector<16x64xf32>
      %get3A_57 = arith.constant 0 : index
      %get3A_58 = arith.constant 0 : index
      %get3A_59 = vector.load %arg10[%get3A_57, %get3A_58] : memref<64x256xf32, #tpu.memory_space<vmem>>, vector<64x256xf32>
      %dot_general3A_60 = arith.constant dense<0.000000e+00> : vector<16x256xf32>
      %dot_general3A_61 = tpu.matmul %get3A_56, %get3A_59, %dot_general3A_60 {dimension_numbers = #tpu.dot_dimension_numbers<[1], [0], [0], [1], [0, 0, 1, 1], [], []>, transpose_lhs_hint = false} : vector<16x64xf32>, vector<64x256xf32>, vector<16x256xf32> -> vector<16x256xf32>
      %broadcast_in_dim3A = arith.constant 0.000000e+00 : f32
      %broadcast_in_dim3A_62 = vector.broadcast %broadcast_in_dim3A : f32 to vector<4x256xf32>
      %concatenate3A_63 = tpu.concatenate %dot_general3A_45, %dot_general3A_53, %broadcast_in_dim3A_62, %dot_general3A_61 in 0 : vector<8x256xf32>, vector<4x256xf32>, vector<4x256xf32>, vector<16x256xf32> -> vector<32x256xf32>
      %swap3A_64 = arith.constant 0 : index
      %swap3A_65 = arith.constant 0 : index
      %swap3A_66 = vector.load %arg15[%swap3A_64, %swap3A_65] : memref<32x256xf32, #tpu.memory_space<vmem>>, vector<32x256xf32>
      tpu.vector_store %arg15[%swap3A_64, %swap3A_65], %concatenate3A_63 {strides = array<i32>} : memref<32x256xf32, #tpu.memory_space<vmem>>, vector<32x256xf32>,
    } else {
    }
    return
  }
  func.func @transform_0(%arg0: i32) -> (i32, i32) {
    %c0_i32 = arith.constant 0 : i32
    %c0_i32_0 = arith.constant 0 : i32
    return %arg0, %c0_i32 : i32, i32
  }
  func.func @transform_1(%arg0: i32) -> (i32, i32) {
    %c0_i32 = arith.constant 0 : i32
    %c0_i32_0 = arith.constant 0 : i32
    return %arg0, %c0_i32 : i32, i32
  }
  func.func @transform_2(%arg0: i32) -> (i32, i32) {
    %c0_i32 = arith.constant 0 : i32
    %c0_i32_0 = arith.constant 0 : i32
    %c0_i32_1 = arith.constant 0 : i32
    return %c0_i32, %c0_i32_0 : i32, i32
  }
  func.func @transform_3(%arg0: i32) -> (i32, i32) {
    %c0_i32 = arith.constant 0 : i32
    %c0_i32_0 = arith.constant 0 : i32
    %c0_i32_1 = arith.constant 0 : i32
    return %c0_i32, %c0_i32_0 : i32, i32
  }
  func.func @transform_4(%arg0: i32) -> (i32, i32) {
    %c0_i32 = arith.constant 0 : i32
    %c0_i32_0 = arith.constant 0 : i32
    %c0_i32_1 = arith.constant 0 : i32
    return %c0_i32, %c0_i32_0 : i32, i32
  }
  func.func @transform_5(%arg0: i32) -> (i32, i32) {
    %c0_i32 = arith.constant 0 : i32
    %c0_i32_0 = arith.constant 0 : i32
    %c0_i32_1 = arith.constant 0 : i32
    return %c0_i32, %c0_i32_0 : i32, i32
  }
  func.func @transform_6(%arg0: i32) -> (i32, i32) {
    %c0_i32 = arith.constant 0 : i32
    %c0_i32_0 = arith.constant 0 : i32
    %c0_i32_1 = arith.constant 0 : i32
    return %c0_i32, %c0_i32_0 : i32, i32
  }
  func.func @transform_7(%arg0: i32) -> (i32, i32) {
    %c0_i32 = arith.constant 0 : i32
    %c0_i32_0 = arith.constant 0 : i32
    %c0_i32_1 = arith.constant 0 : i32
    return %c0_i32, %c0_i32_0 : i32, i32
  }
  func.func @transform_8(%arg0: i32) -> (i32, i32) {
    %c0_i32 = arith.constant 0 : i32
    %c0_i32_0 = arith.constant 0 : i32
    %c0_i32_1 = arith.constant 0 : i32
    return %c0_i32, %c0_i32_0 : i32, i32
  }
  func.func @transform_9(%arg0: i32) -> (i32, i32) {
    %c0_i32 = arith.constant 0 : i32
    %c0_i32_0 = arith.constant 0 : i32
    %c0_i32_1 = arith.constant 0 : i32
    return %c0_i32, %c0_i32_0 : i32, i32
  }
  func.func @transform_10(%arg0: i32) -> (i32, i32) {
    %c0_i32 = arith.constant 0 : i32
    %c0_i32_0 = arith.constant 0 : i32
    %c0_i32_1 = arith.constant 0 : i32
    return %c0_i32, %c0_i32_0 : i32, i32
  }
  func.func @transform_11(%arg0: i32) -> (i32, i32) {
    %c0_i32 = arith.constant 0 : i32
    %c0_i32_0 = arith.constant 0 : i32
    %c0_i32_1 = arith.constant 0 : i32
    return %c0_i32, %c0_i32_0 : i32, i32
  }
  func.func @transform_12(%arg0: i32) -> (i32, i32) {
    %c0_i32 = arith.constant 0 : i32
    %c0_i32_0 = arith.constant 0 : i32
    return %arg0, %c0_i32 : i32, i32
  }
  func.func @transform_13(%arg0: i32) -> (i32, i32) {
    %c0_i32 = arith.constant 0 : i32
    %c0_i32_0 = arith.constant 0 : i32
    return %arg0, %c0_i32 : i32, i32
  }
  func.func @transform_14(%arg0: i32) -> (i32, i32) {
    %c0_i32 = arith.constant 0 : i32
    %c0_i32_0 = arith.constant 0 : i32
    %c0_i32_1 = arith.constant 0 : i32
    return %c0_i32, %c0_i32_0 : i32, i32
  }
}

module attributes {stable_mosaic.version = 14 : i64} {
  func.func @_edge_body(%arg0: i32, %arg1: memref<1024x512xf32, #tpu.memory_space<vmem>>, %arg2: memref<1024x256xf32, #tpu.memory_space<vmem>>, %arg3: memref<1024x8xf32, #tpu.memory_space<vmem>>, %arg4: memref<1024x16xf32, #tpu.memory_space<vmem>>, %arg5: memref<32x256xf32, #tpu.memory_space<vmem>>, %arg6: memref<16x256xf32, #tpu.memory_space<vmem>>, %arg7: memref<256x16xf32, #tpu.memory_space<vmem>>, %arg8: memref<1x16xf32, #tpu.memory_space<vmem>>, %arg9: memref<16x256xf32, #tpu.memory_space<vmem>>, %arg10: memref<1024x16xf32, #tpu.memory_space<vmem>>, %arg11: memref<1024x128xf32, #tpu.memory_space<vmem>>, %arg12: memref<1024x128xf32, #tpu.memory_space<vmem>>) attributes {dimension_semantics = [#tpu.dimension_semantics<arbitrary>], iteration_bounds = array<i64: 160>, scalar_prefetch = 0 : i64, scratch_operands = 0 : i64, tpu.core_type = #tpu.core_type<tc>, window_params = [{transform_indices = @transform_0, window_bounds = array<i64: 1024, 512>}, {transform_indices = @transform_1, window_bounds = array<i64: 1024, 256>}, {transform_indices = @transform_2, window_bounds = array<i64: 1024, 8>}, {transform_indices = @transform_3, window_bounds = array<i64: 1024, 16>}, {pipeline_mode = #tpu.pipeline_mode<synchronous>, transform_indices = @transform_4, window_bounds = array<i64: 32, 256>}, {pipeline_mode = #tpu.pipeline_mode<synchronous>, transform_indices = @transform_5, window_bounds = array<i64: 16, 256>}, {pipeline_mode = #tpu.pipeline_mode<synchronous>, transform_indices = @transform_6, window_bounds = array<i64: 256, 16>}, {pipeline_mode = #tpu.pipeline_mode<synchronous>, transform_indices = @transform_7, window_bounds = array<i64: 1, 16>}, {pipeline_mode = #tpu.pipeline_mode<synchronous>, transform_indices = @transform_8, window_bounds = array<i64: 16, 256>}, {transform_indices = @transform_9, window_bounds = array<i64: 1024, 16>}, {transform_indices = @transform_10, window_bounds = array<i64: 1024, 128>}, {transform_indices = @transform_11, window_bounds = array<i64: 1024, 128>}]} {
    %get3A = arith.constant 0 : index
    %get3A_0 = arith.constant 0 : index
    %get3A_1 = vector.load %arg1[%get3A, %get3A_0] : memref<1024x512xf32, #tpu.memory_space<vmem>>, vector<1024x512xf32>
    %slice3A = vector.extract_strided_slice %get3A_1 {offsets = [0, 0], sizes = [1024, 256], strides = [1, 1]} : vector<1024x512xf32> to vector<1024x256xf32>
    %get3A_2 = arith.constant 0 : index
    %get3A_3 = arith.constant 0 : index
    %get3A_4 = vector.load %arg2[%get3A_2, %get3A_3] : memref<1024x256xf32, #tpu.memory_space<vmem>>, vector<1024x256xf32>
    %add3A = arith.addf %slice3A, %get3A_4 : vector<1024x256xf32>
    %get3A_5 = arith.constant 0 : index
    %get3A_6 = arith.constant 0 : index
    %get3A_7 = vector.load %arg4[%get3A_5, %get3A_6] : memref<1024x16xf32, #tpu.memory_space<vmem>>, vector<1024x16xf32>
    %get3A_8 = arith.constant 0 : index
    %get3A_9 = arith.constant 0 : index
    %get3A_10 = vector.load %arg6[%get3A_8, %get3A_9] : memref<16x256xf32, #tpu.memory_space<vmem>>, vector<16x256xf32>
    %dot_general3A = arith.constant dense<0.000000e+00> : vector<1024x256xf32>
    %dot_general3A_11 = tpu.matmul %get3A_7, %get3A_10, %dot_general3A {dimension_numbers = #tpu.dot_dimension_numbers<[1], [0], [0], [1], [0, 0, 1, 1], [], []>, transpose_lhs_hint = false} : vector<1024x16xf32>, vector<16x256xf32>, vector<1024x256xf32> -> vector<1024x256xf32>
    %add3A_12 = arith.addf %add3A, %dot_general3A_11 : vector<1024x256xf32>
    %get3A_13 = arith.constant 0 : index
    %get3A_14 = arith.constant 0 : index
    %get3A_15 = vector.load %arg3[%get3A_13, %get3A_14] : memref<1024x8xf32, #tpu.memory_space<vmem>>, vector<1024x8xf32>
    %get3A_16 = arith.constant 0 : index
    %get3A_17 = arith.constant 0 : index
    %get3A_18 = vector.load %arg5[%get3A_16, %get3A_17] : memref<32x256xf32, #tpu.memory_space<vmem>>, vector<8x256xf32>
    %dot_general3A_19 = arith.constant dense<0.000000e+00> : vector<1024x256xf32>
    %dot_general3A_20 = tpu.matmul %get3A_15, %get3A_18, %dot_general3A_19 {dimension_numbers = #tpu.dot_dimension_numbers<[1], [0], [0], [1], [0, 0, 1, 1], [], []>, transpose_lhs_hint = false} : vector<1024x8xf32>, vector<8x256xf32>, vector<1024x256xf32> -> vector<1024x256xf32>
    %add3A_21 = arith.addf %add3A_12, %dot_general3A_20 : vector<1024x256xf32>
    %max3A = arith.constant 0.000000e+00 : f32
    %max3A_22 = vector.broadcast %max3A : f32 to vector<1024x256xf32>
    %max3A_23 = arith.maximumf %add3A_21, %max3A_22 : vector<1024x256xf32>
    %get3A_24 = arith.constant 0 : index
    %get3A_25 = arith.constant 0 : index
    %get3A_26 = vector.load %arg7[%get3A_24, %get3A_25] : memref<256x16xf32, #tpu.memory_space<vmem>>, vector<256x16xf32>
    %dot_general3A_27 = arith.constant dense<0.000000e+00> : vector<1024x16xf32>
    %dot_general3A_28 = tpu.matmul %max3A_23, %get3A_26, %dot_general3A_27 {dimension_numbers = #tpu.dot_dimension_numbers<[1], [0], [0], [1], [0, 0, 1, 1], [], []>, transpose_lhs_hint = false} : vector<1024x256xf32>, vector<256x16xf32>, vector<1024x16xf32> -> vector<1024x16xf32>
    %get3A_29 = arith.constant 0 : index
    %get3A_30 = arith.constant 0 : index
    %get3A_31 = vector.load %arg8[%get3A_29, %get3A_30] : memref<1x16xf32, #tpu.memory_space<vmem>>, vector<1x16xf32>
    %add3A_32 = vector.broadcast %get3A_31 : vector<1x16xf32> to vector<1024x16xf32>
    %add3A_33 = arith.addf %dot_general3A_28, %add3A_32 : vector<1024x16xf32>
    %swap3A = arith.constant 0 : index
    %swap3A_34 = arith.constant 0 : index
    %swap3A_35 = vector.load %arg10[%swap3A, %swap3A_34] : memref<1024x16xf32, #tpu.memory_space<vmem>>, vector<1024x16xf32>
    tpu.vector_store %arg10[%swap3A, %swap3A_34], %add3A_33 {strides = array<i32>} : memref<1024x16xf32, #tpu.memory_space<vmem>>, vector<1024x16xf32>,
    %slice3A_36 = vector.extract_strided_slice %get3A_1 {offsets = [0, 256], sizes = [1024, 256], strides = [1, 1]} : vector<1024x512xf32> to vector<1024x256xf32>
    %get3A_37 = arith.constant 0 : index
    %get3A_38 = arith.constant 0 : index
    %get3A_39 = vector.load %arg9[%get3A_37, %get3A_38] : memref<16x256xf32, #tpu.memory_space<vmem>>, vector<16x256xf32>
    %dot_general3A_40 = arith.constant dense<0.000000e+00> : vector<1024x256xf32>
    %dot_general3A_41 = tpu.matmul %add3A_33, %get3A_39, %dot_general3A_40 {dimension_numbers = #tpu.dot_dimension_numbers<[1], [0], [0], [1], [0, 0, 1, 1], [], []>, transpose_lhs_hint = false} : vector<1024x16xf32>, vector<16x256xf32>, vector<1024x256xf32> -> vector<1024x256xf32>
    %add3A_42 = arith.addf %slice3A_36, %dot_general3A_41 : vector<1024x256xf32>
    %max3A_43 = arith.constant 0.000000e+00 : f32
    %max3A_44 = vector.broadcast %max3A_43 : f32 to vector<1024x256xf32>
    %max3A_45 = arith.maximumf %add3A_42, %max3A_44 : vector<1024x256xf32>
    %mul3A = arith.constant 1024 : i32
    %mul3A_46 = arith.muli %arg0, %mul3A : i32
    %iota3A = tpu.iota {dimensions = array<i32: 0>} : vector<1024x1xi32>
    %add3A_47 = vector.broadcast %mul3A_46 : i32 to vector<1024x1xi32>
    %add3A_48 = arith.addi %add3A_47, %iota3A : vector<1024x1xi32>
    %lt3A = arith.constant 160000 : i32
    %lt3A_49 = vector.broadcast %lt3A : i32 to vector<1024x1xi32>
    %lt3A_50 = arith.cmpi slt, %add3A_48, %lt3A_49 : vector<1024x1xi32>
    %jit3A = arith.constant 0.000000e+00 : f32
    %broadcast_in_dim3A = vector.shape_cast %lt3A_50 : vector<1024x1xi1> to vector<1024x1xi1>
    %broadcast_in_dim3A_51 = vector.broadcast %broadcast_in_dim3A : vector<1024x1xi1> to vector<1024x256xi1>
    %broadcast_in_dim3A_52 = vector.broadcast %jit3A : f32 to vector<1024x256xf32>
    %select_n3A = arith.select %broadcast_in_dim3A_51, %max3A_45, %broadcast_in_dim3A_52 : vector<1024x256xi1>, vector<1024x256xf32>
    %slice3A_53 = vector.extract_strided_slice %select_n3A {offsets = [0, 0], sizes = [1024, 128], strides = [1, 1]} : vector<1024x256xf32> to vector<1024x128xf32>
    %swap3A_54 = arith.constant 0 : index
    %swap3A_55 = arith.constant 0 : index
    %swap3A_56 = vector.load %arg11[%swap3A_54, %swap3A_55] : memref<1024x128xf32, #tpu.memory_space<vmem>>, vector<1024x128xf32>
    tpu.vector_store %arg11[%swap3A_54, %swap3A_55], %slice3A_53 {strides = array<i32>} : memref<1024x128xf32, #tpu.memory_space<vmem>>, vector<1024x128xf32>,
    %slice3A_57 = vector.extract_strided_slice %select_n3A {offsets = [0, 128], sizes = [1024, 128], strides = [1, 1]} : vector<1024x256xf32> to vector<1024x128xf32>
    %swap3A_58 = arith.constant 0 : index
    %swap3A_59 = arith.constant 0 : index
    %swap3A_60 = vector.load %arg12[%swap3A_58, %swap3A_59] : memref<1024x128xf32, #tpu.memory_space<vmem>>, vector<1024x128xf32>
    tpu.vector_store %arg12[%swap3A_58, %swap3A_59], %slice3A_57 {strides = array<i32>} : memref<1024x128xf32, #tpu.memory_space<vmem>>, vector<1024x128xf32>,
    return
  }
  func.func @transform_0(%arg0: i32) -> (i32, i32) {
    %c0_i32 = arith.constant 0 : i32
    %c0_i32_0 = arith.constant 0 : i32
    return %arg0, %c0_i32 : i32, i32
  }
  func.func @transform_1(%arg0: i32) -> (i32, i32) {
    %c0_i32 = arith.constant 0 : i32
    %c0_i32_0 = arith.constant 0 : i32
    return %arg0, %c0_i32 : i32, i32
  }
  func.func @transform_2(%arg0: i32) -> (i32, i32) {
    %c0_i32 = arith.constant 0 : i32
    %c0_i32_0 = arith.constant 0 : i32
    return %arg0, %c0_i32 : i32, i32
  }
  func.func @transform_3(%arg0: i32) -> (i32, i32) {
    %c0_i32 = arith.constant 0 : i32
    %c0_i32_0 = arith.constant 0 : i32
    return %arg0, %c0_i32 : i32, i32
  }
  func.func @transform_4(%arg0: i32) -> (i32, i32) {
    %c0_i32 = arith.constant 0 : i32
    %c0_i32_0 = arith.constant 0 : i32
    %c0_i32_1 = arith.constant 0 : i32
    return %c0_i32, %c0_i32_0 : i32, i32
  }
  func.func @transform_5(%arg0: i32) -> (i32, i32) {
    %c0_i32 = arith.constant 0 : i32
    %c0_i32_0 = arith.constant 0 : i32
    %c0_i32_1 = arith.constant 0 : i32
    return %c0_i32, %c0_i32_0 : i32, i32
  }
  func.func @transform_6(%arg0: i32) -> (i32, i32) {
    %c0_i32 = arith.constant 0 : i32
    %c0_i32_0 = arith.constant 0 : i32
    %c0_i32_1 = arith.constant 0 : i32
    return %c0_i32, %c0_i32_0 : i32, i32
  }
  func.func @transform_7(%arg0: i32) -> (i32, i32) {
    %c0_i32 = arith.constant 0 : i32
    %c0_i32_0 = arith.constant 0 : i32
    %c0_i32_1 = arith.constant 0 : i32
    return %c0_i32, %c0_i32_0 : i32, i32
  }
  func.func @transform_8(%arg0: i32) -> (i32, i32) {
    %c0_i32 = arith.constant 0 : i32
    %c0_i32_0 = arith.constant 0 : i32
    %c0_i32_1 = arith.constant 0 : i32
    return %c0_i32, %c0_i32_0 : i32, i32
  }
  func.func @transform_9(%arg0: i32) -> (i32, i32) {
    %c0_i32 = arith.constant 0 : i32
    %c0_i32_0 = arith.constant 0 : i32
    return %arg0, %c0_i32 : i32, i32
  }
  func.func @transform_10(%arg0: i32) -> (i32, i32) {
    %c0_i32 = arith.constant 0 : i32
    %c0_i32_0 = arith.constant 0 : i32
    return %arg0, %c0_i32 : i32, i32
  }
  func.func @transform_11(%arg0: i32) -> (i32, i32) {
    %c0_i32 = arith.constant 0 : i32
    %c0_i32_0 = arith.constant 0 : i32
    return %arg0, %c0_i32 : i32, i32
  }
}

module attributes {stable_mosaic.version = 14 : i64} {
  func.func @_node_body(%arg0: i32, %arg1: memref<1000x256xf32, #tpu.memory_space<vmem>>, %arg2: memref<1000x128xf32, #tpu.memory_space<vmem>>, %arg3: memref<1000x128xf32, #tpu.memory_space<vmem>>, %arg4: memref<1000x1xf32, #tpu.memory_space<vmem>>, %arg5: memref<1000x8xf32, #tpu.memory_space<vmem>>, %arg6: memref<1000x16xf32, #tpu.memory_space<vmem>>, %arg7: memref<32x256xf32, #tpu.memory_space<vmem>>, %arg8: memref<256x256xf32, #tpu.memory_space<vmem>>, %arg9: memref<1x256xf32, #tpu.memory_space<vmem>>, %arg10: memref<256x256xf32, #tpu.memory_space<vmem>>, %arg11: memref<256x256xf32, #tpu.memory_space<vmem>>, %arg12: memref<1x256xf32, #tpu.memory_space<vmem>>, %arg13: memref<256x256xf32, #tpu.memory_space<vmem>>, %arg14: memref<1x256xf32, #tpu.memory_space<vmem>>, %arg15: memref<16x64xf32, #tpu.memory_space<vmem>>, %arg16: memref<320x128xf32, #tpu.memory_space<vmem>>, %arg17: memref<1x128xf32, #tpu.memory_space<vmem>>, %arg18: memref<128x64xf32, #tpu.memory_space<vmem>>, %arg19: memref<1x64xf32, #tpu.memory_space<vmem>>, %arg20: memref<1000x256xf32, #tpu.memory_space<vmem>>, %arg21: memref<16x64xf32, #tpu.memory_space<vmem>>, %arg22: memref<16x256xf32, #tpu.memory_space<vmem>>, %arg23: memref<16x1xf32, #tpu.memory_space<vmem>>) attributes {dimension_semantics = [#tpu.dimension_semantics<arbitrary>], iteration_bounds = array<i64: 10>, scalar_prefetch = 0 : i64, scratch_operands = 2 : i64, tpu.core_type = #tpu.core_type<tc>, window_params = [{transform_indices = @transform_0, window_bounds = array<i64: 1000, 256>}, {transform_indices = @transform_1, window_bounds = array<i64: 1000, 128>}, {transform_indices = @transform_2, window_bounds = array<i64: 1000, 128>}, {transform_indices = @transform_3, window_bounds = array<i64: 1000, 1>}, {transform_indices = @transform_4, window_bounds = array<i64: 1000, 8>}, {transform_indices = @transform_5, window_bounds = array<i64: 1000, 16>}, {pipeline_mode = #tpu.pipeline_mode<synchronous>, transform_indices = @transform_6, window_bounds = array<i64: 32, 256>}, {pipeline_mode = #tpu.pipeline_mode<synchronous>, transform_indices = @transform_7, window_bounds = array<i64: 256, 256>}, {pipeline_mode = #tpu.pipeline_mode<synchronous>, transform_indices = @transform_8, window_bounds = array<i64: 1, 256>}, {pipeline_mode = #tpu.pipeline_mode<synchronous>, transform_indices = @transform_9, window_bounds = array<i64: 256, 256>}, {pipeline_mode = #tpu.pipeline_mode<synchronous>, transform_indices = @transform_10, window_bounds = array<i64: 256, 256>}, {pipeline_mode = #tpu.pipeline_mode<synchronous>, transform_indices = @transform_11, window_bounds = array<i64: 1, 256>}, {pipeline_mode = #tpu.pipeline_mode<synchronous>, transform_indices = @transform_12, window_bounds = array<i64: 256, 256>}, {pipeline_mode = #tpu.pipeline_mode<synchronous>, transform_indices = @transform_13, window_bounds = array<i64: 1, 256>}, {pipeline_mode = #tpu.pipeline_mode<synchronous>, transform_indices = @transform_14, window_bounds = array<i64: 16, 64>}, {pipeline_mode = #tpu.pipeline_mode<synchronous>, transform_indices = @transform_15, window_bounds = array<i64: 320, 128>}, {pipeline_mode = #tpu.pipeline_mode<synchronous>, transform_indices = @transform_16, window_bounds = array<i64: 1, 128>}, {pipeline_mode = #tpu.pipeline_mode<synchronous>, transform_indices = @transform_17, window_bounds = array<i64: 128, 64>}, {pipeline_mode = #tpu.pipeline_mode<synchronous>, transform_indices = @transform_18, window_bounds = array<i64: 1, 64>}, {transform_indices = @transform_19, window_bounds = array<i64: 1000, 256>}, {pipeline_mode = #tpu.pipeline_mode<synchronous>, transform_indices = @transform_20, window_bounds = array<i64: 16, 64>}]} {
    %get3A = arith.constant 0 : index
    %get3A_0 = arith.constant 0 : index
    %get3A_1 = vector.load %arg4[%get3A, %get3A_0] : memref<1000x1xf32, #tpu.memory_space<vmem>>, vector<1000x1xf32>
    %get3A_2 = arith.constant 0 : index
    %get3A_3 = arith.constant 0 : index
    %get3A_4 = vector.load %arg8[%get3A_2, %get3A_3] : memref<256x256xf32, #tpu.memory_space<vmem>>, vector<256x256xf32>
    %get3A_5 = arith.constant 0 : index
    %get3A_6 = arith.constant 0 : index
    %get3A_7 = vector.load %arg2[%get3A_5, %get3A_6] : memref<1000x128xf32, #tpu.memory_space<vmem>>, vector<1000x128xf32>
    %slice3A = vector.extract_strided_slice %get3A_4 {offsets = [0, 0], sizes = [128, 256], strides = [1, 1]} : vector<256x256xf32> to vector<128x256xf32>
    %dot_general3A = arith.constant dense<0.000000e+00> : vector<1000x256xf32>
    %dot_general3A_8 = tpu.matmul %get3A_7, %slice3A, %dot_general3A {dimension_numbers = #tpu.dot_dimension_numbers<[1], [0], [0], [1], [0, 0, 1, 1], [], []>, transpose_lhs_hint = false} : vector<1000x128xf32>, vector<128x256xf32>, vector<1000x256xf32> -> vector<1000x256xf32>
    %get3A_9 = arith.constant 0 : index
    %get3A_10 = arith.constant 0 : index
    %get3A_11 = vector.load %arg3[%get3A_9, %get3A_10] : memref<1000x128xf32, #tpu.memory_space<vmem>>, vector<1000x128xf32>
    %slice3A_12 = vector.extract_strided_slice %get3A_4 {offsets = [128, 0], sizes = [128, 256], strides = [1, 1]} : vector<256x256xf32> to vector<128x256xf32>
    %dot_general3A_13 = arith.constant dense<0.000000e+00> : vector<1000x256xf32>
    %dot_general3A_14 = tpu.matmul %get3A_11, %slice3A_12, %dot_general3A_13 {dimension_numbers = #tpu.dot_dimension_numbers<[1], [0], [0], [1], [0, 0, 1, 1], [], []>, transpose_lhs_hint = false} : vector<1000x128xf32>, vector<128x256xf32>, vector<1000x256xf32> -> vector<1000x256xf32>
    %add3A = arith.addf %dot_general3A_8, %dot_general3A_14 : vector<1000x256xf32>
    %get3A_15 = arith.constant 0 : index
    %get3A_16 = arith.constant 0 : index
    %get3A_17 = vector.load %arg9[%get3A_15, %get3A_16] : memref<1x256xf32, #tpu.memory_space<vmem>>, vector<1x256xf32>
    %mul3A = vector.broadcast %get3A_1 : vector<1000x1xf32> to vector<1000x256xf32>
    %mul3A_18 = vector.broadcast %get3A_17 : vector<1x256xf32> to vector<1000x256xf32>
    %mul3A_19 = arith.mulf %mul3A, %mul3A_18 : vector<1000x256xf32>
    %add3A_20 = arith.addf %add3A, %mul3A_19 : vector<1000x256xf32>
    %max3A = arith.constant 1.000000e+00 : f32
    %max3A_21 = vector.broadcast %max3A : f32 to vector<1000x1xf32>
    %max3A_22 = arith.maximumf %get3A_1, %max3A_21 : vector<1000x1xf32>
    %div3A = vector.broadcast %max3A_22 : vector<1000x1xf32> to vector<1000x256xf32>
    %div3A_23 = arith.divf %add3A_20, %div3A : vector<1000x256xf32>
    %get3A_24 = arith.constant 0 : index
    %get3A_25 = arith.constant 0 : index
    %get3A_26 = vector.load %arg7[%get3A_24, %get3A_25] : memref<32x256xf32, #tpu.memory_space<vmem>>, vector<32x256xf32>
    %get3A_27 = arith.constant 0 : index
    %get3A_28 = arith.constant 0 : index
    %get3A_29 = vector.load %arg1[%get3A_27, %get3A_28] : memref<1000x256xf32, #tpu.memory_space<vmem>>, vector<1000x256xf32>
    %get3A_30 = arith.constant 0 : index
    %get3A_31 = arith.constant 0 : index
    %get3A_32 = vector.load %arg10[%get3A_30, %get3A_31] : memref<256x256xf32, #tpu.memory_space<vmem>>, vector<256x256xf32>
    %dot_general3A_33 = arith.constant dense<0.000000e+00> : vector<1000x256xf32>
    %dot_general3A_34 = tpu.matmul %get3A_29, %get3A_32, %dot_general3A_33 {dimension_numbers = #tpu.dot_dimension_numbers<[1], [0], [0], [1], [0, 0, 1, 1], [], []>, transpose_lhs_hint = false} : vector<1000x256xf32>, vector<256x256xf32>, vector<1000x256xf32> -> vector<1000x256xf32>
    %get3A_35 = arith.constant 0 : index
    %get3A_36 = arith.constant 0 : index
    %get3A_37 = vector.load %arg11[%get3A_35, %get3A_36] : memref<256x256xf32, #tpu.memory_space<vmem>>, vector<256x256xf32>
    %dot_general3A_38 = arith.constant dense<0.000000e+00> : vector<1000x256xf32>
    %dot_general3A_39 = tpu.matmul %div3A_23, %get3A_37, %dot_general3A_38 {dimension_numbers = #tpu.dot_dimension_numbers<[1], [0], [0], [1], [0, 0, 1, 1], [], []>, transpose_lhs_hint = false} : vector<1000x256xf32>, vector<256x256xf32>, vector<1000x256xf32> -> vector<1000x256xf32>
    %add3A_40 = arith.addf %dot_general3A_34, %dot_general3A_39 : vector<1000x256xf32>
    %get3A_41 = arith.constant 0 : index
    %get3A_42 = arith.constant 0 : index
    %get3A_43 = vector.load %arg5[%get3A_41, %get3A_42] : memref<1000x8xf32, #tpu.memory_space<vmem>>, vector<1000x8xf32>
    %slice3A_44 = vector.extract_strided_slice %get3A_26 {offsets = [8, 0], sizes = [8, 256], strides = [1, 1]} : vector<32x256xf32> to vector<8x256xf32>
    %dot_general3A_45 = arith.constant dense<0.000000e+00> : vector<1000x256xf32>
    %dot_general3A_46 = tpu.matmul %get3A_43, %slice3A_44, %dot_general3A_45 {dimension_numbers = #tpu.dot_dimension_numbers<[1], [0], [0], [1], [0, 0, 1, 1], [], []>, transpose_lhs_hint = false} : vector<1000x8xf32>, vector<8x256xf32>, vector<1000x256xf32> -> vector<1000x256xf32>
    %add3A_47 = arith.addf %add3A_40, %dot_general3A_46 : vector<1000x256xf32>
    %get3A_48 = arith.constant 0 : index
    %get3A_49 = arith.constant 0 : index
    %get3A_50 = vector.load %arg6[%get3A_48, %get3A_49] : memref<1000x16xf32, #tpu.memory_space<vmem>>, vector<1000x16xf32>
    %slice3A_51 = vector.extract_strided_slice %get3A_26 {offsets = [16, 0], sizes = [16, 256], strides = [1, 1]} : vector<32x256xf32> to vector<16x256xf32>
    %dot_general3A_52 = arith.constant dense<0.000000e+00> : vector<1000x256xf32>
    %dot_general3A_53 = tpu.matmul %get3A_50, %slice3A_51, %dot_general3A_52 {dimension_numbers = #tpu.dot_dimension_numbers<[1], [0], [0], [1], [0, 0, 1, 1], [], []>, transpose_lhs_hint = false} : vector<1000x16xf32>, vector<16x256xf32>, vector<1000x256xf32> -> vector<1000x256xf32>
    %add3A_54 = arith.addf %add3A_47, %dot_general3A_53 : vector<1000x256xf32>
    %get3A_55 = arith.constant 0 : index
    %get3A_56 = arith.constant 0 : index
    %get3A_57 = vector.load %arg12[%get3A_55, %get3A_56] : memref<1x256xf32, #tpu.memory_space<vmem>>, vector<1x256xf32>
    %add3A_58 = vector.broadcast %get3A_57 : vector<1x256xf32> to vector<1000x256xf32>
    %add3A_59 = arith.addf %add3A_54, %add3A_58 : vector<1000x256xf32>
    %max3A_60 = arith.constant 0.000000e+00 : f32
    %max3A_61 = vector.broadcast %max3A_60 : f32 to vector<1000x256xf32>
    %max3A_62 = arith.maximumf %add3A_59, %max3A_61 : vector<1000x256xf32>
    %get3A_63 = arith.constant 0 : index
    %get3A_64 = arith.constant 0 : index
    %get3A_65 = vector.load %arg13[%get3A_63, %get3A_64] : memref<256x256xf32, #tpu.memory_space<vmem>>, vector<256x256xf32>
    %dot_general3A_66 = arith.constant dense<0.000000e+00> : vector<1000x256xf32>
    %dot_general3A_67 = tpu.matmul %max3A_62, %get3A_65, %dot_general3A_66 {dimension_numbers = #tpu.dot_dimension_numbers<[1], [0], [0], [1], [0, 0, 1, 1], [], []>, transpose_lhs_hint = false} : vector<1000x256xf32>, vector<256x256xf32>, vector<1000x256xf32> -> vector<1000x256xf32>
    %get3A_68 = arith.constant 0 : index
    %get3A_69 = arith.constant 0 : index
    %get3A_70 = vector.load %arg14[%get3A_68, %get3A_69] : memref<1x256xf32, #tpu.memory_space<vmem>>, vector<1x256xf32>
    %add3A_71 = vector.broadcast %get3A_70 : vector<1x256xf32> to vector<1000x256xf32>
    %add3A_72 = arith.addf %dot_general3A_67, %add3A_71 : vector<1000x256xf32>
    %swap3A = arith.constant 0 : index
    %swap3A_73 = arith.constant 0 : index
    %swap3A_74 = vector.load %arg20[%swap3A, %swap3A_73] : memref<1000x256xf32, #tpu.memory_space<vmem>>, vector<1000x256xf32>
    tpu.vector_store %arg20[%swap3A, %swap3A_73], %add3A_72 {strides = array<i32>} : memref<1000x256xf32, #tpu.memory_space<vmem>>, vector<1000x256xf32>,
    %get3A_75 = arith.constant 0 : index
    %get3A_76 = arith.constant 0 : index
    %get3A_77 = vector.load %arg6[%get3A_75, %get3A_76] : memref<1000x16xf32, #tpu.memory_space<vmem>>, vector<1000x16xf32>
    %dot_general3A_78 = arith.constant dense<0.000000e+00> : vector<16x256xf32>
    %dot_general3A_79 = tpu.matmul %get3A_77, %add3A_72, %dot_general3A_78 {dimension_numbers = #tpu.dot_dimension_numbers<[0], [0], [1], [1], [0, 1, 1, 1], [], []>, transpose_lhs_hint = false} : vector<1000x16xf32>, vector<1000x256xf32>, vector<16x256xf32> -> vector<16x256xf32>
    %broadcast_in_dim3A = arith.constant 1.000000e+00 : f32
    %broadcast_in_dim3A_80 = vector.broadcast %broadcast_in_dim3A : f32 to vector<1000x1xf32>
    %dot_general3A_81 = arith.constant dense<0.000000e+00> : vector<16x1xf32>
    %dot_general3A_82 = tpu.matmul %get3A_77, %broadcast_in_dim3A_80, %dot_general3A_81 {dimension_numbers = #tpu.dot_dimension_numbers<[0], [0], [1], [1], [0, 1, 1, 1], [], []>, transpose_lhs_hint = false} : vector<1000x16xf32>, vector<1000x1xf32>, vector<16x1xf32> -> vector<16x1xf32>
    %eq3A = arith.constant 0 : i32
    %eq3A_83 = arith.cmpi eq, %arg0, %eq3A : i32
    %convert_element_type3A = arith.extui %eq3A_83 : i1 to i32
    %cond3A = arith.constant 0 : i32
    %cond3A_84 = arith.cmpi ne, %convert_element_type3A, %cond3A : i32
    scf.if %cond3A_84 {
      %swap3A_94 = arith.constant 0 : index
      %swap3A_95 = arith.constant 0 : index
      %swap3A_96 = vector.load %arg22[%swap3A_94, %swap3A_95] : memref<16x256xf32, #tpu.memory_space<vmem>>, vector<16x256xf32>
      tpu.vector_store %arg22[%swap3A_94, %swap3A_95], %dot_general3A_79 {strides = array<i32>} : memref<16x256xf32, #tpu.memory_space<vmem>>, vector<16x256xf32>,
      %swap3A_97 = arith.constant 0 : index
      %swap3A_98 = arith.constant 0 : index
      %swap3A_99 = vector.load %arg23[%swap3A_97, %swap3A_98] : memref<16x1xf32, #tpu.memory_space<vmem>>, vector<16x1xf32>
      tpu.vector_store %arg23[%swap3A_97, %swap3A_98], %dot_general3A_82 {strides = array<i32>} : memref<16x1xf32, #tpu.memory_space<vmem>>, vector<16x1xf32>,
    } else {
    }
    %gt3A = arith.constant 0 : i32
    %gt3A_85 = arith.cmpi sgt, %arg0, %gt3A : i32
    %convert_element_type3A_86 = arith.extui %gt3A_85 : i1 to i32
    %cond3A_87 = arith.constant 0 : i32
    %cond3A_88 = arith.cmpi ne, %convert_element_type3A_86, %cond3A_87 : i32
    scf.if %cond3A_88 {
      %get3A_94 = arith.constant 0 : index
      %get3A_95 = arith.constant 0 : index
      %get3A_96 = vector.load %arg22[%get3A_94, %get3A_95] : memref<16x256xf32, #tpu.memory_space<vmem>>, vector<16x256xf32>
      %add3A_97 = arith.addf %get3A_96, %dot_general3A_79 : vector<16x256xf32>
      %swap3A_98 = arith.constant 0 : index
      %swap3A_99 = arith.constant 0 : index
      %swap3A_100 = vector.load %arg22[%swap3A_98, %swap3A_99] : memref<16x256xf32, #tpu.memory_space<vmem>>, vector<16x256xf32>
      tpu.vector_store %arg22[%swap3A_98, %swap3A_99], %add3A_97 {strides = array<i32>} : memref<16x256xf32, #tpu.memory_space<vmem>>, vector<16x256xf32>,
      %get3A_101 = arith.constant 0 : index
      %get3A_102 = arith.constant 0 : index
      %get3A_103 = vector.load %arg23[%get3A_101, %get3A_102] : memref<16x1xf32, #tpu.memory_space<vmem>>, vector<16x1xf32>
      %add3A_104 = arith.addf %get3A_103, %dot_general3A_82 : vector<16x1xf32>
      %swap3A_105 = arith.constant 0 : index
      %swap3A_106 = arith.constant 0 : index
      %swap3A_107 = vector.load %arg23[%swap3A_105, %swap3A_106] : memref<16x1xf32, #tpu.memory_space<vmem>>, vector<16x1xf32>
      tpu.vector_store %arg23[%swap3A_105, %swap3A_106], %add3A_104 {strides = array<i32>} : memref<16x1xf32, #tpu.memory_space<vmem>>, vector<16x1xf32>,
    } else {
    }
    %eq3A_89 = arith.constant 9 : i32
    %eq3A_90 = arith.cmpi eq, %arg0, %eq3A_89 : i32
    %convert_element_type3A_91 = arith.extui %eq3A_90 : i1 to i32
    %cond3A_92 = arith.constant 0 : i32
    %cond3A_93 = arith.cmpi ne, %convert_element_type3A_91, %cond3A_92 : i32
    scf.if %cond3A_93 {
      %get3A_94 = arith.constant 0 : index
      %get3A_95 = arith.constant 0 : index
      %get3A_96 = vector.load %arg22[%get3A_94, %get3A_95] : memref<16x256xf32, #tpu.memory_space<vmem>>, vector<16x256xf32>
      %get3A_97 = arith.constant 0 : index
      %get3A_98 = arith.constant 0 : index
      %get3A_99 = vector.load %arg23[%get3A_97, %get3A_98] : memref<16x1xf32, #tpu.memory_space<vmem>>, vector<16x1xf32>
      %max3A_100 = arith.constant 1.000000e+00 : f32
      %max3A_101 = vector.broadcast %max3A_100 : f32 to vector<16x1xf32>
      %max3A_102 = arith.maximumf %get3A_99, %max3A_101 : vector<16x1xf32>
      %div3A_103 = vector.broadcast %max3A_102 : vector<16x1xf32> to vector<16x256xf32>
      %div3A_104 = arith.divf %get3A_96, %div3A_103 : vector<16x256xf32>
      %get3A_105 = arith.constant 0 : index
      %get3A_106 = arith.constant 0 : index
      %get3A_107 = vector.load %arg16[%get3A_105, %get3A_106] : memref<320x128xf32, #tpu.memory_space<vmem>>, vector<320x128xf32>
      %get3A_108 = arith.constant 0 : index
      %get3A_109 = arith.constant 0 : index
      %get3A_110 = vector.load %arg15[%get3A_108, %get3A_109] : memref<16x64xf32, #tpu.memory_space<vmem>>, vector<16x64xf32>
      %slice3A_111 = vector.extract_strided_slice %get3A_107 {offsets = [0, 0], sizes = [64, 128], strides = [1, 1]} : vector<320x128xf32> to vector<64x128xf32>
      %dot_general3A_112 = arith.constant dense<0.000000e+00> : vector<16x128xf32>
      %dot_general3A_113 = tpu.matmul %get3A_110, %slice3A_111, %dot_general3A_112 {dimension_numbers = #tpu.dot_dimension_numbers<[1], [0], [0], [1], [0, 0, 1, 1], [], []>, transpose_lhs_hint = false} : vector<16x64xf32>, vector<64x128xf32>, vector<16x128xf32> -> vector<16x128xf32>
      %slice3A_114 = vector.extract_strided_slice %get3A_107 {offsets = [64, 0], sizes = [256, 128], strides = [1, 1]} : vector<320x128xf32> to vector<256x128xf32>
      %dot_general3A_115 = arith.constant dense<0.000000e+00> : vector<16x128xf32>
      %dot_general3A_116 = tpu.matmul %div3A_104, %slice3A_114, %dot_general3A_115 {dimension_numbers = #tpu.dot_dimension_numbers<[1], [0], [0], [1], [0, 0, 1, 1], [], []>, transpose_lhs_hint = false} : vector<16x256xf32>, vector<256x128xf32>, vector<16x128xf32> -> vector<16x128xf32>
      %add3A_117 = arith.addf %dot_general3A_113, %dot_general3A_116 : vector<16x128xf32>
      %get3A_118 = arith.constant 0 : index
      %get3A_119 = arith.constant 0 : index
      %get3A_120 = vector.load %arg17[%get3A_118, %get3A_119] : memref<1x128xf32, #tpu.memory_space<vmem>>, vector<1x128xf32>
      %add3A_121 = vector.broadcast %get3A_120 : vector<1x128xf32> to vector<16x128xf32>
      %add3A_122 = arith.addf %add3A_117, %add3A_121 : vector<16x128xf32>
      %max3A_123 = arith.constant 0.000000e+00 : f32
      %max3A_124 = vector.broadcast %max3A_123 : f32 to vector<16x128xf32>
      %max3A_125 = arith.maximumf %add3A_122, %max3A_124 : vector<16x128xf32>
      %get3A_126 = arith.constant 0 : index
      %get3A_127 = arith.constant 0 : index
      %get3A_128 = vector.load %arg18[%get3A_126, %get3A_127] : memref<128x64xf32, #tpu.memory_space<vmem>>, vector<128x64xf32>
      %dot_general3A_129 = arith.constant dense<0.000000e+00> : vector<16x64xf32>
      %dot_general3A_130 = tpu.matmul %max3A_125, %get3A_128, %dot_general3A_129 {dimension_numbers = #tpu.dot_dimension_numbers<[1], [0], [0], [1], [0, 0, 1, 1], [], []>, transpose_lhs_hint = false} : vector<16x128xf32>, vector<128x64xf32>, vector<16x64xf32> -> vector<16x64xf32>
      %get3A_131 = arith.constant 0 : index
      %get3A_132 = arith.constant 0 : index
      %get3A_133 = vector.load %arg19[%get3A_131, %get3A_132] : memref<1x64xf32, #tpu.memory_space<vmem>>, vector<1x64xf32>
      %add3A_134 = vector.broadcast %get3A_133 : vector<1x64xf32> to vector<16x64xf32>
      %add3A_135 = arith.addf %dot_general3A_130, %add3A_134 : vector<16x64xf32>
      %swap3A_136 = arith.constant 0 : index
      %swap3A_137 = arith.constant 0 : index
      %swap3A_138 = vector.load %arg21[%swap3A_136, %swap3A_137] : memref<16x64xf32, #tpu.memory_space<vmem>>, vector<16x64xf32>
      tpu.vector_store %arg21[%swap3A_136, %swap3A_137], %add3A_135 {strides = array<i32>} : memref<16x64xf32, #tpu.memory_space<vmem>>, vector<16x64xf32>,
    } else {
    }
    return
  }
  func.func @transform_0(%arg0: i32) -> (i32, i32) {
    %c0_i32 = arith.constant 0 : i32
    %c0_i32_0 = arith.constant 0 : i32
    return %arg0, %c0_i32 : i32, i32
  }
  func.func @transform_1(%arg0: i32) -> (i32, i32) {
    %c0_i32 = arith.constant 0 : i32
    %c0_i32_0 = arith.constant 0 : i32
    return %arg0, %c0_i32 : i32, i32
  }
  func.func @transform_2(%arg0: i32) -> (i32, i32) {
    %c0_i32 = arith.constant 0 : i32
    %c0_i32_0 = arith.constant 0 : i32
    return %arg0, %c0_i32 : i32, i32
  }
  func.func @transform_3(%arg0: i32) -> (i32, i32) {
    %c0_i32 = arith.constant 0 : i32
    %c0_i32_0 = arith.constant 0 : i32
    return %arg0, %c0_i32 : i32, i32
  }
  func.func @transform_4(%arg0: i32) -> (i32, i32) {
    %c0_i32 = arith.constant 0 : i32
    %c0_i32_0 = arith.constant 0 : i32
    return %arg0, %c0_i32 : i32, i32
  }
  func.func @transform_5(%arg0: i32) -> (i32, i32) {
    %c0_i32 = arith.constant 0 : i32
    %c0_i32_0 = arith.constant 0 : i32
    return %arg0, %c0_i32 : i32, i32
  }
  func.func @transform_6(%arg0: i32) -> (i32, i32) {
    %c0_i32 = arith.constant 0 : i32
    %c0_i32_0 = arith.constant 0 : i32
    %c0_i32_1 = arith.constant 0 : i32
    return %c0_i32, %c0_i32_0 : i32, i32
  }
  func.func @transform_7(%arg0: i32) -> (i32, i32) {
    %c0_i32 = arith.constant 0 : i32
    %c0_i32_0 = arith.constant 0 : i32
    %c0_i32_1 = arith.constant 0 : i32
    return %c0_i32, %c0_i32_0 : i32, i32
  }
  func.func @transform_8(%arg0: i32) -> (i32, i32) {
    %c0_i32 = arith.constant 0 : i32
    %c0_i32_0 = arith.constant 0 : i32
    %c0_i32_1 = arith.constant 0 : i32
    return %c0_i32, %c0_i32_0 : i32, i32
  }
  func.func @transform_9(%arg0: i32) -> (i32, i32) {
    %c0_i32 = arith.constant 0 : i32
    %c0_i32_0 = arith.constant 0 : i32
    %c0_i32_1 = arith.constant 0 : i32
    return %c0_i32, %c0_i32_0 : i32, i32
  }
  func.func @transform_10(%arg0: i32) -> (i32, i32) {
    %c0_i32 = arith.constant 0 : i32
    %c0_i32_0 = arith.constant 0 : i32
    %c0_i32_1 = arith.constant 0 : i32
    return %c0_i32, %c0_i32_0 : i32, i32
  }
  func.func @transform_11(%arg0: i32) -> (i32, i32) {
    %c0_i32 = arith.constant 0 : i32
    %c0_i32_0 = arith.constant 0 : i32
    %c0_i32_1 = arith.constant 0 : i32
    return %c0_i32, %c0_i32_0 : i32, i32
  }
  func.func @transform_12(%arg0: i32) -> (i32, i32) {
    %c0_i32 = arith.constant 0 : i32
    %c0_i32_0 = arith.constant 0 : i32
    %c0_i32_1 = arith.constant 0 : i32
    return %c0_i32, %c0_i32_0 : i32, i32
  }
  func.func @transform_13(%arg0: i32) -> (i32, i32) {
    %c0_i32 = arith.constant 0 : i32
    %c0_i32_0 = arith.constant 0 : i32
    %c0_i32_1 = arith.constant 0 : i32
    return %c0_i32, %c0_i32_0 : i32, i32
  }
  func.func @transform_14(%arg0: i32) -> (i32, i32) {
    %c0_i32 = arith.constant 0 : i32
    %c0_i32_0 = arith.constant 0 : i32
    %c0_i32_1 = arith.constant 0 : i32
    return %c0_i32, %c0_i32_0 : i32, i32
  }
  func.func @transform_15(%arg0: i32) -> (i32, i32) {
    %c0_i32 = arith.constant 0 : i32
    %c0_i32_0 = arith.constant 0 : i32
    %c0_i32_1 = arith.constant 0 : i32
    return %c0_i32, %c0_i32_0 : i32, i32
  }
  func.func @transform_16(%arg0: i32) -> (i32, i32) {
    %c0_i32 = arith.constant 0 : i32
    %c0_i32_0 = arith.constant 0 : i32
    %c0_i32_1 = arith.constant 0 : i32
    return %c0_i32, %c0_i32_0 : i32, i32
  }
  func.func @transform_17(%arg0: i32) -> (i32, i32) {
    %c0_i32 = arith.constant 0 : i32
    %c0_i32_0 = arith.constant 0 : i32
    %c0_i32_1 = arith.constant 0 : i32
    return %c0_i32, %c0_i32_0 : i32, i32
  }
  func.func @transform_18(%arg0: i32) -> (i32, i32) {
    %c0_i32 = arith.constant 0 : i32
    %c0_i32_0 = arith.constant 0 : i32
    %c0_i32_1 = arith.constant 0 : i32
    return %c0_i32, %c0_i32_0 : i32, i32
  }
  func.func @transform_19(%arg0: i32) -> (i32, i32) {
    %c0_i32 = arith.constant 0 : i32
    %c0_i32_0 = arith.constant 0 : i32
    return %arg0, %c0_i32 : i32, i32
  }
  func.func @transform_20(%arg0: i32) -> (i32, i32) {
    %c0_i32 = arith.constant 0 : i32
    %c0_i32_0 = arith.constant 0 : i32
    %c0_i32_1 = arith.constant 0 : i32
    return %c0_i32, %c0_i32_0 : i32, i32
  }
}

</mosaic_0001>

<sc_bundles>
// kernel: kernel.10.cloned.1.call-start
scs
__scs_entry_jumppad:
0x0: {  	(pc) =	sbr.rel $0x88, $3  }
0x1: {  	(tag) =	ssettag $0x0;
	lr =	simm.s32 $0x1  }
0x2: {  	[smem:$0x3F88] =	sst lr;
	_ =	strace $0xD0000000  }
0x3: {  	_ = 	snop  }
0x4: {  	_ = 	snop  }
0x5: {  	_ = 	snop  }
0x6: {  	_ = 	snop  }
0x7: {  	_ = 	snop  }
__scs_overlays_trampoline_lowered:
0x8: {  	[smem:$0x3F97] =	sst s0  }
0x9: {  	[smem:$0x3F98] =	sst s1  }
0xa: {  	[smem:$0x3F99] =	sst s2  }
0xb: {  	[smem:$0x3F9A] =	sst s3  }
0xc: {  	[smem:$0x3F9B] =	sst s4  }
0xd: {  	[smem:$0x3F9C] =	sst s5  }
0xe: {  	[smem:$0x3F9D] =	sst s6  }
0xf: {  	[smem:$0x3F9E] =	sst s7  }
0x10: {  	[smem:$0x3F9F] =	sst s8  }
0x11: {  	[smem:$0x3FA0] =	sst s9;
	s0 =	simm.s32 @!p0 $0x0  }
0x12: {  	s1 =	sld [smem:$0x3F86];
	s0 =	simm.s32 @p0 $0x1  }
0x13: {  	[smem:$0x3FA1] =	sst s0;
	s0 =	simm.s32 @!p1 $0x0  }
0x14: {  	s2 =	sld [smem:$0x3F85];
	s0 =	simm.s32 @p1 $0x1  }
0x15: {  	[smem:$0x3FA2] =	sst s0;
	s0 =	simm.s32 @!p2 $0x0  }
0x16: {  	s3 =	sld [smem:$0x3FDB];
	s0 =	simm.s32 @p2 $0x1  }
0x17: {  	s4 =	simm.s32 $0x1BF5;
	[smem:$0x3FA4] =	sst s0  }
0x18: {  	s0 =	sld [smem:$0x3F87];
	_ =	swait.ge [sflag:s4], $0x0  }
0x19: {  	s7 =	sld [smem:$0x3F88]  }
0x1a: {  	s8 =	sadd.s32 $0xFFFFE003, lr  }
0x1b: {  	s9 =	sadd.s32 $0xFFFFFEF7, lr;
	s5 =	simm.s32 $0xFFFFFFFF;
	p2 =	slt.u32 s8, $0xFFFFF086  }
0x1c: {  	p1 =	slt.u32 s9, $0xF7A;
	s5 =	simm.s32 @!p2 $0x0  }
0x1d: {  	s5 =	simm.s32 @p1 $0x1;
	p0 =	seq.s32 s7, s2  }
0x1e: {  	s7 =	smul.u32 @!p0 $0xF7A, s2;
	p2 =	seq.s32 @!p0 s5, $0x0  }
0x1f: {  	s9 =	smul.u32 $0xF7A, s1;
	s8 =	simm.s32 @!p0 $0x1BF5;
	p2 =	por !p2, p0  }
0x20: {  	[sflag:s8] =	ssyncset.s32 @!p0 $0xFFFFF086;
	s6 =	sadd.s32 @!p0 s3, s7;
	s7 =	simm.s32 @!p0 $0x108  }
0x21: {  	s3 =	sadd.s32 s3, s9;
	s6 =	sadd.s32 @!p0 $0x88, s6;
	s7 =	simm.s32 @p2 $0x1082  }
0x22: {  	[simem:s7], [sflag:s8] =	dma.local @!p0 [hbm:s6], $0xF7A  }
0x23: {  	s9 =	sor.u32 $0xD0000000, s2;
	s6 =	simm.s32 $0x108;
	_ =	swait.ge @!p0 [sflag:s8], $0x0  }
0x24: {  	s3 =	sadd.s32 $0x88, s3;
	s6 =	simm.s32 @!p1 $0x1082;
	[sflag:s4] =	ssyncset.s32 $0xFFFFF086  }
0x25: {  	[simem:s6], [sflag:s4] =	dma.local [hbm:s3], $0xF7A  }
0x26: {  	[smem:$0x3F88] =	sst s1;
	(tag) =	ssettag s2;
	_ =	strace s9  }
0x27: {  	s1 =	sld [smem:$0x3F98]  }
0x28: {  	s2 =	sld [smem:$0x3F99]  }
0x29: {  	s4 =	sld [smem:$0x3F9B]  }
0x2a: {  	p0 =	seq.s32 s5, $0x0;
	s5 =	sld [smem:$0x3F9C]  }
0x2b: {  	s6 =	sld [smem:$0x3F9D]  }
0x2c: {  	s7 =	sld [smem:$0x3F9E]  }
0x2d: {  	s3 =	simm.s32 $0x108;
	s8 =	sld [smem:$0x3F9F]  }
0x2e: {  	s3 =	simm.s32 @!p0 $0x1082;
	s9 =	sld [smem:$0x3FA0]  }
0x2f: {  	lr =	sadd.s32 s0, s3;
	s0 =	sld [smem:$0x3F97]  }
0x30: {  	s3 =	sld [smem:$0x3F9A]  }
0x31: {  	[smem:$0x3FA3] =	sst s10  }
0x32: {  	s10 =	sld [smem:$0x3FA1];
	_ =	sdelay $0x3  }
0x33: {  	p0 =	seq.s32 s10, $0x1;
	s10 =	sld [smem:$0x3FA3];
	_ =	sdelay $0x3  }
0x34: {  	[smem:$0x3FA3] =	sst s10  }
0x35: {  	s10 =	sld [smem:$0x3FA2];
	_ =	sdelay $0x3  }
0x36: {  	p1 =	seq.s32 s10, $0x1;
	s10 =	sld [smem:$0x3FA3];
	_ =	sdelay $0x3  }
0x37: {  	[smem:$0x3FA3] =	sst s10  }
0x38: {  	s10 =	sld [smem:$0x3FA4]  }
0x39: {  	_ = 	snop;
	(pc) =	sbr.ind lr, $3  }
0x3a: {  	_ = 	snop  }
0x3b: {  	_ = 	snop  }
0x3c: {  	p2 =	seq.s32 s10, $0x1;
	s10 =	sld [smem:$0x3FA3]  }
0x3d: {  	_ =	shalt  }
0x3e: {  	_ =	shalt  }
0x3f: {  	_ =	shalt  }
0x40: {  	_ =	shalt  }
0x41: {  	_ =	shalt  }
0x42: {  	_ =	shalt  }
0x43: {  	_ =	shalt  }
0x44: {  	_ =	shalt  }
0x45: {  	_ =	shalt  }
0x46: {  	_ =	shalt  }
0x47: {  	_ =	shalt  }
0x48: {  	_ =	shalt  }
0x49: {  	_ =	shalt  }
0x4a: {  	_ =	shalt  }
0x4b: {  	_ =	shalt  }
0x4c: {  	_ =	shalt  }
0x4d: {  	_ =	shalt  }
0x4e: {  	_ =	shalt  }
0x4f: {  	_ =	shalt  }
0x50: {  	_ =	shalt  }
0x51: {  	_ =	shalt  }
0x52: {  	_ =	shalt  }
0x53: {  	_ =	shalt  }
0x54: {  	_ =	shalt  }
0x55: {  	_ =	shalt  }
0x56: {  	_ =	shalt  }
0x57: {  	_ =	shalt  }
0x58: {  	_ =	shalt  }
0x59: {  	_ =	shalt  }
0x5a: {  	_ =	shalt  }
0x5b: {  	_ =	shalt  }
0x5c: {  	_ =	shalt  }
0x5d: {  	_ =	shalt  }
0x5e: {  	_ =	shalt  }
0x5f: {  	_ =	shalt  }
0x60: {  	_ =	shalt  }
0x61: {  	_ =	shalt  }
0x62: {  	_ =	shalt  }
0x63: {  	_ =	shalt  }
0x64: {  	_ =	shalt  }
0x65: {  	_ =	shalt  }
0x66: {  	_ =	shalt  }
0x67: {  	_ =	shalt  }
0x68: {  	_ =	shalt  }
0x69: {  	_ =	shalt  }
0x6a: {  	_ =	shalt  }
0x6b: {  	_ =	shalt  }
0x6c: {  	_ =	shalt  }
0x6d: {  	_ =	shalt  }
0x6e: {  	_ =	shalt  }
0x6f: {  	_ =	shalt  }
0x70: {  	_ =	shalt  }
0x71: {  	_ =	shalt  }
0x72: {  	_ =	shalt  }
0x73: {  	_ =	shalt  }
0x74: {  	_ =	shalt  }
0x75: {  	_ =	shalt  }
0x76: {  	_ =	shalt  }
0x77: {  	_ =	shalt  }
0x78: {  	_ =	shalt  }
0x79: {  	_ =	shalt  }
0x7a: {  	_ =	shalt  }
0x7b: {  	_ =	shalt  }
0x7c: {  	_ =	shalt  }
0x7d: {  	_ =	shalt  }
0x7e: {  	_ =	shalt  }
0x7f: {  	_ =	shalt  }
0x80: {  	_ =	shalt  }
0x81: {  	_ =	shalt  }
0x82: {  	_ =	shalt  }
0x83: {  	_ =	shalt  }
0x84: {  	_ =	shalt  }
0x85: {  	_ =	shalt  }
0x86: {  	_ =	shalt  }
0x87: {  	_ =	shalt  }
.Lfunc_end0:
.L_simem_size_0:
called_computation.2_lowered:
.L_overlay_start_0:
0x88: {  	s2 =	sld [smem:$0x3FD9]  }
0x89: {  	s3 =	sld [smem:$0x3FFE];
	_ =	sdelay $0x1  }
0x8a: {  	s1 =	srdreg.scid  }
0x8b: {  	s0 =	sand.u32 $0x1, s1  }
0x8c: {  	s15 =	sshll.u32 s0, $0xA;
	s2 =	sadd.s32 s3, s2  }
0x8d: {  	s2 =	sadd.s32 s2, s15  }
0x8e: {  	[smem:$0x3FAF] =	sst s2  }
0x8f: {  	_ = 	snop  }
0x90: {  	s2 =	sld [smem:$0x3FD0];
	_ =	sdelay $0x2  }
0x91: {  	s16 =	simm.s32 $0xB;
	s4 =	simm.s32 $0x10  }
0x92: {  	[smem:s4], [sflag:s16] =	dma.local [hbm:s2], $0x1  }
0x93: {  	_ =	swait.eq [sflag:s16], $0x1  }
0x94: {  	[sflag:s16] =	ssyncset.done $0x0  }
0x95: {  	[sflag:s16] =	ssyncadd.s32 $0xFFFFFFFF  }
0x96: {  	s17 =	sld [smem:$0x10];
	(tm) =	ssettm $0x1  }
0x97: {  	s18 =	sld [smem:$0x3FFB];
	_ =	sdelay $0x3  }
0x98: {  	_ =	strace s18  }
0x99: {  	s2 =	sld [smem:$0x3FFC];
	_ =	sdelay $0x3  }
0x9a: {  	_ =	strace s2  }
0x9b: {  	s2 =	sld [smem:$0x3FFD];
	_ =	sdelay $0x3  }
0x9c: {  	_ =	strace s2  }
0x9d: {  	_ =	strace $0x8FFFFFFF  }
0x9e: {  	s19 =	sld [smem:$0x3FDB];
	_ =	sdelay $0x1  }
0x9f: {  	s20 =	simm.s32 $_scs_section_size  }
0xa0: {  	s5 =	simm.s32 $_size__tile_overlayer_lowered;
	s6 =	simm.s32 $_tile_overlayer_lowered  }
0xa1: {  	s7 =	simm.s32 $0x1BFF;
	s21 =	sshll.u32 s6, $0x1;
	s4 =	sadd.s32 s20, s19  }
0xa2: {  	s22 =	simm.s32 $0x0;
	s5 =	sshll.u32 s5, $0x1;
	s6 =	sadd.s32 s21, s4  }
0xa3: {  	[timem:s22], [sflag:s7] =	dma.local [hbm:s6], s5  }
0xa4: {  	_ =	swait.ge [sflag:s7], s5  }
0xa5: {  	s5 =	ssub.s32 $0x0, s5;
	[sflag:s7] =	ssyncset.done $0x0  }
0xa6: {  	[sflag:s7] =	ssyncadd.s32 s5;
	_ =	sdelay $0x1  }
0xa7: {  	s23 =	simm.s32 $0x1B8B  }
0xa8: {  	_ =	swait.ge [sflag:s23], $0x1  }
0xa9: {  	[sflag:s23] =	ssyncset.done $0x0  }
0xaa: {  	[sflag:s23] =	ssyncadd.s32 $0xFFFFFFFF  }
0xab: {  	s5 =	sld [smem:$0x0]  }
0xac: {  	s6 =	sand.u32 $0xFFFFFFFE, s1  }
0xad: {  	p0 =	sne.s32 s1, s6  }
0xae: {  	s6 =	sshll.u32 @p0 s6, $0xE  }
0xaf: {  	s6 =	sadd.s32 @p0 $0x11B8D, s6;
	s7 =	sshll.u32 @p0 s5, $0x11  }
0xb0: {  	s6 =	sor.u32 @p0 s7, s6  }
0xb1: {  	[sflag:s6] =	ssyncadd.remote.s32 @p0 $0x1;
	_ =	sdelay $0x1  }
0xb2: {  	s6 =	simm.s32 @p0 $0x1B8D  }
0xb3: {  	_ =	swait.eq @p0 [sflag:s6], $0x1  }
0xb4: {  	[sflag:s6] =	ssyncadd.s32 @p0 $0xFFFFFFFF  }
0xb5: {  	s7 =	sshll.u32 @!p0 s1, $0xE  }
0xb6: {  	s7 =	sor.u32 @!p0 $0x4000, s7;
	s6 =	simm.s32 @!p0 $0x1B8D  }
0xb7: {  	s5 =	sshll.u32 @!p0 s5, $0x11;
	s7 =	sadd.s32 @!p0 $0x11B8D, s7;
	_ =	swait.eq @!p0 [sflag:s6], $0x1  }
0xb8: {  	s5 =	sor.u32 @!p0 s5, s7;
	[sflag:s6] =	ssyncadd.s32 @!p0 $0xFFFFFFFF  }
0xb9: {  	s25 =	simm.s32 $0x1B8E;
	s24 =	sld [smem:$0x3FFE];
	[sflag:s5] =	ssyncadd.remote.s32 @!p0 $0x1  }
0xba: {  	s26 =	simm.s32 $execute0_lowered;
	[smem:$0x3FD2] =	sst s25  }
0xbb: {  	s6 =	sshll.u32 s26, $0x1;
	_ =	strace $0x8000004C;
	[dreg:$0x1] =	wrdreg $0xFFFFFFFF  }
0xbc: {  	s28 =	simm.s32 $_size_execute0_lowered;
	s4 =	sadd.s32 s4, s6;
	[dreg:$0x0] =	wrdreg $0x0  }
0xbd: {  	s6 =	sshll.u32 s28, $0x1;
	[dreg:$0x2] =	wrdreg s4  }
0xbe: {  	[dreg:$0x3] =	wrdreg s6  }
0xbf: {  	[dreg:$0x4] =	wrdreg $0xC0  }
0xc0: {  	_ =	task [dreg:s22], $0x5FFFF  }
0xc1: {  	[dreg:$0x1] =	wrdreg $0xFFFFFFFF  }
0xc2: {  	[dreg:$0x0] =	wrdreg $0x60  }
0xc3: {  	[dreg:$0x2] =	wrdreg s24  }
0xc4: {  	[dreg:$0x3] =	wrdreg s17  }
0xc5: {  	[dreg:$0x4] =	wrdreg $0x40800  }
0xc6: {  	[dreg:$0x5] =	wrdreg $0xA  }
0xc7: {  	_ =	task.clear_ibuf [dreg:s22], $0x6FFFF;
	_ =	strace $0x9000004C  }
0xc8: {  	s29 =	simm.s32 $0xA;
	_ =	strace $0x8000004E  }
0xc9: {  	_ =	swait.ge [sflag:s29], $0x1  }
0xca: {  	[sflag:s29] =	ssyncadd.s32 $0xFFFFFFFF  }
0xcb: {  	_ =	strace $0x9000004E  }
0xcc: {  	_ =	sfence  }
0xcd: {  	s30 =	sld [smem:$0x0];
	_ =	sdelay $0x2  }
0xce: {  	s31 =	sshll.u32 s1, $0xD;
	s1 =	sshrl.u32 s1, $0x2  }
0xcf: {  	s4 =	sand.u32 $0x4000, s31;
	s1 =	sadd.s32 s1, s30  }
0xd0: {  	s0 =	sor.u32 s4, s0;
	s1 =	sshll.u32 s1, $0x11  }
0xd1: {  	s0 =	sor.u32 s1, s0  }
0xd2: {  	s0 =	sadd.s32 $0x8F2B, s0  }
0xd3: {  	[sflag:s0] =	ssyncadd.remote.s32 $0x1  }
0xd4: {  	_ =	sfence.sel $0xFFFF  }
0xd5: {  	[dreg:$0x0] =	wrdreg $0xFFFFFFFF;
	(pc) =	sbr.abs _section_cstart, $3  }
0xd6: {  	[dreg:$0x1] =	wrdreg $0xFFFFFFFF  }
0xd7: {  	_ =	task.clear_ibuf [dreg:s22], $0x2FFFF;
	_ =	strace $0x9FFFFFFF  }
0xd8: {  	(tm) =	ssettm $0x7FFFFFFF  }
0xd9: {  	_ =	shalt  }
tec
execute0_lowered:
.L_overlay_start_1:
0x0: {  	(tag) =	ssettag $0x1  }
0x1: {  	s9 =	rddreg [dreg:$0x0]  }
0x2: {  	s5 =	rddreg [dreg:$0x1]  }
0x3: {  	s2 =	rddreg [dreg:$0x2];
	s1 =	stileid.u32  }
0x4: {  	s0 =	rddreg [dreg:$0x3];
	s3 =	simm.s32 $0x0;
	s4 =	smul.u32 $0x28000, s1  }
0x5: {  	s7 =	srdreg.scid;
	s18 =	simm.s32 $0x80;
	s6 =	smul.u32 $0x500, s1  }
0x6: {  	s19 =	simm.s32 $0x0;
	[smem:$0x7FF] =	sst s3;
	s8 =	smul.u32 $0x2800, s1  }
0x7: {  	s17 =	sand.u32 $0x1, s7;
	s10 =	smul.u32 $0x50000, s1;
	s15 =	sadd.s32 $0x12C000, s2  }
0x8: {  	p0 =	seq.s32 s1, $0xF;
	_ =	strace $0x8000004D;
	s7 =	ssub.s32 $0x2, s17  }
0x9: {  	p1 =	sne.s32 s17, $0x0;
	s17 =	simm.s32 $0x1;
	s13 =	sadd.s32 s4, s9  }
0xa: {  	s12 =	sadd.s32 s6, s9;
	s30 =	sshrl.u32 s7, $0x1;
	s11 =	sadd.s32 s8, s9  }
0xb: {  	s31 =	sshrl.u32 s10, $0x2;
	s4 =	sadd.s32 s5, s8;
	s5 =	sadd.s32 $0x25800, s5  }
.Ltmp0:
0xc: {  	s14 =	ssub.s32 s7, s30;
	s16 =	sadd.s32 s31, s2;
	(pc) =	sbr.rel .LBB2_1-.Ltmp0, $4  }
0xd: {  	s6 =	sadd.s32 $0x58600, s11;
	s7 =	sadd.s32 $0x7DE00, s9;
	s8 =	sadd.s32 $0x31400, s11  }
0xe: {  	s9 =	sadd.s32 $0x56C00, s9;
	s11 =	sadd.s32 $0x1C52C00, s13;
	s12 =	sadd.s32 $0x2C400, s12  }
0xf: {  	s10 =	smax.u32 s14, $0x1;
	s14 =	sshrl.u32 @p0 s15, $0x3;
	s15 =	sshll.u32 @!p0 s1, $0x6  }
0x10: {  	s13 =	sadd.s32 $0x19D2C00, s13;
	s16 =	sshrl.u32 @!p0 s16, $0x3;
	s15 =	sor.u32 @!p0 $0x1C01, s15  }
.LBB2_7:
0x11: {  	s21 =	sadd.s32 s21, s12;
	[sflag:s17] =	ssyncadd.s32 $0xFFFFC000  }
0x12: {  	[tilespmem:s3], [sflag:$0x1] =	stream.linear.gather [hbm4b:s21+s3], $0x80, $0x38;
	[tilespmem:$0x17900] =	vst v63  }
0x13: {  	_ =	swait.ge [sflag:s17], $0x80  }
0x14: {  	[sflag:s17] =	ssyncset.done $0x0  }
0x15: {  	[sflag:s17] =	ssyncadd.s32 $0xFFFFFF80  }
0x16: {  	[tilespmem:s18], [sflag:$0x1] =	stream.linear.gather [hbm4b:s20+s3], $0x4000, $0x38;
	[tilespmem:$0x17900] =	vst v63  }
0x17: {  	_ =	swait.ge [sflag:s17], $0x4000  }
0x18: {  	[sflag:s17] =	ssyncset.done $0x0  }
0x19: {  	[sflag:s17] =	ssyncadd.s32 $0xFFFFC000  }
0x1a: {  	[spmem:s2] =	stream.indirect.scatter.add.f32 [tilespmem:s18], [sflag:$0x1], $0x80, s3, s18, $0xb8;
	[tilespmem:$0x17900] =	vst v63  }
0x1b: {  	_ =	swait.ge [sflag:s17], $0x4000  }
0x1c: {  	[sflag:s17] =	ssyncset.done $0x0  }
0x1d: {  	[sflag:s17] =	ssyncadd.s32 $0xFFFFC000  }
0x1e: {  	s20 =	simm.s32 @p0 $0x1FC1;
	[bflag:$0x0] =	sbarrier.arrive $0xFFFF  }
0x1f: {  	[hbm:s7], [sflag:s20] =	dma.local @p0 [spmem:s14], $0x1900  }
0x20: {  	s20 =	simm.s32 @p0 $0x1  }
0x21: {  	_ =	swait.ge @p0 [sflag:s20], $0x1900  }
0x22: {  	[sflag:s20] =	ssyncset.done @p0 $0x0  }
0x23: {  	[sflag:s20] =	ssyncadd.s32 @p0 $0xFFFFE700;
	s20 =	simm.s32 @!p0 $0x1  }
0x24: {  	[hbm:s6], [sflag:s15] =	dma.local @!p0 [spmem:s16], $0x2800  }
0x25: {  	_ =	swait.ge @!p0 [sflag:s20], $0x2800  }
0x26: {  	[sflag:s20] =	ssyncset.done @!p0 $0x0  }
0x27: {  	[sflag:s20] =	ssyncadd.s32 @!p0 $0xFFFFD800  }
.LBB2_8:
0x28: {  	s19 =	sadd.s32 $0x1, s19  }
0x29: {  	p2 =	sne.s32 s19, s10  }
.Ltmp1:
0x2a: {  	_ = 	snop;
	(pc) =	sbr.rel @!p2 .LBB2_9-.Ltmp1, $1  }
0x2b: {  	_ =	sdelay $0x3  }
.LBB2_1:
0x2c: {  	s20 =	simm.s32 @p0 $0x1FC1  }
0x2d: {  	[spmem:s14], [sflag:s20] =	dma.local @p0 [hbm:s5], $0x1900  }
0x2e: {  	s20 =	simm.s32 @p0 $0x1  }
0x2f: {  	_ =	swait.ge @p0 [sflag:s20], $0x1900  }
0x30: {  	[sflag:s20] =	ssyncset.done @p0 $0x0  }
0x31: {  	[sflag:s20] =	ssyncadd.s32 @p0 $0xFFFFE700;
	s20 =	simm.s32 @!p0 $0x1  }
0x32: {  	[spmem:s16], [sflag:s15] =	dma.local @!p0 [hbm:s4], $0x2800  }
.Ltmp2:
0x33: {  	_ =	swait.ge @!p0 [sflag:s20], $0x2800;
	(pc) =	sbr.rel @p1 .LBB2_5-.Ltmp2, $4  }
0x34: {  	[sflag:s20] =	ssyncset.done @!p0 $0x0  }
0x35: {  	[sflag:s20] =	ssyncadd.s32 @!p0 $0xFFFFD800  }
0x36: {  	[bflag:$0x0] =	sbarrier.arrive $0xFFFF  }
0x37: {  	s20 =	sadd.s32 $0x0, s12  }
0x38: {  	[tilespmem:s3], [sflag:$0x1] =	stream.linear.gather [hbm4b:s20+s3], $0x80, $0x38;
	[tilespmem:$0x17900] =	vst v63  }
0x39: {  	_ =	swait.ge [sflag:s17], $0x80  }
0x3a: {  	[sflag:s17] =	ssyncset.done $0x0  }
0x3b: {  	[sflag:s17] =	ssyncadd.s32 $0xFFFFFF80  }
0x3c: {  	[tilespmem:s18], [sflag:$0x1] =	stream.linear.gather [hbm4b:s13+s3], $0x4000, $0x38;
	[tilespmem:$0x17900] =	vst v63  }
0x3d: {  	_ =	swait.ge [sflag:s17], $0x4000  }
0x3e: {  	[sflag:s17] =	ssyncset.done $0x0  }
0x3f: {  	[sflag:s17] =	ssyncadd.s32 $0xFFFFC000  }
0x40: {  	[spmem:s2] =	stream.indirect.scatter.add.f32 [tilespmem:s18], [sflag:$0x1], $0x80, s3, s18, $0xb8;
	[tilespmem:$0x17900] =	vst v63  }
0x41: {  	s21 =	simm.s32 $0x10;
	_ =	swait.ge [sflag:s17], $0x4000  }
0x42: {  	s22 =	simm.s32 $0x20;
	s20 =	sadd.s32 $0x800, s13;
	[sflag:s17] =	ssyncset.done $0x0  }
.LBB2_3:
0x43: {  	s23 =	sadd.s32 s21, s12  }
0x44: {  	[sflag:s17] =	ssyncadd.s32 $0xFFFFC000;
	s21 =	smov.u32 s22;
	s24 =	sadd.s32 $0x10, s22  }
0x45: {  	[tilespmem:s3], [sflag:$0x1] =	stream.linear.gather [hbm4b:s23+s3], $0x80, $0x38;
	[tilespmem:$0x17900] =	vst v63  }
0x46: {  	p2 =	seq.s32 s22, $0x4F0;
	_ =	swait.ge [sflag:s17], $0x80  }
0x47: {  	[sflag:s17] =	ssyncset.done $0x0  }
0x48: {  	[sflag:s17] =	ssyncadd.s32 $0xFFFFFF80  }
0x49: {  	[tilespmem:s18], [sflag:$0x1] =	stream.linear.gather [hbm4b:s20+s3], $0x4000, $0x38;
	[tilespmem:$0x17900] =	vst v63  }
0x4a: {  	_ =	swait.ge [sflag:s17], $0x4000  }
.Ltmp3:
0x4b: {  	[sflag:s17] =	ssyncset.done $0x0;
	(pc) =	sbr.rel @!p2 .LBB2_3-.Ltmp3, $4  }
0x4c: {  	[sflag:s17] =	ssyncadd.s32 $0xFFFFC000  }
0x4d: {  	[spmem:s2] =	stream.indirect.scatter.add.f32 [tilespmem:s18], [sflag:$0x1], $0x80, s3, s18, $0xb8;
	[tilespmem:$0x17900] =	vst v63  }
0x4e: {  	_ =	swait.ge [sflag:s17], $0x4000  }
0x4f: {  	s22 =	smov.u32 s24;
	s20 =	sadd.s32 $0x800, s20;
	[sflag:s17] =	ssyncset.done $0x0  }
0x50: {  	s21 =	sadd.s32 s21, s12;
	[sflag:s17] =	ssyncadd.s32 $0xFFFFC000  }
0x51: {  	[tilespmem:s3], [sflag:$0x1] =	stream.linear.gather [hbm4b:s21+s3], $0x80, $0x38;
	[tilespmem:$0x17900] =	vst v63  }
0x52: {  	_ =	swait.ge [sflag:s17], $0x80  }
0x53: {  	[sflag:s17] =	ssyncset.done $0x0  }
0x54: {  	[sflag:s17] =	ssyncadd.s32 $0xFFFFFF80  }
0x55: {  	[tilespmem:s18], [sflag:$0x1] =	stream.linear.gather [hbm4b:s20+s3], $0x4000, $0x38;
	[tilespmem:$0x17900] =	vst v63  }
0x56: {  	_ =	swait.ge [sflag:s17], $0x4000  }
0x57: {  	[sflag:s17] =	ssyncset.done $0x0  }
0x58: {  	[sflag:s17] =	ssyncadd.s32 $0xFFFFC000  }
0x59: {  	[spmem:s2] =	stream.indirect.scatter.add.f32 [tilespmem:s18], [sflag:$0x1], $0x80, s3, s18, $0xb8;
	[tilespmem:$0x17900] =	vst v63  }
0x5a: {  	_ =	swait.ge [sflag:s17], $0x4000  }
0x5b: {  	[sflag:s17] =	ssyncset.done $0x0  }
0x5c: {  	[sflag:s17] =	ssyncadd.s32 $0xFFFFC000  }
0x5d: {  	s20 =	simm.s32 @p0 $0x1FC1;
	[bflag:$0x0] =	sbarrier.arrive $0xFFFF  }
0x5e: {  	[hbm:s9], [sflag:s20] =	dma.local @p0 [spmem:s14], $0x1900  }
0x5f: {  	s20 =	simm.s32 @p0 $0x1  }
0x60: {  	_ =	swait.ge @p0 [sflag:s20], $0x1900  }
0x61: {  	[sflag:s20] =	ssyncset.done @p0 $0x0  }
.Ltmp4:
0x62: {  	[sflag:s20] =	ssyncadd.s32 @p0 $0xFFFFE700;
	s20 =	simm.s32 @!p0 $0x1;
	(pc) =	sbr.rel .LBB2_8-.Ltmp4, $4  }
0x63: {  	[hbm:s8], [sflag:s15] =	dma.local @!p0 [spmem:s16], $0x2800  }
0x64: {  	_ =	swait.ge @!p0 [sflag:s20], $0x2800  }
0x65: {  	[sflag:s20] =	ssyncset.done @!p0 $0x0  }
0x66: {  	[sflag:s20] =	ssyncadd.s32 @!p0 $0xFFFFD800  }
.LBB2_5:
0x67: {  	[tilespmem:s3], [sflag:$0x1] =	stream.linear.gather [hbm4b:s20+s3], $0x80, $0x38;
	[tilespmem:$0x17900] =	vst v63  }
0x68: {  	_ =	swait.ge [sflag:s17], $0x80  }
0x69: {  	[sflag:s17] =	ssyncset.done $0x0  }
0x6a: {  	[sflag:s17] =	ssyncadd.s32 $0xFFFFFF80  }
0x6b: {  	[tilespmem:s18], [sflag:$0x1] =	stream.linear.gather [hbm4b:s11+s3], $0x4000, $0x38;
	[tilespmem:$0x17900] =	vst v63  }
0x6c: {  	_ =	swait.ge [sflag:s17], $0x4000  }
0x6d: {  	[sflag:s17] =	ssyncset.done $0x0  }
0x6e: {  	[sflag:s17] =	ssyncadd.s32 $0xFFFFC000  }
0x6f: {  	[spmem:s2] =	stream.indirect.scatter.add.f32 [tilespmem:s18], [sflag:$0x1], $0x80, s3, s18, $0xb8;
	[tilespmem:$0x17900] =	vst v63  }
0x70: {  	s21 =	simm.s32 $0x10;
	_ =	swait.ge [sflag:s17], $0x4000  }
0x71: {  	s22 =	simm.s32 $0x20;
	s20 =	sadd.s32 $0x800, s11;
	[sflag:s17] =	ssyncset.done $0x0  }
.LBB2_6:
0x72: {  	s23 =	sadd.s32 s21, s12  }
0x73: {  	[sflag:s17] =	ssyncadd.s32 $0xFFFFC000;
	s21 =	smov.u32 s22;
	s24 =	sadd.s32 $0x10, s22  }
0x74: {  	[tilespmem:s3], [sflag:$0x1] =	stream.linear.gather [hbm4b:s23+s3], $0x80, $0x38;
	[tilespmem:$0x17900] =	vst v63  }
0x75: {  	p2 =	sne.s32 s22, $0x4F0;
	_ =	swait.ge [sflag:s17], $0x80  }
0x76: {  	[sflag:s17] =	ssyncset.done $0x0  }
0x77: {  	[sflag:s17] =	ssyncadd.s32 $0xFFFFFF80  }
0x78: {  	[tilespmem:s18], [sflag:$0x1] =	stream.linear.gather [hbm4b:s20+s3], $0x4000, $0x38;
	[tilespmem:$0x17900] =	vst v63  }
0x79: {  	_ =	swait.ge [sflag:s17], $0x4000  }
.Ltmp5:
0x7a: {  	[sflag:s17] =	ssyncset.done $0x0;
	(pc) =	sbr.rel @p2 .LBB2_6-.Ltmp5, $4  }
0x7b: {  	[sflag:s17] =	ssyncadd.s32 $0xFFFFC000  }
0x7c: {  	[spmem:s2] =	stream.indirect.scatter.add.f32 [tilespmem:s18], [sflag:$0x1], $0x80, s3, s18, $0xb8;
	[tilespmem:$0x17900] =	vst v63  }
0x7d: {  	_ =	swait.ge [sflag:s17], $0x4000  }
0x7e: {  	s22 =	smov.u32 s24;
	s20 =	sadd.s32 $0x800, s20;
	[sflag:s17] =	ssyncset.done $0x0  }
.Ltmp6:
0x7f: {  	_ = 	snop;
	(pc) =	sbr.rel .LBB2_7-.Ltmp6, $1  }
0x80: {  	_ =	sdelay $0x3  }
.LBB2_9:
0x81: {  	_ =	sfence.sel $0x180000  }
0x82: {  	[bflag:$0x0] =	sbarrier.arrive $0xFFFF  }
0x83: {  	p0 =	sne.s32 s1, $0x0;
	_ =	strace $0x9000004D  }
0x84: {  	s0 =	sadd.s32 @!p0 $0x100000, s0;
	[bflag:$0x2] =	sbarrier.arrive $0xFFFF  }
0x85: {  	[sflag:s0] =	ssyncadd.tile.s32 @!p0 $0x1;
	_ =	shalt  }
.Lfunc_end2:
_tile_overlayer_lowered:
.L_overlay_start_2:
0x86: {  	(tag) =	ssettag $0x2  }
0x87: {  	s0 =	rddreg [dreg:$0x0];
	s2 =	stileid.u32  }
0x88: {  	s1 =	rddreg [dreg:$0x1];
	p0 =	sne.s32 s2, $0x0  }
0x89: {  	s3 =	rddreg [dreg:$0x2];
	[bflag:$0x3] =	sbarrier.arrive $0xFFFF;
	s2 =	simm.s32 @!p0 $0x1C01  }
0x8a: {  	[timem:s3], [sflag:s2] =	dma.local @!p0 [hbm:s0], s1  }
0x8b: {  	s0 =	simm.s32 @!p0 $0x1  }
0x8c: {  	_ =	swait.ge @!p0 [sflag:s0], s1  }
0x8d: {  	s1 =	ssub.s32 @!p0 $0x0, s1;
	[sflag:s0] =	ssyncset.done @!p0 $0x0  }
0x8e: {  	[sflag:s0] =	ssyncadd.s32 @!p0 s1  }
0x8f: {  	[bflag:$0x3] =	sbarrier.arrive $0xFFFF  }
0x90: {  	_ =	shalt  }

// kernel: kernel.7.cloned.1.call-start
scs
__scs_entry_jumppad:
0x0: {  	(pc) =	sbr.rel $0x88, $3  }
0x1: {  	(tag) =	ssettag $0x0;
	lr =	simm.s32 $0x1  }
0x2: {  	[smem:$0x3F88] =	sst lr;
	_ =	strace $0xD0000000  }
0x3: {  	_ = 	snop  }
0x4: {  	_ = 	snop  }
0x5: {  	_ = 	snop  }
0x6: {  	_ = 	snop  }
0x7: {  	_ = 	snop  }
__scs_overlays_trampoline_lowered:
0x8: {  	[smem:$0x3F97] =	sst s0  }
0x9: {  	[smem:$0x3F98] =	sst s1  }
0xa: {  	[smem:$0x3F99] =	sst s2  }
0xb: {  	[smem:$0x3F9A] =	sst s3  }
0xc: {  	[smem:$0x3F9B] =	sst s4  }
0xd: {  	[smem:$0x3F9C] =	sst s5  }
0xe: {  	[smem:$0x3F9D] =	sst s6  }
0xf: {  	[smem:$0x3F9E] =	sst s7  }
0x10: {  	[smem:$0x3F9F] =	sst s8  }
0x11: {  	[smem:$0x3FA0] =	sst s9;
	s0 =	simm.s32 @!p0 $0x0  }
0x12: {  	s1 =	sld [smem:$0x3F86];
	s0 =	simm.s32 @p0 $0x1  }
0x13: {  	[smem:$0x3FA1] =	sst s0;
	s0 =	simm.s32 @!p1 $0x0  }
0x14: {  	s2 =	sld [smem:$0x3F85];
	s0 =	simm.s32 @p1 $0x1  }
0x15: {  	[smem:$0x3FA2] =	sst s0;
	s0 =	simm.s32 @!p2 $0x0  }
0x16: {  	s3 =	sld [smem:$0x3FDB];
	s0 =	simm.s32 @p2 $0x1  }
0x17: {  	s4 =	simm.s32 $0x1BF5;
	[smem:$0x3FA4] =	sst s0  }
0x18: {  	s0 =	sld [smem:$0x3F87];
	_ =	swait.ge [sflag:s4], $0x0  }
0x19: {  	s7 =	sld [smem:$0x3F88]  }
0x1a: {  	s8 =	sadd.s32 $0xFFFFE003, lr  }
0x1b: {  	s9 =	sadd.s32 $0xFFFFFEF7, lr;
	s5 =	simm.s32 $0xFFFFFFFF;
	p2 =	slt.u32 s8, $0xFFFFF086  }
0x1c: {  	p1 =	slt.u32 s9, $0xF7A;
	s5 =	simm.s32 @!p2 $0x0  }
0x1d: {  	s5 =	simm.s32 @p1 $0x1;
	p0 =	seq.s32 s7, s2  }
0x1e: {  	s7 =	smul.u32 @!p0 $0xF7A, s2;
	p2 =	seq.s32 @!p0 s5, $0x0  }
0x1f: {  	s9 =	smul.u32 $0xF7A, s1;
	s8 =	simm.s32 @!p0 $0x1BF5;
	p2 =	por !p2, p0  }
0x20: {  	[sflag:s8] =	ssyncset.s32 @!p0 $0xFFFFF086;
	s6 =	sadd.s32 @!p0 s3, s7;
	s7 =	simm.s32 @!p0 $0x108  }
0x21: {  	s3 =	sadd.s32 s3, s9;
	s6 =	sadd.s32 @!p0 $0x88, s6;
	s7 =	simm.s32 @p2 $0x1082  }
0x22: {  	[simem:s7], [sflag:s8] =	dma.local @!p0 [hbm:s6], $0xF7A  }
0x23: {  	s9 =	sor.u32 $0xD0000000, s2;
	s6 =	simm.s32 $0x108;
	_ =	swait.ge @!p0 [sflag:s8], $0x0  }
0x24: {  	s3 =	sadd.s32 $0x88, s3;
	s6 =	simm.s32 @!p1 $0x1082;
	[sflag:s4] =	ssyncset.s32 $0xFFFFF086  }
0x25: {  	[simem:s6], [sflag:s4] =	dma.local [hbm:s3], $0xF7A  }
0x26: {  	[smem:$0x3F88] =	sst s1;
	(tag) =	ssettag s2;
	_ =	strace s9  }
0x27: {  	s1 =	sld [smem:$0x3F98]  }
0x28: {  	s2 =	sld [smem:$0x3F99]  }
0x29: {  	s4 =	sld [smem:$0x3F9B]  }
0x2a: {  	p0 =	seq.s32 s5, $0x0;
	s5 =	sld [smem:$0x3F9C]  }
0x2b: {  	s6 =	sld [smem:$0x3F9D]  }
0x2c: {  	s7 =	sld [smem:$0x3F9E]  }
0x2d: {  	s3 =	simm.s32 $0x108;
	s8 =	sld [smem:$0x3F9F]  }
0x2e: {  	s3 =	simm.s32 @!p0 $0x1082;
	s9 =	sld [smem:$0x3FA0]  }
0x2f: {  	lr =	sadd.s32 s0, s3;
	s0 =	sld [smem:$0x3F97]  }
0x30: {  	s3 =	sld [smem:$0x3F9A]  }
0x31: {  	[smem:$0x3FA3] =	sst s10  }
0x32: {  	s10 =	sld [smem:$0x3FA1];
	_ =	sdelay $0x3  }
0x33: {  	p0 =	seq.s32 s10, $0x1;
	s10 =	sld [smem:$0x3FA3];
	_ =	sdelay $0x3  }
0x34: {  	[smem:$0x3FA3] =	sst s10  }
0x35: {  	s10 =	sld [smem:$0x3FA2];
	_ =	sdelay $0x3  }
0x36: {  	p1 =	seq.s32 s10, $0x1;
	s10 =	sld [smem:$0x3FA3];
	_ =	sdelay $0x3  }
0x37: {  	[smem:$0x3FA3] =	sst s10  }
0x38: {  	s10 =	sld [smem:$0x3FA4]  }
0x39: {  	_ = 	snop;
	(pc) =	sbr.ind lr, $3  }
0x3a: {  	_ = 	snop  }
0x3b: {  	_ = 	snop  }
0x3c: {  	p2 =	seq.s32 s10, $0x1;
	s10 =	sld [smem:$0x3FA3]  }
0x3d: {  	_ =	shalt  }
0x3e: {  	_ =	shalt  }
0x3f: {  	_ =	shalt  }
0x40: {  	_ =	shalt  }
0x41: {  	_ =	shalt  }
0x42: {  	_ =	shalt  }
0x43: {  	_ =	shalt  }
0x44: {  	_ =	shalt  }
0x45: {  	_ =	shalt  }
0x46: {  	_ =	shalt  }
0x47: {  	_ =	shalt  }
0x48: {  	_ =	shalt  }
0x49: {  	_ =	shalt  }
0x4a: {  	_ =	shalt  }
0x4b: {  	_ =	shalt  }
0x4c: {  	_ =	shalt  }
0x4d: {  	_ =	shalt  }
0x4e: {  	_ =	shalt  }
0x4f: {  	_ =	shalt  }
0x50: {  	_ =	shalt  }
0x51: {  	_ =	shalt  }
0x52: {  	_ =	shalt  }
0x53: {  	_ =	shalt  }
0x54: {  	_ =	shalt  }
0x55: {  	_ =	shalt  }
0x56: {  	_ =	shalt  }
0x57: {  	_ =	shalt  }
0x58: {  	_ =	shalt  }
0x59: {  	_ =	shalt  }
0x5a: {  	_ =	shalt  }
0x5b: {  	_ =	shalt  }
0x5c: {  	_ =	shalt  }
0x5d: {  	_ =	shalt  }
0x5e: {  	_ =	shalt  }
0x5f: {  	_ =	shalt  }
0x60: {  	_ =	shalt  }
0x61: {  	_ =	shalt  }
0x62: {  	_ =	shalt  }
0x63: {  	_ =	shalt  }
0x64: {  	_ =	shalt  }
0x65: {  	_ =	shalt  }
0x66: {  	_ =	shalt  }
0x67: {  	_ =	shalt  }
0x68: {  	_ =	shalt  }
0x69: {  	_ =	shalt  }
0x6a: {  	_ =	shalt  }
0x6b: {  	_ =	shalt  }
0x6c: {  	_ =	shalt  }
0x6d: {  	_ =	shalt  }
0x6e: {  	_ =	shalt  }
0x6f: {  	_ =	shalt  }
0x70: {  	_ =	shalt  }
0x71: {  	_ =	shalt  }
0x72: {  	_ =	shalt  }
0x73: {  	_ =	shalt  }
0x74: {  	_ =	shalt  }
0x75: {  	_ =	shalt  }
0x76: {  	_ =	shalt  }
0x77: {  	_ =	shalt  }
0x78: {  	_ =	shalt  }
0x79: {  	_ =	shalt  }
0x7a: {  	_ =	shalt  }
0x7b: {  	_ =	shalt  }
0x7c: {  	_ =	shalt  }
0x7d: {  	_ =	shalt  }
0x7e: {  	_ =	shalt  }
0x7f: {  	_ =	shalt  }
0x80: {  	_ =	shalt  }
0x81: {  	_ =	shalt  }
0x82: {  	_ =	shalt  }
0x83: {  	_ =	shalt  }
0x84: {  	_ =	shalt  }
0x85: {  	_ =	shalt  }
0x86: {  	_ =	shalt  }
0x87: {  	_ =	shalt  }
.Lfunc_end0:
.L_simem_size_0:
called_computation.1_lowered:
.L_overlay_start_0:
0x88: {  	s2 =	sld [smem:$0x3FD9]  }
0x89: {  	s3 =	sld [smem:$0x3FFE];
	_ =	sdelay $0x1  }
0x8a: {  	s1 =	srdreg.scid  }
0x8b: {  	s0 =	sand.u32 $0x1, s1  }
0x8c: {  	s14 =	sshll.u32 s0, $0xA;
	s2 =	sadd.s32 s3, s2  }
0x8d: {  	s2 =	sadd.s32 s2, s14  }
0x8e: {  	[smem:$0x3FAF] =	sst s2  }
0x8f: {  	_ = 	snop  }
0x90: {  	s2 =	sld [smem:$0x3FD0];
	_ =	sdelay $0x2  }
0x91: {  	s15 =	simm.s32 $0xB;
	s4 =	simm.s32 $0x10  }
0x92: {  	[smem:s4], [sflag:s15] =	dma.local [hbm:s2], $0x1  }
0x93: {  	_ =	swait.eq [sflag:s15], $0x1  }
0x94: {  	[sflag:s15] =	ssyncset.done $0x0  }
0x95: {  	s16 =	sld [smem:$0x10];
	[sflag:s15] =	ssyncadd.s32 $0xFFFFFFFF  }
0x96: {  	s17 =	sld [smem:$0x11];
	(tm) =	ssettm $0x1  }
0x97: {  	s18 =	sld [smem:$0x3FFB];
	_ =	sdelay $0x3  }
0x98: {  	_ =	strace s18  }
0x99: {  	s4 =	sld [smem:$0x3FFC];
	_ =	sdelay $0x3  }
0x9a: {  	_ =	strace s4  }
0x9b: {  	s4 =	sld [smem:$0x3FFD];
	_ =	sdelay $0x3  }
0x9c: {  	_ =	strace s4  }
0x9d: {  	_ =	strace $0x8FFFFFFF  }
0x9e: {  	s19 =	sld [smem:$0x3FDB];
	_ =	sdelay $0x1  }
0x9f: {  	s5 =	simm.s32 $_scs_section_size  }
0xa0: {  	s6 =	simm.s32 $_size__tile_overlayer_lowered;
	s7 =	simm.s32 $_tile_overlayer_lowered  }
0xa1: {  	s22 =	simm.s32 $0x1BFF;
	s21 =	sshll.u32 s7, $0x1;
	s4 =	sadd.s32 s5, s19  }
0xa2: {  	s8 =	simm.s32 $0x0;
	s20 =	sshll.u32 s6, $0x1;
	s6 =	sadd.s32 s21, s4  }
0xa3: {  	[timem:s8], [sflag:s22] =	dma.local [hbm:s6], s20  }
0xa4: {  	_ =	swait.ge [sflag:s22], s20  }
0xa5: {  	s5 =	ssub.s32 $0x0, s20;
	[sflag:s22] =	ssyncset.done $0x0  }
0xa6: {  	[sflag:s22] =	ssyncadd.s32 s5;
	_ =	sdelay $0x1  }
0xa7: {  	s23 =	simm.s32 $0x1B8B  }
0xa8: {  	_ =	swait.ge [sflag:s23], $0x1  }
0xa9: {  	[sflag:s23] =	ssyncset.done $0x0  }
0xaa: {  	s25 =	simm.s32 $0x1B8E;
	s24 =	sld [smem:$0x3FFE];
	[sflag:s23] =	ssyncadd.s32 $0xFFFFFFFF  }
0xab: {  	s26 =	simm.s32 $execute0_lowered;
	[smem:$0x3FD2] =	sst s25  }
0xac: {  	s6 =	sshll.u32 s26, $0x1;
	_ =	strace $0x80000046;
	[dreg:$0x1] =	wrdreg $0xFFFFFFFF  }
0xad: {  	s28 =	simm.s32 $_size_execute0_lowered;
	s4 =	sadd.s32 s4, s6;
	[dreg:$0x0] =	wrdreg $0x0  }
0xae: {  	s6 =	sshll.u32 s28, $0x1;
	[dreg:$0x2] =	wrdreg s4  }
0xaf: {  	[dreg:$0x3] =	wrdreg s6  }
0xb0: {  	[dreg:$0x4] =	wrdreg $0xC0  }
0xb1: {  	_ =	task [dreg:s8], $0x5FFFF  }
0xb2: {  	[dreg:$0x1] =	wrdreg $0xFFFFFFFF  }
0xb3: {  	[dreg:$0x0] =	wrdreg $0x60  }
0xb4: {  	[dreg:$0x2] =	wrdreg s24  }
0xb5: {  	[dreg:$0x3] =	wrdreg s17  }
0xb6: {  	[dreg:$0x4] =	wrdreg s16  }
0xb7: {  	[dreg:$0x5] =	wrdreg $0x9  }
0xb8: {  	_ =	task.clear_ibuf [dreg:s8], $0x6FFFF;
	_ =	strace $0x90000046  }
0xb9: {  	s29 =	simm.s32 $0x9;
	_ =	strace $0x80000048  }
0xba: {  	_ =	swait.ge [sflag:s29], $0x1  }
0xbb: {  	[sflag:s29] =	ssyncadd.s32 $0xFFFFFFFF  }
0xbc: {  	_ =	strace $0x90000048  }
0xbd: {  	_ =	sfence  }
0xbe: {  	s30 =	sld [smem:$0x0];
	_ =	sdelay $0x2  }
0xbf: {  	s31 =	sshll.u32 s1, $0xD;
	s1 =	sshrl.u32 s1, $0x2  }
0xc0: {  	s3 =	sand.u32 $0x4000, s31;
	s1 =	sadd.s32 s1, s30  }
0xc1: {  	s0 =	sor.u32 s3, s0;
	s1 =	sshll.u32 s1, $0x11  }
0xc2: {  	s0 =	sor.u32 s1, s0  }
0xc3: {  	s0 =	sadd.s32 $0x8F2B, s0  }
0xc4: {  	[sflag:s0] =	ssyncadd.remote.s32 $0x1  }
0xc5: {  	_ =	sfence.sel $0xFFFF  }
0xc6: {  	[dreg:$0x0] =	wrdreg $0xFFFFFFFF;
	(pc) =	sbr.abs _section_cstart, $3  }
0xc7: {  	[dreg:$0x1] =	wrdreg $0xFFFFFFFF  }
0xc8: {  	_ =	task.clear_ibuf [dreg:s8], $0x2FFFF;
	_ =	strace $0x9FFFFFFF  }
0xc9: {  	(tm) =	ssettm $0x7FFFFFFF  }
tec
execute0_lowered:
.L_overlay_start_1:
0x0: {  	(tag) =	ssettag $0x1  }
0x1: {  	s5 =	rddreg [dreg:$0x0]  }
0x2: {  	s1 =	rddreg [dreg:$0x1]  }
0x3: {  	s7 =	rddreg [dreg:$0x2];
	s3 =	simm.s32 $0x0  }
0x4: {  	s0 =	srdreg.scid;
	s4 =	simm.s32 $0x5800;
	[smem:$0x7FF] =	sst s3  }
0x5: {  	s14 =	simm.s32 $0x6000;
	_ =	strace $0x80000047;
	[dreg:$0x4] =	wrdreg s4  }
0x6: {  	s13 =	stileid.u32;
	s15 =	simm.s32 $0x6800;
	[dreg:$0x5] =	wrdreg s14  }
0x7: {  	s16 =	simm.s32 $0x7000;
	s17 =	simm.s32 $0x7800;
	[dreg:$0x6] =	wrdreg s15  }
0x8: {  	s10 =	simm.s32 $0x8000;
	s18 =	simm.s32 $0x8800;
	[dreg:$0x7] =	wrdreg s16  }
0x9: {  	s19 =	simm.s32 $0x9000;
	s20 =	simm.s32 $0x9800;
	[dreg:$0x8] =	wrdreg s17  }
0xa: {  	s21 =	simm.s32 $0xA000;
	s22 =	simm.s32 $0xA800;
	[dreg:$0x9] =	wrdreg s10  }
0xb: {  	s24 =	simm.s32 $0xB000;
	s25 =	simm.s32 $0xB800;
	[dreg:$0xa] =	wrdreg s18  }
0xc: {  	s28 =	simm.s32 $0x1;
	s29 =	simm.s32 $0x2;
	[dreg:$0xb] =	wrdreg s19  }
0xd: {  	s30 =	simm.s32 $0x3;
	s31 =	simm.s32 $0x4;
	[dreg:$0xc] =	wrdreg s20  }
0xe: {  	s2 =	sand.u32 $0x1, s0;
	s12 =	sshll.u32 s13, $0x1;
	[dreg:$0xd] =	wrdreg s21  }
0xf: {  	s6 =	sadd.s32 $0xD7C00, s5;
	s26 =	smul.u32 $0xA0000, s13;
	[dreg:$0xe] =	wrdreg s22  }
0x10: {  	s0 =	sor.u32 s2, s12;
	s4 =	sadd.s32 $0x3B400, s5;
	[dreg:$0xf] =	wrdreg s24  }
0x11: {  	s11 =	ssub.s32 $0x2, s2;
	[dreg:$0x10] =	wrdreg s25;
	s10 =	simm.s32 $0xC000  }
0x12: {  	s14 =	simm.s32 $0xD800;
	s15 =	smul.u32 $0x50000, s2;
	[dreg:$0x11] =	wrdreg s10  }
0x13: {  	s16 =	simm.s32 $0xE000;
	s17 =	smul.u32 $0x50000, s13;
	[dreg:$0x13] =	wrdreg s14  }
0x14: {  	s18 =	simm.s32 $0xE800;
	s19 =	simm.s32 $0xF000;
	[dreg:$0x14] =	wrdreg s16  }
0x15: {  	s21 =	simm.s32 $0xF800;
	s22 =	smul.u32 $0x28000, s2;
	[dreg:$0x15] =	wrdreg s18  }
0x16: {  	s24 =	smul.u32 $0xA0, s13;
	s25 =	simm.s32 $0x10800;
	[dreg:$0x16] =	wrdreg s19  }
0x17: {  	s2 =	smul.u32 $0x50, s2;
	s13 =	simm.s32 $0x12800;
	[dreg:$0x17] =	wrdreg s21  }
0x18: {  	s8 =	smul.u32 $0x500, s0;
	s0 =	sadd.s32 $0xAD7C00, s5;
	[dreg:$0x19] =	wrdreg s25  }
0x19: {  	s12 =	sshrl.u32 s11, $0x1;
	[dreg:$0x1c] =	wrdreg s13;
	s16 =	simm.s32 $0x13800  }
0x1a: {  	s18 =	simm.s32 $0x14000;
	s19 =	simm.s32 $0x14800;
	s21 =	simm.s32 $0x15800  }
0x1b: {  	s13 =	simm.s32 $0x5;
	s25 =	simm.s32 $0x17800;
	[dreg:$0x1e] =	wrdreg s16  }
0x1c: {  	s11 =	ssub.s32 s11, s12;
	s12 =	simm.s32 $0xC800;
	[dreg:$0x1f] =	wrdreg s18  }
0x1d: {  	s20 =	sadd.s32 s17, s0;
	s2 =	sadd.s32 s2, s24;
	[smem:$0x7F6] =	sst s19  }
0x1e: {  	[smem:$0x7F8] =	sst s21;
	s24 =	simm.s32 $0x17000;
	s16 =	simm.s32 $0xD000  }
0x1f: {  	[smem:$0x7FC] =	sst s25;
	s18 =	simm.s32 $0x18800;
	s19 =	simm.s32 $0x19000  }
0x20: {  	s21 =	simm.s32 $0x1A000;
	s25 =	simm.s32 $0x1C000;
	[dreg:$0x12] =	wrdreg s12  }
0x21: {  	s9 =	sadd.s32 s8, s5;
	s7 =	sadd.s32 s7, s8;
	[smem:$0x7FB] =	sst s24  }
0x22: {  	s11 =	smax.u32 s11, $0x1;
	s8 =	sadd.s32 s26, s6;
	[smem:$0x7F0] =	sst s7  }
0x23: {  	s26 =	simm.s32 $0x11800;
	s12 =	simm.s32 $0x12000;
	[smem:$0x7F2] =	sst s11  }
0x24: {  	s14 =	sshll.u32 s2, $0xC;
	s2 =	sshll.u32 s2, $0xB;
	[dreg:$0x1a] =	wrdreg s26  }
0x25: {  	s24 =	simm.s32 $0x1B800;
	s23 =	sadd.s32 $0x31400, s9;
	[dreg:$0x1b] =	wrdreg s12  }
0x26: {  	s7 =	sadd.s32 $0x3B500, s5;
	s8 =	sadd.s32 s15, s8;
	[smem:$0x7F1] =	sst s23  }
0x27: {  	s9 =	sadd.s32 s22, s20;
	s15 =	simm.s32 $0x13000;
	[smem:$0x7F3] =	sst s8  }
0x28: {  	s6 =	sadd.s32 s14, s6;
	s0 =	sadd.s32 s2, s0;
	[smem:$0x7F4] =	sst s9  }
0x29: {  	s20 =	simm.s32 $0x15000;
	s22 =	simm.s32 $0x16000;
	[dreg:$0x1d] =	wrdreg s15  }
0x2a: {  	s26 =	simm.s32 $0x18000;
	s23 =	simm.s32 $0x10000;
	[smem:$0x7F7] =	sst s20  }
0x2b: {  	s17 =	sadd.s32 $0x1000, s6;
	s2 =	sadd.s32 $0x800, s0;
	[smem:$0x7F9] =	sst s22  }
0x2c: {  	s15 =	simm.s32 $0x5000;
	[smem:$0x7FD] =	sst s26;
	s20 =	simm.s32 $0x19800  }
0x2d: {  	v2 =	vlaneseq.u32;
	s22 =	simm.s32 $0x1A800;
	s26 =	simm.s32 $0x1C800;
	[dreg:$0x18] =	wrdreg s23  }
0x2e: {  	vm0 =	vmmov $0xffff;
	v1 =	vshrl.u32 v2, $0x3;
	s0 =	simm.s32 $0x0;
	[smem:$0x7F5] =	sst s17;
	s23 =	simm.s32 $0x16800  }
0x2f: {  	v0 =	vand.u32 $0x7, v2;
	v2 =	vor.u32 $0x8, v2;
	v1 =	vmul.u32 $0x8, v1;
	s17 =	simm.s32 $0x11000;
	[smem:$0x7FA] =	sst s23;
	s23 =	simm.s32 $0x1B000  }
.LBB2_1:
0x30: {  	s5 =	sld [smem:$0x7F0];
	_ =	sdelay $0x2  }
0x31: {  	[tilespmem:s3], [sflag:$0x5] =	stream.linear.gather [hbm4b:s5+s3], $0x2800, $0x38;
	[tilespmem:$0x1D000] =	vst v63  }
0x32: {  	_ =	swait.ge [sflag:s13], $0x2800  }
0x33: {  	s14 =	sld [smem:$0x7F1]  }
0x34: {  	[sflag:s13] =	ssyncset.done $0x0  }
0x35: {  	s6 =	simm.s32 $0x2800;
	[sflag:s13] =	ssyncadd.s32 $0xFFFFD800  }
0x36: {  	[tilespmem:s6], [sflag:$0x5] =	stream.linear.gather [hbm4b:s14+s3], $0x2800, $0x38;
	[tilespmem:$0x1D000] =	vst v63  }
0x37: {  	_ =	swait.ge [sflag:s13], $0x2800  }
0x38: {  	s11 =	sld [smem:$0x7F5]  }
0x39: {  	s12 =	smov.u32 s2;
	[sflag:s13] =	ssyncset.done $0x0;
	s10 =	sld [smem:$0x7F4]  }
0x3a: {  	s8 =	simm.s32 $0x0;
	s9 =	sld [smem:$0x7F3];
	[sflag:s13] =	ssyncadd.s32 $0xFFFFD800  }
.LBB2_2:
0x3b: {  	s6 =	sshra.s32 s8, $0x2  }
0x3c: {  	v3 =	vld [tilespmem:s6+$0x0];
	_ =	sdelay $0x4  }
0x3d: {  	v4 =	vshll.u32 v3, $0x2  }
0x3e: {  	v3 =	vand.u32 $0x7, v3;
	v4 =	vand.u32 $0xFFFFFFE0, v4  }
0x3f: {  	v3 =	vor.u32 v3, v4  }
0x40: {  	v4 =	vperm.xlane v3, v0;
	_ =	sdelay $0x1  }
0x41: {  	v4 =	vadd.s32 v1, v4;
	_ =	sdelay $0x1  }
0x42: {  	v3 =	vperm.xlane v3, v2;
	_ =	sdelay $0x1  }
0x43: {  	v3 =	vadd.s32 v1, v3  }
0x44: {  	[tilespmem:s15], [sflag:$0x1] =	stream.indirect_vreg.gather [hbm4b:s4+s3], $0x80, v4, vm0, $0xb8;
	[tilespmem:$0x1D000] =	vst v63  }
0x45: {  	s5 =	rddreg [dreg:$0x4]  }
0x46: {  	[tilespmem:s5], [sflag:$0x1] =	stream.indirect_vreg.gather [hbm4b:s7+s3], $0x80, v4, vm0, $0xb8;
	[tilespmem:$0x1D000] =	vst v63  }
0x47: {  	s14 =	rddreg [dreg:$0x5]  }
0x48: {  	[tilespmem:s14], [sflag:$0x1] =	stream.indirect_vreg.gather [hbm4b:s4+s3], $0x80, v3, vm0, $0xb8;
	[tilespmem:$0x1D000] =	vst v63  }
0x49: {  	s5 =	rddreg [dreg:$0x6]  }
0x4a: {  	[tilespmem:s5], [sflag:$0x1] =	stream.indirect_vreg.gather [hbm4b:s7+s3], $0x80, v3, vm0, $0xb8;
	[tilespmem:$0x1D000] =	vst v63  }
0x4b: {  	v3 =	vld [tilespmem:s6+$0x10];
	_ =	sdelay $0x4  }
0x4c: {  	v49 =	vshll.u32 v3, $0x2  }
0x4d: {  	v3 =	vand.u32 $0x7, v3;
	v4 =	vand.u32 $0xFFFFFFE0, v49  }
0x4e: {  	v3 =	vor.u32 v3, v4  }
0x4f: {  	v4 =	vperm.xlane v3, v0;
	_ =	sdelay $0x1  }
0x50: {  	v4 =	vadd.s32 v1, v4;
	_ =	sdelay $0x1  }
0x51: {  	v3 =	vperm.xlane v3, v2;
	_ =	sdelay $0x1  }
0x52: {  	s5 =	rddreg [dreg:$0x7];
	v3 =	vadd.s32 v1, v3  }
0x53: {  	[tilespmem:s5], [sflag:$0x1] =	stream.indirect_vreg.gather [hbm4b:s4+s3], $0x80, v4, vm0, $0xb8;
	[tilespmem:$0x1D000] =	vst v63  }
0x54: {  	s14 =	rddreg [dreg:$0x8]  }
0x55: {  	[tilespmem:s14], [sflag:$0x1] =	stream.indirect_vreg.gather [hbm4b:s7+s3], $0x80, v4, vm0, $0xb8;
	[tilespmem:$0x1D000] =	vst v63  }
0x56: {  	s5 =	rddreg [dreg:$0x9]  }
0x57: {  	[tilespmem:s5], [sflag:$0x1] =	stream.indirect_vreg.gather [hbm4b:s4+s3], $0x80, v3, vm0, $0xb8;
	[tilespmem:$0x1D000] =	vst v63  }
0x58: {  	s14 =	rddreg [dreg:$0xa]  }
0x59: {  	[tilespmem:s14], [sflag:$0x1] =	stream.indirect_vreg.gather [hbm4b:s7+s3], $0x80, v3, vm0, $0xb8;
	[tilespmem:$0x1D000] =	vst v63  }
0x5a: {  	v3 =	vld [tilespmem:s6+$0x20];
	_ =	sdelay $0x4  }
0x5b: {  	v50 =	vshll.u32 v3, $0x2  }
0x5c: {  	v3 =	vand.u32 $0x7, v3;
	v4 =	vand.u32 $0xFFFFFFE0, v50  }
0x5d: {  	v3 =	vor.u32 v3, v4  }
0x5e: {  	v4 =	vperm.xlane v3, v0;
	_ =	sdelay $0x1  }
0x5f: {  	v4 =	vadd.s32 v1, v4;
	_ =	sdelay $0x1  }
0x60: {  	v3 =	vperm.xlane v3, v2;
	_ =	sdelay $0x1  }
0x61: {  	s5 =	rddreg [dreg:$0xb];
	v3 =	vadd.s32 v1, v3  }
0x62: {  	[tilespmem:s5], [sflag:$0x1] =	stream.indirect_vreg.gather [hbm4b:s4+s3], $0x80, v4, vm0, $0xb8;
	[tilespmem:$0x1D000] =	vst v63  }
0x63: {  	s14 =	rddreg [dreg:$0xc]  }
0x64: {  	[tilespmem:s14], [sflag:$0x1] =	stream.indirect_vreg.gather [hbm4b:s7+s3], $0x80, v4, vm0, $0xb8;
	[tilespmem:$0x1D000] =	vst v63  }
0x65: {  	s5 =	rddreg [dreg:$0xd]  }
0x66: {  	[tilespmem:s5], [sflag:$0x1] =	stream.indirect_vreg.gather [hbm4b:s4+s3], $0x80, v3, vm0, $0xb8;
	[tilespmem:$0x1D000] =	vst v63  }
0x67: {  	s14 =	rddreg [dreg:$0xe]  }
0x68: {  	[tilespmem:s14], [sflag:$0x1] =	stream.indirect_vreg.gather [hbm4b:s7+s3], $0x80, v3, vm0, $0xb8;
	[tilespmem:$0x1D000] =	vst v63  }
0x69: {  	v3 =	vld [tilespmem:s6+$0x30];
	_ =	sdelay $0x4  }
0x6a: {  	v51 =	vshll.u32 v3, $0x2  }
0x6b: {  	v3 =	vand.u32 $0x7, v3;
	v4 =	vand.u32 $0xFFFFFFE0, v51  }
0x6c: {  	v3 =	vor.u32 v3, v4  }
0x6d: {  	v4 =	vperm.xlane v3, v0;
	_ =	sdelay $0x1  }
0x6e: {  	v4 =	vadd.s32 v1, v4;
	_ =	sdelay $0x1  }
0x6f: {  	v3 =	vperm.xlane v3, v2;
	_ =	sdelay $0x1  }
0x70: {  	s5 =	rddreg [dreg:$0xf];
	v3 =	vadd.s32 v1, v3  }
0x71: {  	[tilespmem:s5], [sflag:$0x1] =	stream.indirect_vreg.gather [hbm4b:s4+s3], $0x80, v4, vm0, $0xb8;
	[tilespmem:$0x1D000] =	vst v63  }
0x72: {  	s14 =	rddreg [dreg:$0x10]  }
0x73: {  	[tilespmem:s14], [sflag:$0x1] =	stream.indirect_vreg.gather [hbm4b:s7+s3], $0x80, v4, vm0, $0xb8;
	[tilespmem:$0x1D000] =	vst v63  }
0x74: {  	s5 =	rddreg [dreg:$0x11]  }
0x75: {  	[tilespmem:s5], [sflag:$0x1] =	stream.indirect_vreg.gather [hbm4b:s4+s3], $0x80, v3, vm0, $0xb8;
	[tilespmem:$0x1D000] =	vst v63  }
0x76: {  	s14 =	rddreg [dreg:$0x12]  }
0x77: {  	[tilespmem:s14], [sflag:$0x1] =	stream.indirect_vreg.gather [hbm4b:s7+s3], $0x80, v3, vm0, $0xb8;
	[tilespmem:$0x1D000] =	vst v63  }
0x78: {  	v3 =	vld [tilespmem:s6+$0x2800];
	_ =	sdelay $0x4  }
0x79: {  	v52 =	vshll.u32 v3, $0x1  }
0x7a: {  	v3 =	vand.u32 $0x7, v3;
	v4 =	vand.u32 $0xFFFFFFF0, v52  }
0x7b: {  	v3 =	vor.u32 v3, v4  }
0x7c: {  	v4 =	vperm.xlane v3, v0;
	_ =	sdelay $0x1  }
0x7d: {  	v3 =	vperm.xlane v3, v2;
	v4 =	vadd.s32 v1, v4;
	_ =	sdelay $0x1  }
0x7e: {  	v3 =	vadd.s32 v1, v3;
	_ =	sdelay $0x2  }
0x7f: {  	[tilespmem:s16], [sflag:$0x2] =	stream.indirect_vreg.gather [hbm4b:s1+s3], $0x80, v4, vm0, $0xb8;
	[tilespmem:$0x1D000] =	vst v63  }
0x80: {  	s14 =	rddreg [dreg:$0x13]  }
0x81: {  	[tilespmem:s14], [sflag:$0x2] =	stream.indirect_vreg.gather [hbm4b:s1+s3], $0x80, v3, vm0, $0xb8;
	[tilespmem:$0x1D000] =	vst v63  }
0x82: {  	v3 =	vld [tilespmem:s6+$0x2810];
	_ =	sdelay $0x4  }
0x83: {  	v53 =	vshll.u32 v3, $0x1  }
0x84: {  	v3 =	vand.u32 $0x7, v3;
	v4 =	vand.u32 $0xFFFFFFF0, v53  }
0x85: {  	v3 =	vor.u32 v3, v4  }
0x86: {  	v4 =	vperm.xlane v3, v0;
	_ =	sdelay $0x1  }
0x87: {  	v3 =	vperm.xlane v3, v2;
	v4 =	vadd.s32 v1, v4;
	_ =	sdelay $0x1  }
0x88: {  	v3 =	vadd.s32 v1, v3;
	_ =	sdelay $0x1  }
0x89: {  	s5 =	rddreg [dreg:$0x14]  }
0x8a: {  	[tilespmem:s5], [sflag:$0x2] =	stream.indirect_vreg.gather [hbm4b:s1+s3], $0x80, v4, vm0, $0xb8;
	[tilespmem:$0x1D000] =	vst v63  }
0x8b: {  	s14 =	rddreg [dreg:$0x15]  }
0x8c: {  	[tilespmem:s14], [sflag:$0x2] =	stream.indirect_vreg.gather [hbm4b:s1+s3], $0x80, v3, vm0, $0xb8;
	[tilespmem:$0x1D000] =	vst v63  }
0x8d: {  	v3 =	vld [tilespmem:s6+$0x2820];
	_ =	sdelay $0x4  }
0x8e: {  	v54 =	vshll.u32 v3, $0x1  }
0x8f: {  	v3 =	vand.u32 $0x7, v3;
	v4 =	vand.u32 $0xFFFFFFF0, v54  }
0x90: {  	v3 =	vor.u32 v3, v4  }
0x91: {  	v4 =	vperm.xlane v3, v0;
	_ =	sdelay $0x1  }
0x92: {  	v3 =	vperm.xlane v3, v2;
	v4 =	vadd.s32 v1, v4;
	_ =	sdelay $0x1  }
0x93: {  	v3 =	vadd.s32 v1, v3;
	_ =	sdelay $0x1  }
0x94: {  	s5 =	rddreg [dreg:$0x16]  }
0x95: {  	[tilespmem:s5], [sflag:$0x2] =	stream.indirect_vreg.gather [hbm4b:s1+s3], $0x80, v4, vm0, $0xb8;
	[tilespmem:$0x1D000] =	vst v63  }
0x96: {  	s14 =	rddreg [dreg:$0x17]  }
0x97: {  	[tilespmem:s14], [sflag:$0x2] =	stream.indirect_vreg.gather [hbm4b:s1+s3], $0x80, v3, vm0, $0xb8;
	[tilespmem:$0x1D000] =	vst v63  }
0x98: {  	v3 =	vld [tilespmem:s6+$0x2830];
	_ =	sdelay $0x4  }
0x99: {  	v55 =	vshll.u32 v3, $0x1  }
0x9a: {  	v3 =	vand.u32 $0x7, v3;
	v4 =	vand.u32 $0xFFFFFFF0, v55  }
0x9b: {  	v3 =	vor.u32 v3, v4  }
0x9c: {  	v4 =	vperm.xlane v3, v0;
	_ =	sdelay $0x1  }
0x9d: {  	v3 =	vperm.xlane v3, v2;
	v4 =	vadd.s32 v1, v4;
	_ =	sdelay $0x1  }
0x9e: {  	v3 =	vadd.s32 v1, v3;
	_ =	sdelay $0x1  }
0x9f: {  	s5 =	rddreg [dreg:$0x18]  }
0xa0: {  	[tilespmem:s5], [sflag:$0x2] =	stream.indirect_vreg.gather [hbm4b:s1+s3], $0x80, v4, vm0, $0xb8;
	[tilespmem:$0x1D000] =	vst v63  }
0xa1: {  	s14 =	rddreg [dreg:$0x19]  }
0xa2: {  	[tilespmem:s14], [sflag:$0x2] =	stream.indirect_vreg.gather [hbm4b:s1+s3], $0x80, v3, vm0, $0xb8;
	[tilespmem:$0x1D000] =	vst v63  }
0xa3: {  	v3 =	vld [tilespmem:s6+$0x80];
	_ =	sdelay $0x4  }
0xa4: {  	v56 =	vshll.u32 v3, $0x2  }
0xa5: {  	v3 =	vand.u32 $0x7, v3;
	v4 =	vand.u32 $0xFFFFFFE0, v56  }
0xa6: {  	v3 =	vor.u32 v3, v4  }
0xa7: {  	v4 =	vperm.xlane v3, v0;
	_ =	sdelay $0x1  }
0xa8: {  	v4 =	vadd.s32 v1, v4;
	_ =	sdelay $0x1  }
0xa9: {  	v3 =	vperm.xlane v3, v2;
	_ =	sdelay $0x1  }
0xaa: {  	v3 =	vadd.s32 v1, v3  }
0xab: {  	[tilespmem:s17], [sflag:$0x3] =	stream.indirect_vreg.gather [hbm4b:s4+s3], $0x80, v4, vm0, $0xb8;
	[tilespmem:$0x1D000] =	vst v63  }
0xac: {  	s5 =	rddreg [dreg:$0x1a]  }
0xad: {  	[tilespmem:s5], [sflag:$0x3] =	stream.indirect_vreg.gather [hbm4b:s7+s3], $0x80, v4, vm0, $0xb8;
	[tilespmem:$0x1D000] =	vst v63  }
0xae: {  	s14 =	rddreg [dreg:$0x1b]  }
0xaf: {  	[tilespmem:s14], [sflag:$0x3] =	stream.indirect_vreg.gather [hbm4b:s4+s3], $0x80, v3, vm0, $0xb8;
	[tilespmem:$0x1D000] =	vst v63  }
0xb0: {  	s5 =	rddreg [dreg:$0x1c]  }
0xb1: {  	[tilespmem:s5], [sflag:$0x3] =	stream.indirect_vreg.gather [hbm4b:s7+s3], $0x80, v3, vm0, $0xb8;
	[tilespmem:$0x1D000] =	vst v63  }
0xb2: {  	v3 =	vld [tilespmem:s6+$0x90];
	_ =	sdelay $0x4  }
0xb3: {  	v57 =	vshll.u32 v3, $0x2  }
0xb4: {  	v3 =	vand.u32 $0x7, v3;
	v4 =	vand.u32 $0xFFFFFFE0, v57  }
0xb5: {  	v3 =	vor.u32 v3, v4  }
0xb6: {  	v4 =	vperm.xlane v3, v0;
	_ =	sdelay $0x1  }
0xb7: {  	v4 =	vadd.s32 v1, v4;
	_ =	sdelay $0x1  }
0xb8: {  	v3 =	vperm.xlane v3, v2  }
0xb9: {  	s14 =	rddreg [dreg:$0x1e]  }
0xba: {  	s5 =	rddreg [dreg:$0x1d];
	v3 =	vadd.s32 v1, v3  }
0xbb: {  	[tilespmem:s5], [sflag:$0x3] =	stream.indirect_vreg.gather [hbm4b:s4+s3], $0x80, v4, vm0, $0xb8;
	[tilespmem:$0x1D000] =	vst v63  }
0xbc: {  	s5 =	rddreg [dreg:$0x1f]  }
0xbd: {  	[tilespmem:s14], [sflag:$0x3] =	stream.indirect_vreg.gather [hbm4b:s7+s3], $0x80, v4, vm0, $0xb8;
	[tilespmem:$0x1D000] =	vst v63  }
0xbe: {  	s14 =	sld [smem:$0x7F6]  }
0xbf: {  	[tilespmem:s5], [sflag:$0x3] =	stream.indirect_vreg.gather [hbm4b:s4+s3], $0x80, v3, vm0, $0xb8;
	[tilespmem:$0x1D000] =	vst v63  }
0xc0: {  	_ = 	snop  }
0xc1: {  	[tilespmem:s14], [sflag:$0x3] =	stream.indirect_vreg.gather [hbm4b:s7+s3], $0x80, v3, vm0, $0xb8;
	[tilespmem:$0x1D000] =	vst v63  }
0xc2: {  	v3 =	vld [tilespmem:s6+$0xA0];
	_ =	sdelay $0x4  }
0xc3: {  	v58 =	vshll.u32 v3, $0x2  }
0xc4: {  	v3 =	vand.u32 $0x7, v3;
	v4 =	vand.u32 $0xFFFFFFE0, v58  }
0xc5: {  	v3 =	vor.u32 v3, v4  }
0xc6: {  	v4 =	vperm.xlane v3, v0;
	_ =	sdelay $0x1  }
0xc7: {  	v4 =	vadd.s32 v1, v4;
	_ =	sdelay $0x1  }
0xc8: {  	s5 =	sld [smem:$0x7F7];
	v3 =	vperm.xlane v3, v2;
	_ =	sdelay $0x1  }
0xc9: {  	s14 =	sld [smem:$0x7F8];
	v3 =	vadd.s32 v1, v3  }
0xca: {  	[tilespmem:s5], [sflag:$0x3] =	stream.indirect_vreg.gather [hbm4b:s4+s3], $0x80, v4, vm0, $0xb8;
	[tilespmem:$0x1D000] =	vst v63  }
0xcb: {  	s5 =	sld [smem:$0x7F9]  }
0xcc: {  	[tilespmem:s14], [sflag:$0x3] =	stream.indirect_vreg.gather [hbm4b:s7+s3], $0x80, v4, vm0, $0xb8;
	[tilespmem:$0x1D000] =	vst v63  }
0xcd: {  	s14 =	sld [smem:$0x7FA]  }
0xce: {  	[tilespmem:s5], [sflag:$0x3] =	stream.indirect_vreg.gather [hbm4b:s4+s3], $0x80, v3, vm0, $0xb8;
	[tilespmem:$0x1D000] =	vst v63  }
0xcf: {  	_ = 	snop  }
0xd0: {  	[tilespmem:s14], [sflag:$0x3] =	stream.indirect_vreg.gather [hbm4b:s7+s3], $0x80, v3, vm0, $0xb8;
	[tilespmem:$0x1D000] =	vst v63  }
0xd1: {  	v3 =	vld [tilespmem:s6+$0xB0];
	_ =	sdelay $0x4  }
0xd2: {  	v59 =	vshll.u32 v3, $0x2  }
0xd3: {  	v3 =	vand.u32 $0x7, v3;
	v4 =	vand.u32 $0xFFFFFFE0, v59  }
0xd4: {  	v3 =	vor.u32 v3, v4  }
0xd5: {  	v4 =	vperm.xlane v3, v0;
	_ =	sdelay $0x1  }
0xd6: {  	v4 =	vadd.s32 v1, v4;
	_ =	sdelay $0x1  }
0xd7: {  	s5 =	sld [smem:$0x7FB];
	v3 =	vperm.xlane v3, v2;
	_ =	sdelay $0x1  }
0xd8: {  	s14 =	sld [smem:$0x7FC];
	v3 =	vadd.s32 v1, v3  }
0xd9: {  	[tilespmem:s5], [sflag:$0x3] =	stream.indirect_vreg.gather [hbm4b:s4+s3], $0x80, v4, vm0, $0xb8;
	[tilespmem:$0x1D000] =	vst v63  }
0xda: {  	s5 =	sld [smem:$0x7FD]  }
0xdb: {  	[tilespmem:s14], [sflag:$0x3] =	stream.indirect_vreg.gather [hbm4b:s7+s3], $0x80, v4, vm0, $0xb8;
	[tilespmem:$0x1D000] =	vst v63  }
0xdc: {  	_ = 	snop  }
0xdd: {  	[tilespmem:s5], [sflag:$0x3] =	stream.indirect_vreg.gather [hbm4b:s4+s3], $0x80, v3, vm0, $0xb8;
	[tilespmem:$0x1D000] =	vst v63  }
0xde: {  	_ = 	snop  }
0xdf: {  	[tilespmem:s18], [sflag:$0x3] =	stream.indirect_vreg.gather [hbm4b:s7+s3], $0x80, v3, vm0, $0xb8;
	[tilespmem:$0x1D000] =	vst v63  }
0xe0: {  	v3 =	vld [tilespmem:s6+$0x2880];
	_ =	sdelay $0x4  }
0xe1: {  	v60 =	vshll.u32 v3, $0x1  }
0xe2: {  	v3 =	vand.u32 $0x7, v3;
	v4 =	vand.u32 $0xFFFFFFF0, v60  }
0xe3: {  	v3 =	vor.u32 v3, v4  }
0xe4: {  	v4 =	vperm.xlane v3, v0;
	_ =	sdelay $0x1  }
0xe5: {  	v3 =	vperm.xlane v3, v2;
	v4 =	vadd.s32 v1, v4;
	_ =	sdelay $0x1  }
0xe6: {  	v3 =	vadd.s32 v1, v3;
	_ =	sdelay $0x2  }
0xe7: {  	[tilespmem:s19], [sflag:$0x4] =	stream.indirect_vreg.gather [hbm4b:s1+s3], $0x80, v4, vm0, $0xb8;
	[tilespmem:$0x1D000] =	vst v63  }
0xe8: {  	_ = 	snop  }
0xe9: {  	[tilespmem:s20], [sflag:$0x4] =	stream.indirect_vreg.gather [hbm4b:s1+s3], $0x80, v3, vm0, $0xb8;
	[tilespmem:$0x1D000] =	vst v63  }
0xea: {  	v3 =	vld [tilespmem:s6+$0x2890];
	_ =	sdelay $0x4  }
0xeb: {  	v61 =	vshll.u32 v3, $0x1  }
0xec: {  	v3 =	vand.u32 $0x7, v3;
	v4 =	vand.u32 $0xFFFFFFF0, v61  }
0xed: {  	v3 =	vor.u32 v3, v4  }
0xee: {  	v4 =	vperm.xlane v3, v0;
	_ =	sdelay $0x1  }
0xef: {  	v3 =	vperm.xlane v3, v2;
	v4 =	vadd.s32 v1, v4;
	_ =	sdelay $0x1  }
0xf0: {  	v3 =	vadd.s32 v1, v3;
	_ =	sdelay $0x2  }
0xf1: {  	[tilespmem:s21], [sflag:$0x4] =	stream.indirect_vreg.gather [hbm4b:s1+s3], $0x80, v4, vm0, $0xb8;
	[tilespmem:$0x1D000] =	vst v63  }
0xf2: {  	_ = 	snop  }
0xf3: {  	[tilespmem:s22], [sflag:$0x4] =	stream.indirect_vreg.gather [hbm4b:s1+s3], $0x80, v3, vm0, $0xb8;
	[tilespmem:$0x1D000] =	vst v63  }
0xf4: {  	v3 =	vld [tilespmem:s6+$0x28A0];
	_ =	sdelay $0x4  }
0xf5: {  	v62 =	vshll.u32 v3, $0x1  }
0xf6: {  	v3 =	vand.u32 $0x7, v3;
	v4 =	vand.u32 $0xFFFFFFF0, v62  }
0xf7: {  	v3 =	vor.u32 v3, v4  }
0xf8: {  	v4 =	vperm.xlane v3, v0;
	_ =	sdelay $0x1  }
0xf9: {  	v3 =	vperm.xlane v3, v2;
	v4 =	vadd.s32 v1, v4;
	_ =	sdelay $0x1  }
0xfa: {  	v3 =	vadd.s32 v1, v3;
	_ =	sdelay $0x2  }
0xfb: {  	[tilespmem:s23], [sflag:$0x4] =	stream.indirect_vreg.gather [hbm4b:s1+s3], $0x80, v4, vm0, $0xb8;
	[tilespmem:$0x1D000] =	vst v63  }
0xfc: {  	_ = 	snop  }
0xfd: {  	[tilespmem:s24], [sflag:$0x4] =	stream.indirect_vreg.gather [hbm4b:s1+s3], $0x80, v3, vm0, $0xb8;
	[tilespmem:$0x1D000] =	vst v63  }
0xfe: {  	v3 =	vld [tilespmem:s6+$0x28B0];
	_ =	sdelay $0x4  }
0xff: {  	v63 =	vshll.u32 v3, $0x1  }
0x100: {  	v3 =	vand.u32 $0x7, v3;
	v4 =	vand.u32 $0xFFFFFFF0, v63  }
0x101: {  	v3 =	vor.u32 v3, v4  }
0x102: {  	v4 =	vperm.xlane v3, v0;
	_ =	sdelay $0x1  }
0x103: {  	v3 =	vperm.xlane v3, v2;
	v4 =	vadd.s32 v1, v4;
	_ =	sdelay $0x1  }
0x104: {  	v3 =	vadd.s32 v1, v3;
	_ =	sdelay $0x2  }
0x105: {  	[tilespmem:s25], [sflag:$0x4] =	stream.indirect_vreg.gather [hbm4b:s1+s3], $0x80, v4, vm0, $0xb8;
	[tilespmem:$0x1D000] =	vst v63  }
0x106: {  	_ = 	snop  }
0x107: {  	[tilespmem:s26], [sflag:$0x4] =	stream.indirect_vreg.gather [hbm4b:s1+s3], $0x80, v3, vm0, $0xb8;
	[tilespmem:$0x1D000] =	vst v63  }
0x108: {  	_ =	swait.ge [sflag:s28], $0x8000  }
0x109: {  	[sflag:s28] =	ssyncset.done $0x0  }
0x10a: {  	[sflag:s28] =	ssyncadd.s32 $0xFFFF8000  }
0x10b: {  	_ =	swait.ge [sflag:s29], $0x4000  }
0x10c: {  	[sflag:s29] =	ssyncset.done $0x0  }
0x10d: {  	[sflag:s29] =	ssyncadd.s32 $0xFFFFC000  }
0x10e: {  	[hbm4b:s9+s3] =	stream.linear.scatter [tilespmem:s15], [sflag:$0x5], $0x8000, $0x38;
	[tilespmem:$0x1D000] =	vst v63  }
0x10f: {  	_ =	swait.ge [sflag:s13], $0x8000  }
0x110: {  	[sflag:s13] =	ssyncset.done $0x0  }
0x111: {  	[sflag:s13] =	ssyncadd.s32 $0xFFFF8000  }
0x112: {  	[hbm4b:s10+s3] =	stream.linear.scatter [tilespmem:s16], [sflag:$0x5], $0x4000, $0x38;
	[tilespmem:$0x1D000] =	vst v63  }
0x113: {  	_ =	swait.ge [sflag:s13], $0x4000  }
0x114: {  	[sflag:s13] =	ssyncset.done $0x0  }
0x115: {  	[sflag:s13] =	ssyncadd.s32 $0xFFFFC000  }
0x116: {  	_ =	swait.ge [sflag:s30], $0x8000  }
0x117: {  	[sflag:s30] =	ssyncset.done $0x0  }
0x118: {  	[sflag:s30] =	ssyncadd.s32 $0xFFFF8000  }
0x119: {  	_ =	swait.ge [sflag:s31], $0x4000  }
0x11a: {  	[sflag:s31] =	ssyncset.done $0x0  }
0x11b: {  	[sflag:s31] =	ssyncadd.s32 $0xFFFFC000  }
0x11c: {  	[hbm4b:s11+s3] =	stream.linear.scatter [tilespmem:s17], [sflag:$0x5], $0x8000, $0x38;
	[tilespmem:$0x1D000] =	vst v63  }
0x11d: {  	_ =	swait.ge [sflag:s13], $0x8000  }
0x11e: {  	p0 =	sne.s32 s8, $0x9C00;
	[sflag:s13] =	ssyncset.done $0x0  }
.Ltmp0:
0x11f: {  	[sflag:s13] =	ssyncadd.s32 $0xFFFF8000;
	(pc) =	sbr.rel @p0 .LBB2_2-.Ltmp0, $4  }
0x120: {  	[hbm4b:s12+s3] =	stream.linear.scatter [tilespmem:s19], [sflag:$0x5], $0x4000, $0x38;
	[tilespmem:$0x1D000] =	vst v63  }
0x121: {  	s8 =	sadd.s32 $0x400, s8;
	_ =	swait.ge [sflag:s13], $0x4000  }
0x122: {  	s9 =	sadd.s32 $0x2000, s9;
	s10 =	sadd.s32 $0x1000, s10;
	[sflag:s13] =	ssyncset.done $0x0  }
0x123: {  	s11 =	sadd.s32 $0x2000, s11;
	s12 =	sadd.s32 $0x1000, s12;
	[sflag:s13] =	ssyncadd.s32 $0xFFFFC000  }
0x124: {  	s5 =	sld [smem:$0x7F2];
	_ =	sdelay $0x1  }
0x125: {  	s0 =	sadd.s32 $0x1, s0  }
0x126: {  	p0 =	sne.s32 s0, s5  }
.Ltmp1:
0x127: {  	_ = 	snop;
	(pc) =	sbr.rel @p0 .LBB2_1-.Ltmp1, $1  }
0x128: {  	_ =	sdelay $0x3  }
0x129: {  	_ =	sfence.sel $0x180000  }
0x12a: {  	[bflag:$0x0] =	sbarrier.arrive $0xFFFF  }
0x12b: {  	_ =	strace $0x90000047  }
0x12c: {  	s0 =	stileid.u32;
	[bflag:$0x2] =	sbarrier.arrive $0xFFFF  }
0x12d: {  	p0 =	sne.s32 s0, $0x0;
	s0 =	rddreg [dreg:$0x3]  }
0x12e: {  	s0 =	sadd.s32 @!p0 $0x100000, s0  }
0x12f: {  	[sflag:s0] =	ssyncadd.tile.s32 @!p0 $0x1;
	_ =	shalt  }
.Lfunc_end2:
_tile_overlayer_lowered:
.L_overlay_start_2:
0x130: {  	(tag) =	ssettag $0x2  }
0x131: {  	s0 =	rddreg [dreg:$0x0];
	s2 =	stileid.u32  }
0x132: {  	s1 =	rddreg [dreg:$0x1];
	p0 =	sne.s32 s2, $0x0  }
0x133: {  	s3 =	rddreg [dreg:$0x2];
	[bflag:$0x3] =	sbarrier.arrive $0xFFFF;
	s2 =	simm.s32 @!p0 $0x1C05  }
0x134: {  	[timem:s3], [sflag:s2] =	dma.local @!p0 [hbm:s0], s1  }
0x135: {  	s0 =	simm.s32 @!p0 $0x5  }
0x136: {  	_ =	swait.ge @!p0 [sflag:s0], s1  }
0x137: {  	s1 =	ssub.s32 @!p0 $0x0, s1;
	[sflag:s0] =	ssyncset.done @!p0 $0x0  }
0x138: {  	[sflag:s0] =	ssyncadd.s32 @!p0 s1  }
0x139: {  	[bflag:$0x3] =	sbarrier.arrive $0xFFFF  }
0x13a: {  	_ =	shalt  }

// kernel: scatter_offload_async_start
scs
__scs_entry_jumppad:
0x0: {  	(pc) =	sbr.rel $0x88, $3  }
0x1: {  	(tag) =	ssettag $0x0;
	lr =	simm.s32 $0x1  }
0x2: {  	[smem:$0x3F88] =	sst lr;
	_ =	strace $0xD0000000  }
0x3: {  	_ = 	snop  }
0x4: {  	_ = 	snop  }
0x5: {  	_ = 	snop  }
0x6: {  	_ = 	snop  }
0x7: {  	_ = 	snop  }
__scs_overlays_trampoline_lowered:
0x8: {  	[smem:$0x3F97] =	sst s0  }
0x9: {  	[smem:$0x3F98] =	sst s1  }
0xa: {  	[smem:$0x3F99] =	sst s2  }
0xb: {  	[smem:$0x3F9A] =	sst s3  }
0xc: {  	[smem:$0x3F9B] =	sst s4  }
0xd: {  	[smem:$0x3F9C] =	sst s5  }
0xe: {  	[smem:$0x3F9D] =	sst s6  }
0xf: {  	[smem:$0x3F9E] =	sst s7  }
0x10: {  	[smem:$0x3F9F] =	sst s8  }
0x11: {  	[smem:$0x3FA0] =	sst s9;
	s0 =	simm.s32 @!p0 $0x0  }
0x12: {  	s1 =	sld [smem:$0x3F86];
	s0 =	simm.s32 @p0 $0x1  }
0x13: {  	[smem:$0x3FA1] =	sst s0;
	s0 =	simm.s32 @!p1 $0x0  }
0x14: {  	s2 =	sld [smem:$0x3F85];
	s0 =	simm.s32 @p1 $0x1  }
0x15: {  	[smem:$0x3FA2] =	sst s0;
	s0 =	simm.s32 @!p2 $0x0  }
0x16: {  	s3 =	sld [smem:$0x3FDB];
	s0 =	simm.s32 @p2 $0x1  }
0x17: {  	s4 =	simm.s32 $0x1BF5;
	[smem:$0x3FA4] =	sst s0  }
0x18: {  	s0 =	sld [smem:$0x3F87];
	_ =	swait.ge [sflag:s4], $0x0  }
0x19: {  	s7 =	sld [smem:$0x3F88]  }
0x1a: {  	s8 =	sadd.s32 $0xFFFFE003, lr  }
0x1b: {  	s9 =	sadd.s32 $0xFFFFFEF7, lr;
	s5 =	simm.s32 $0xFFFFFFFF;
	p2 =	slt.u32 s8, $0xFFFFF086  }
0x1c: {  	p1 =	slt.u32 s9, $0xF7A;
	s5 =	simm.s32 @!p2 $0x0  }
0x1d: {  	s5 =	simm.s32 @p1 $0x1;
	p0 =	seq.s32 s7, s2  }
0x1e: {  	s7 =	smul.u32 @!p0 $0xF7A, s2;
	p2 =	seq.s32 @!p0 s5, $0x0  }
0x1f: {  	s9 =	smul.u32 $0xF7A, s1;
	s8 =	simm.s32 @!p0 $0x1BF5;
	p2 =	por !p2, p0  }
0x20: {  	[sflag:s8] =	ssyncset.s32 @!p0 $0xFFFFF086;
	s6 =	sadd.s32 @!p0 s3, s7;
	s7 =	simm.s32 @!p0 $0x108  }
0x21: {  	s3 =	sadd.s32 s3, s9;
	s6 =	sadd.s32 @!p0 $0x88, s6;
	s7 =	simm.s32 @p2 $0x1082  }
0x22: {  	[simem:s7], [sflag:s8] =	dma.local @!p0 [hbm:s6], $0xF7A  }
0x23: {  	s9 =	sor.u32 $0xD0000000, s2;
	s6 =	simm.s32 $0x108;
	_ =	swait.ge @!p0 [sflag:s8], $0x0  }
0x24: {  	s3 =	sadd.s32 $0x88, s3;
	s6 =	simm.s32 @!p1 $0x1082;
	[sflag:s4] =	ssyncset.s32 $0xFFFFF086  }
0x25: {  	[simem:s6], [sflag:s4] =	dma.local [hbm:s3], $0xF7A  }
0x26: {  	[smem:$0x3F88] =	sst s1;
	(tag) =	ssettag s2;
	_ =	strace s9  }
0x27: {  	s1 =	sld [smem:$0x3F98]  }
0x28: {  	s2 =	sld [smem:$0x3F99]  }
0x29: {  	s4 =	sld [smem:$0x3F9B]  }
0x2a: {  	p0 =	seq.s32 s5, $0x0;
	s5 =	sld [smem:$0x3F9C]  }
0x2b: {  	s6 =	sld [smem:$0x3F9D]  }
0x2c: {  	s7 =	sld [smem:$0x3F9E]  }
0x2d: {  	s3 =	simm.s32 $0x108;
	s8 =	sld [smem:$0x3F9F]  }
0x2e: {  	s3 =	simm.s32 @!p0 $0x1082;
	s9 =	sld [smem:$0x3FA0]  }
0x2f: {  	lr =	sadd.s32 s0, s3;
	s0 =	sld [smem:$0x3F97]  }
0x30: {  	s3 =	sld [smem:$0x3F9A]  }
0x31: {  	[smem:$0x3FA3] =	sst s10  }
0x32: {  	s10 =	sld [smem:$0x3FA1];
	_ =	sdelay $0x3  }
0x33: {  	p0 =	seq.s32 s10, $0x1;
	s10 =	sld [smem:$0x3FA3];
	_ =	sdelay $0x3  }
0x34: {  	[smem:$0x3FA3] =	sst s10  }
0x35: {  	s10 =	sld [smem:$0x3FA2];
	_ =	sdelay $0x3  }
0x36: {  	p1 =	seq.s32 s10, $0x1;
	s10 =	sld [smem:$0x3FA3];
	_ =	sdelay $0x3  }
0x37: {  	[smem:$0x3FA3] =	sst s10  }
0x38: {  	s10 =	sld [smem:$0x3FA4]  }
0x39: {  	_ = 	snop;
	(pc) =	sbr.ind lr, $3  }
0x3a: {  	_ = 	snop  }
0x3b: {  	_ = 	snop  }
0x3c: {  	p2 =	seq.s32 s10, $0x1;
	s10 =	sld [smem:$0x3FA3]  }
0x3d: {  	_ =	shalt  }
0x3e: {  	_ =	shalt  }
0x3f: {  	_ =	shalt  }
0x40: {  	_ =	shalt  }
0x41: {  	_ =	shalt  }
0x42: {  	_ =	shalt  }
0x43: {  	_ =	shalt  }
0x44: {  	_ =	shalt  }
0x45: {  	_ =	shalt  }
0x46: {  	_ =	shalt  }
0x47: {  	_ =	shalt  }
0x48: {  	_ =	shalt  }
0x49: {  	_ =	shalt  }
0x4a: {  	_ =	shalt  }
0x4b: {  	_ =	shalt  }
0x4c: {  	_ =	shalt  }
0x4d: {  	_ =	shalt  }
0x4e: {  	_ =	shalt  }
0x4f: {  	_ =	shalt  }
0x50: {  	_ =	shalt  }
0x51: {  	_ =	shalt  }
0x52: {  	_ =	shalt  }
0x53: {  	_ =	shalt  }
0x54: {  	_ =	shalt  }
0x55: {  	_ =	shalt  }
0x56: {  	_ =	shalt  }
0x57: {  	_ =	shalt  }
0x58: {  	_ =	shalt  }
0x59: {  	_ =	shalt  }
0x5a: {  	_ =	shalt  }
0x5b: {  	_ =	shalt  }
0x5c: {  	_ =	shalt  }
0x5d: {  	_ =	shalt  }
0x5e: {  	_ =	shalt  }
0x5f: {  	_ =	shalt  }
0x60: {  	_ =	shalt  }
0x61: {  	_ =	shalt  }
0x62: {  	_ =	shalt  }
0x63: {  	_ =	shalt  }
0x64: {  	_ =	shalt  }
0x65: {  	_ =	shalt  }
0x66: {  	_ =	shalt  }
0x67: {  	_ =	shalt  }
0x68: {  	_ =	shalt  }
0x69: {  	_ =	shalt  }
0x6a: {  	_ =	shalt  }
0x6b: {  	_ =	shalt  }
0x6c: {  	_ =	shalt  }
0x6d: {  	_ =	shalt  }
0x6e: {  	_ =	shalt  }
0x6f: {  	_ =	shalt  }
0x70: {  	_ =	shalt  }
0x71: {  	_ =	shalt  }
0x72: {  	_ =	shalt  }
0x73: {  	_ =	shalt  }
0x74: {  	_ =	shalt  }
0x75: {  	_ =	shalt  }
0x76: {  	_ =	shalt  }
0x77: {  	_ =	shalt  }
0x78: {  	_ =	shalt  }
0x79: {  	_ =	shalt  }
0x7a: {  	_ =	shalt  }
0x7b: {  	_ =	shalt  }
0x7c: {  	_ =	shalt  }
0x7d: {  	_ =	shalt  }
0x7e: {  	_ =	shalt  }
0x7f: {  	_ =	shalt  }
0x80: {  	_ =	shalt  }
0x81: {  	_ =	shalt  }
0x82: {  	_ =	shalt  }
0x83: {  	_ =	shalt  }
0x84: {  	_ =	shalt  }
0x85: {  	_ =	shalt  }
0x86: {  	_ =	shalt  }
0x87: {  	_ =	shalt  }
.Lfunc_end0:
.L_simem_size_0:
called_computation_lowered:
.L_overlay_start_0:
0x88: {  	s0 =	sld [smem:$0x3FD9]  }
0x89: {  	s1 =	sld [smem:$0x3FFE];
	_ =	sdelay $0x3  }
0x8a: {  	s0 =	sadd.s32 s1, s0  }
0x8b: {  	[smem:$0x3FAF] =	sst s0  }
0x8c: {  	_ = 	snop  }
0x8d: {  	s0 =	sld [smem:$0x3FD0];
	_ =	sdelay $0x2  }
0x8e: {  	s13 =	simm.s32 $0xB;
	s2 =	simm.s32 $0x10  }
0x8f: {  	[smem:s2], [sflag:s13] =	dma.local [hbm:s0], $0x1  }
0x90: {  	_ =	swait.eq [sflag:s13], $0x1  }
0x91: {  	[sflag:s13] =	ssyncset.done $0x0  }
0x92: {  	[sflag:s13] =	ssyncadd.s32 $0xFFFFFFFF  }
0x93: {  	s14 =	sld [smem:$0x11];
	(tm) =	ssettm $0x1  }
0x94: {  	s15 =	sld [smem:$0x3FFB];
	_ =	sdelay $0x3  }
0x95: {  	_ =	strace s15  }
0x96: {  	s1 =	sld [smem:$0x3FFC];
	_ =	sdelay $0x3  }
0x97: {  	_ =	strace s1  }
0x98: {  	s1 =	sld [smem:$0x3FFD];
	_ =	sdelay $0x3  }
0x99: {  	_ =	strace s1  }
0x9a: {  	_ =	strace $0x8FFFFFFF  }
0x9b: {  	s16 =	sld [smem:$0x3FDB];
	_ =	sdelay $0x1  }
0x9c: {  	s17 =	simm.s32 $_scs_section_size  }
0x9d: {  	s3 =	simm.s32 $_size__tile_overlayer_lowered;
	s4 =	simm.s32 $_tile_overlayer_lowered  }
0x9e: {  	s20 =	simm.s32 $0x1BFF;
	s19 =	sshll.u32 s4, $0x1;
	s1 =	sadd.s32 s17, s16  }
0x9f: {  	s5 =	simm.s32 $0x0;
	s18 =	sshll.u32 s3, $0x1;
	s3 =	sadd.s32 s19, s1  }
0xa0: {  	[timem:s5], [sflag:s20] =	dma.local [hbm:s3], s18  }
0xa1: {  	_ =	swait.ge [sflag:s20], s18  }
0xa2: {  	s2 =	ssub.s32 $0x0, s18;
	[sflag:s20] =	ssyncset.done $0x0  }
0xa3: {  	[sflag:s20] =	ssyncadd.s32 s2;
	_ =	sdelay $0x1  }
0xa4: {  	s21 =	simm.s32 $0x1B8B  }
0xa5: {  	_ =	swait.ge [sflag:s21], $0x1  }
0xa6: {  	[sflag:s21] =	ssyncset.done $0x0  }
0xa7: {  	s23 =	simm.s32 $0x1B8E;
	s22 =	sld [smem:$0x3FFE];
	[sflag:s21] =	ssyncadd.s32 $0xFFFFFFFF  }
0xa8: {  	s24 =	simm.s32 $execute0_lowered;
	[smem:$0x3FD2] =	sst s23  }
0xa9: {  	s3 =	sshll.u32 s24, $0x1;
	_ =	strace $0x80000049;
	[dreg:$0x1] =	wrdreg $0xFFFFFFFF  }
0xaa: {  	s25 =	simm.s32 $_size_execute0_lowered;
	s1 =	sadd.s32 s1, s3;
	[dreg:$0x0] =	wrdreg $0x0  }
0xab: {  	s3 =	sshll.u32 s25, $0x1;
	[dreg:$0x2] =	wrdreg s1  }
0xac: {  	[dreg:$0x3] =	wrdreg s3  }
0xad: {  	[dreg:$0x4] =	wrdreg $0xC0  }
0xae: {  	_ =	task [dreg:s5], $0x5FFFF  }
0xaf: {  	[dreg:$0x1] =	wrdreg $0xFFFFFFFF  }
0xb0: {  	[dreg:$0x0] =	wrdreg $0x60  }
0xb1: {  	[dreg:$0x2] =	wrdreg s14  }
0xb2: {  	[dreg:$0x3] =	wrdreg s22  }
0xb3: {  	[dreg:$0x4] =	wrdreg $0x9  }
0xb4: {  	_ =	task.clear_ibuf [dreg:s5], $0x5FFFF;
	_ =	strace $0x90000049  }
0xb5: {  	s26 =	simm.s32 $0x9;
	_ =	strace $0x8000004B  }
0xb6: {  	_ =	swait.ge [sflag:s26], $0x1  }
0xb7: {  	[sflag:s26] =	ssyncadd.s32 $0xFFFFFFFF  }
0xb8: {  	_ =	strace $0x9000004B  }
0xb9: {  	_ =	sfence  }
0xba: {  	s28 =	sld [smem:$0x0];
	_ =	sdelay $0x1  }
0xbb: {  	s29 =	srdreg.scid  }
0xbc: {  	s30 =	sshll.u32 s29, $0xD;
	s31 =	sshrl.u32 s29, $0x2  }
0xbd: {  	s2 =	sand.u32 $0x4000, s30;
	s1 =	sand.u32 $0x1, s29;
	s0 =	sadd.s32 s31, s28  }
0xbe: {  	s1 =	sor.u32 s2, s1;
	s0 =	sshll.u32 s0, $0x11  }
0xbf: {  	s0 =	sor.u32 s0, s1  }
0xc0: {  	s0 =	sadd.s32 $0x8F2B, s0  }
0xc1: {  	[sflag:s0] =	ssyncadd.remote.s32 $0x1  }
0xc2: {  	_ =	sfence.sel $0xFFFF  }
0xc3: {  	[dreg:$0x0] =	wrdreg $0xFFFFFFFF;
	(pc) =	sbr.abs _section_cstart, $3  }
0xc4: {  	[dreg:$0x1] =	wrdreg $0xFFFFFFFF  }
0xc5: {  	_ =	task.clear_ibuf [dreg:s5], $0x2FFFF;
	_ =	strace $0x9FFFFFFF  }
0xc6: {  	(tm) =	ssettm $0x7FFFFFFF  }
0xc7: {  	_ =	shalt  }
tec
execute0_lowered:
.L_overlay_start_1:
0x0: {  	(tag) =	ssettag $0x1  }
0x1: {  	s1 =	rddreg [dreg:$0x0]  }
0x2: {  	s0 =	rddreg [dreg:$0x1];
	s14 =	stileid.u32  }
0x3: {  	_ =	strace $0x8000004A;
	s2 =	simm.s32 $0x1;
	s3 =	smin.u32 s14, $0x4  }
0x4: {  	v1 =	vimm.s32 $0xFFFFFFFF;
	[sflag:s2] =	ssyncpa.u1 $0x0;
	s3 =	sadd.s32 s14, s3  }
0x5: {  	s4 =	simm.s32 $0x3E80;
	p0 =	slt.u32 s14, $0x4;
	[tilespmem:$0x10] =	vst v1;
	s3 =	smul.u32 $0x1F40, s3  }
0x6: {  	v0 =	vimm.f32 $0.0e+00;
	[tilespmem:$0x20] =	vst v1;
	s4 =	simm.s32 @!p0 $0x1F40  }
0x7: {  	[tilespmem:$0x30] =	vst v0;
	s4 =	sadd.s32 s4, s3  }
0x8: {  	[tilespmem:$0x40] =	vst v0;
	s4 =	smin.u32 s4, $0x27100  }
0x9: {  	[tilespmem:$0x50] =	vst v0;
	s9 =	ssub.s32 s4, s3  }
0xa: {  	s7 =	simm.s32 $0x2;
	[tilespmem:$0x60] =	vst v1;
	p0 =	sgt.s32 s9, $0x0  }
0xb: {  	s8 =	simm.s32 $0x8;
	s31 =	simm.s32 $0x9;
	[tilespmem:$0x70] =	vst v1;
	s9 =	simm.s32 @!p0 $0x0  }
0xc: {  	s16 =	simm.s32 $0x0;
	s17 =	simm.s32 $0xF0;
	[tilespmem:$0x80] =	vst v1;
	s5 =	smulhi.u32 $0x10624DD3, s9  }
0xd: {  	s18 =	simm.s32 $0xFFFFFFFF;
	s19 =	simm.s32 $0xFFFFC280;
	s20 =	simm.s32 $0xFFFFFFFE;
	v1 =	vimm.s32 $0x0;
	[tilespmem:$0xB0] =	vst v0  }
0xe: {  	s21 =	simm.s32 $0xF;
	s25 =	simm.s32 $0x0;
	[tilespmem:$0x90] =	vst v1;
	s10 =	sshrl.u32 s5, $0x9  }
0xf: {  	[tilespmem:$0xA0] =	vst v1;
	[sflag:s7] =	ssyncpa.u1 $0x0;
	s7 =	simm.s32 $0x7;
	s11 =	smul.u32 $0x1F40, s10  }
0x10: {  	s24 =	simm.s32 $0x0;
	s6 =	sadd.s32 $0x124DC00, s0;
	[sflag:s7] =	ssyncpa.u1 $0x0  }
.Ltmp0:
0x11: {  	[sflag:s8] =	ssyncpa.u1 $0x0;
	p0 =	sne.s32 s9, s11;
	(pc) =	sbr.rel .LBB2_1-.Ltmp0, $4  }
0x12: {  	s23 =	smov.u32 s3;
	[sflag:s31] =	ssyncpa.u1 $0x0;
	s2 =	simm.s32 @!p0 $0x0  }
0x13: {  	s5 =	sadd.s32 $0x1248C00, s0;
	p0 =	por $0x0, $0x0;
	s9 =	sadd.s32 s2, s10  }
0x14: {  	vm0 =	vmmov $0xffff;
	v2 =	vlaneseq.u32;
	s10 =	sshll.u32 s14, $0x1;
	s14 =	sshllo.u32 s14, $0x1;
	s11 =	sadd.s32 $0x1, s9  }
0x15: {  	vm1 =	vmxor vm1, vm1;
	vm2 =	vmmov $0x1;
	vm3 =	vcmask $0x3F3C;
	s12 =	sadd.s32 $0x2, s9;
	s13 =	sor.u32 $0x81, s10;
	s15 =	sor.u32 $0x80, s10  }
.LBB2_9:
0x16: {  	p1 =	slt.u32 s24, $0x3  }
0x17: {  	s0 =	simm.s32 @!p1 $0x2  }
0x18: {  	_ =	swait.ge @!p1 [sflag:s0], $0x1F40  }
0x19: {  	[sflag:s0] =	ssyncset.done @!p1 $0x0  }
0x1a: {  	[sflag:s0] =	ssyncadd.s32 @!p1 $0xFFFFE0C0;
	s0 =	simm.s32 @!p1 $0x9  }
0x1b: {  	_ =	swait.ge @!p1 [sflag:s0], $0x10  }
0x1c: {  	[sflag:s0] =	ssyncset.done @!p1 $0x0  }
0x1d: {  	[sflag:s0] =	ssyncadd.s32 @!p1 $0xFFFFFFF0;
	p1 =	sne.s32 s24, s12  }
.Ltmp1:
0x1e: {  	s2 =	sadd.s32 $0x1F40, s23;
	(pc) =	sbr.rel @!p1 .LBB2_10-.Ltmp1, $4  }
0x1f: {  	s22 =	smov.u32 s3;
	s31 =	sadd.s32 $0x1, s24;
	s17 =	sadd.s32 $0x1F40, s17  }
0x20: {  	s18 =	sadd.s32 $0x1, s18;
	s25 =	smov.u32 s23;
	p2 =	slt.s32 s2, s4  }
0x21: {  	p0 =	por !p0, !p0;
	s19 =	sadd.s32 $0x1F40, s19;
	s22 =	smov.u32 @p2 s2  }
0x22: {  	s20 =	sadd.s32 $0x1, s20;
	s23 =	smov.u32 s22;
	s24 =	smov.u32 s31  }
.LBB2_1:
0x23: {  	p1 =	sge.u32 s24, s9  }
0x24: {  	s0 =	smulhi.u32 @!p1 $0xAAAAAAAB, s24;
	_ =	sdelay $0x1  }
0x25: {  	s0 =	sshrl.u32 @!p1 s0, $0x1  }
0x26: {  	s0 =	smul.u32 @!p1 $0x3, s0;
	_ =	sdelay $0x1  }
0x27: {  	s0 =	ssub.s32 @!p1 s24, s0  }
0x28: {  	s0 =	smul.u32 @!p1 $0x7D00, s0;
	_ =	sdelay $0x1  }
0x29: {  	s2 =	sshrl.u32 @!p1 s23, $0x3;
	s0 =	sshrl.u32 @!p1 s0, $0x2  }
0x2a: {  	s22 =	sand.u32 @!p1 $0x7, s23;
	s2 =	sadd.s32 @!p1 s5, s2;
	s0 =	sadd.s32 @!p1 $0x100, s0  }
0x2b: {  	[tilespmem:s0], [sflag:$0x7] =	stream.linear.gather @!p1 [hbm4b:s2+s22], $0x1F40, $0x38;
	[tilespmem:$0x11A60] =	vst v63  }
0x2c: {  	s0 =	sadd.s32 $0xFFFFFFFF, s24  }
0x2d: {  	p1 =	sge.u32 s0, s9  }
.Ltmp2:
0x2e: {  	_ = 	snop;
	(pc) =	sbr.rel @p1 .LBB2_5-.Ltmp2, $1  }
0x2f: {  	_ =	sdelay $0x3  }
0x30: {  	s2 =	smulhi.u32 $0xAAAAAAAB, s0;
	_ =	sdelay $0x1  }
0x31: {  	s2 =	sshrl.u32 s2, $0x1  }
0x32: {  	s2 =	smul.u32 $0x3, s2;
	_ =	sdelay $0x1  }
0x33: {  	s2 =	ssub.s32 s0, s2  }
0x34: {  	s2 =	smul.u32 $0x7D00, s2  }
0x35: {  	_ =	swait.ge [sflag:s7], $0x1F40  }
0x36: {  	[sflag:s7] =	ssyncset.done $0x0;
	s2 =	sshrl.u32 s2, $0x2  }
0x37: {  	[sflag:s7] =	ssyncadd.s32 $0xFFFFE0C0;
	(ifvalue) =	ssetifvalue $0xFFFFFFFF;
	v3 =	vld.msk [tilespmem:s2+$0x100 ss:$0x1], $0xffff;
	_ =	sdelay $0x2  }
0x38: {  	s30 =	smulhi.u32 $0xAAAAAAAB, s18;
	p1 =	sne.s32 s24, $0x1  }
0x39: {  	v4 =	vimm.s32 @!p1 $0x0  }
0x3a: {  	s2 =	sshrl.u32 s30, $0x1;
	v4 =	vperm.xlane @!p1 v3, v4  }
0x3b: {  	s22 =	sshll.u32 s24, $0x4;
	s2 =	smul.u32 $0xFFFE8900, s2;
	vm4 =	vlt.u32 v3, $0x2800  }
0x3c: {  	s22 =	sand.u32 $0x10, s22;
	v3 =	vnsel vm4, $0xFFFFFFFE, v3;
	vm4 =	vlt.u32 @!p1 v4, $0x2800  }
0x3d: {  	s2 =	sshra.s32 s2, $0x2;
	[tilespmem:s22+$0x60] =	vst v3;
	v3 =	vnsel @!p1 vm4, $0xFFFFFFFE, v4  }
0x3e: {  	s28 =	sadd.s32 s2, s17;
	[tilespmem:$0x80] =	vst @!p1 v3  }
0x3f: {  	v3 =	vld.msk [tilespmem:s28+$0x0 ss:$0x1], $0xffff;
	_ =	sdelay $0x4  }
0x40: {  	(xrf1) =	vunique.msk.u32 $0xffff, v3;
	_ =	sdelay $0xd  }
0x41: {  	v4 =	vimm.s32 $0xFFFFFFFF;
	v5, _, _ =	vpop (xrf1)  }
0x42: {  	vm5 =	vne.s32 v3, v4;
	vm4 =	veq.s32 v5, v2  }
0x43: {  	vm6 =	vlt.u32 v3, $0x2800;
	vm4 =	vmand vm5, vm4  }
0x44: {  	vm4 =	vmand vm6, vm4  }
0x45: {  	v4 =	vnsel vm4, $0xFFFFFFFF, v3  }
0x46: {  	s31 =	sand.u32 $0x1, s0  }
0x47: {  	s0 =	simm.s32 $0x1F40;
	p1 =	seq.s32 s31, $0x1  }
0x48: {  	s0 =	simm.s32 @!p1 $0x0  }
0x49: {  	s26 =	sadd.s32 $0x7DF0, s0;
	(ifvalue) =	ssetifvalue $0xFFFFFFFF  }
0x4a: {  	v3 =	vperm.xlane v3, v1;
	[tilespmem:s26], [sflag:$0x8] =	stream.indirect_vreg.gather [hbm4b:s1+s16], $0x1, v4, vm0, $0x4038;
	v4 =	vnsel vm6, $0xFFFFFFFE, v4;
	[tilespmem:$0x11A60] =	vst v63  }
0x4b: {  	s2 =	simm.s32 $0x0;
	s22 =	sadd.s32 $0xFFFFFFF0, s28;
	[tilespmem:s28+$0x0] =	vst v4  }
.LBB2_3:
0x4c: {  	v4 =	vld.msk [tilespmem:s22+$0x0 ss:$0x1], $0xffff;
	s2 =	sadd.s32 $0x10, s2;
	v5 =	vmov v3;
	s28 =	smov.u32 s22  }
0x4d: {  	p1 =	slt.u32 s2, $0x1F30;
	_ =	sdelay $0x4  }
0x4e: {  	v3 =	vperm.xlane v4, v1;
	(xrf1) =	vunique.msk.u32 $0xffff, v4;
	_ =	sdelay $0xd  }
0x4f: {  	v6, _, _ =	vpop (xrf1)  }
0x50: {  	vm5 =	vne.s32 v4, v5;
	vm4 =	veq.s32 v6, v2  }
0x51: {  	vm6 =	vlt.u32 v4, $0x2800;
	vm4 =	vmand vm5, vm4  }
0x52: {  	vm4 =	vmand vm6, vm4  }
0x53: {  	v4 =	vnsel vm4, $0xFFFFFFFF, v4  }
.Ltmp3:
0x54: {  	v5 =	vnsel vm6, $0xFFFFFFFE, v4;
	(pc) =	sbr.rel @p1 .LBB2_3-.Ltmp3, $3  }
0x55: {  	_ =	sdelay $0x1  }
0x56: {  	s22 =	sadd.s32 $0xFFFFFFF0, s22;
	s26 =	sadd.s32 $0xFFFFFFF0, s26;
	(ifvalue) =	ssetifvalue $0xFFFFFFFF  }
0x57: {  	[tilespmem:s26], [sflag:$0x8] =	stream.indirect_vreg.gather [hbm4b:s1+s16], $0x1, v4, vm0, $0x4038;
	[tilespmem:s28+$0x0] =	vst v5  }
0x58: {  	s2 =	sshrl.u32 s25, $0x3  }
0x59: {  	s0 =	sadd.s32 $0x9D40, s0;
	s2 =	sadd.s32 s6, s2  }
0x5a: {  	[tilespmem:s0], [sflag:$0x8] =	stream.linear.gather [hbm:s2], $0x1F40, $0x38;
	[tilespmem:$0x11A60] =	vst v63  }
.LBB2_5:
0x5b: {  	p1 =	slt.u32 s24, $0x2  }
0x5c: {  	p2 =	sge.u32 @!p1 s24, s12  }
0x5d: {  	p1 =	por p1, p2  }
.Ltmp4:
0x5e: {  	_ = 	snop;
	(pc) =	sbr.rel @p1 .LBB2_9-.Ltmp4, $1  }
0x5f: {  	_ =	sdelay $0x3  }
0x60: {  	s0 =	sadd.s32 $0xFFFFFFFE, s24  }
0x61: {  	s2 =	smulhi.u32 $0xAAAAAAAB, s0;
	_ =	sdelay $0x1  }
0x62: {  	s2 =	sshrl.u32 s2, $0x1  }
0x63: {  	s2 =	smul.u32 $0x3, s2;
	_ =	sdelay $0x1  }
0x64: {  	s0 =	ssub.s32 s0, s2  }
0x65: {  	_ =	swait.ge [sflag:s8], $0x3E80;
	s0 =	smul.u32 $0x1F40, s0  }
0x66: {  	p1 =	sne.s32 s24, s11;
	[sflag:s8] =	ssyncset.done $0x0  }
0x67: {  	[sflag:s8] =	ssyncadd.s32 $0xFFFFC180;
	s2 =	sadd.s32 @!p1 $0x203F, s0  }
0x68: {  	[spmem:s13] =	stream.linear.scatter @!p1 [tilespmem:s2], [sflag:$0x1], $0x1, $0x38;
	[tilespmem:$0x11A60] =	vst v63  }
0x69: {  	s2 =	simm.s32 @!p1 $0x1  }
0x6a: {  	_ =	swait.ge @!p1 [sflag:s2], $0x1  }
0x6b: {  	s22 =	sshll.u32 s24, $0x4;
	[sflag:s2] =	ssyncset.done @!p1 $0x0  }
0x6c: {  	s25 =	sand.u32 $0x10, s22;
	[sflag:s2] =	ssyncadd.s32 @!p1 $0xFFFFFFFF  }
0x6d: {  	s2 =	sxor.u32 $0x10, s25;
	v4 =	vld [tilespmem:s25+$0x10]  }
0x6e: {  	v5 =	vld [tilespmem:s2+$0x60]  }
0x6f: {  	v3 =	vld [tilespmem:$0x80];
	_ =	sdelay $0x2  }
0x70: {  	(v2sf) =	vpush v4, $0x0  }
0x71: {  	(v2sf) =	vpush v5, $0x0  }
0x72: {  	(v2sf) =	vpush v3, $0x0;
	_ =	sdelay $0xc  }
0x73: {  	s22 =	spop (v2sf)  }
0x74: {  	s26 =	spop (v2sf)  }
0x75: {  	s28 =	spop (v2sf)  }
0x76: {  	p2 =	seq.s32 s22, s26;
	p3 =	seq.s32 s28, s22  }
0x77: {  	p3 =	por p2, p3  }
0x78: {  	s26 =	sand.u32 $0x1, s24;
	v4 =	vpsel p3, $0xFFFFFFFF, v4  }
0x79: {  	s29 =	smul.u32 $0x1F40, s26;
	[tilespmem:s25+$0x10] =	vst.msk $0x1, v4  }
0x7a: {  	v4 =	vld [tilespmem:$0x30]  }
0x7b: {  	v5 =	vld [tilespmem:s29+$0x9D40]  }
0x7c: {  	v6 =	vld [tilespmem:s25+$0x40];
	_ =	sdelay $0x3  }
0x7d: {  	vm4 =	vmmov vm1;
	v5 =	vadd.f32 v5, v4  }
0x7e: {  	vm5 =	vmmov vm2;
	vm4 =	vmmov @p2 vm2;
	s22 =	sshll.u32 s26, $0x4;
	v4 =	vadd.f32 v6, v4  }
0x7f: {  	s26 =	sor.u32 $0x11A40, s22;
	vm5 =	vmmov @p3 vm1;
	[tilespmem:s29+$0x9D40] =	vst.msk vm4, v5  }
0x80: {  	[tilespmem:s26+$0x0] =	vst.msk vm5, v4  }
0x81: {  	v4 =	vld [tilespmem:s29+$0x7DF0];
	_ =	sdelay $0x3  }
0x82: {  	v5 =	vimm.f32 $0.0e+00  }
0x83: {  	v4 =	vshift.insert v4, v5, s21  }
0x84: {  	s22 =	sor.u32 $0x40, s2  }
0x85: {  	[tilespmem:s22+$0x0] =	vst.msk $0x1, v4  }
0x86: {  	[tilespmem:s29+$0x7DFF] =	vst.msk $0x1, v5  }
0x87: {  	v4 =	vld [tilespmem:s0+$0x2030];
	_ =	sdelay $0x1  }
0x88: {  	s22 =	smulhi.u32 $0xAAAAAAAB, s20;
	s0 =	simm.s32 $0x1  }
0x89: {  	s0 =	simm.s32 @!p0 $0x0  }
0x8a: {  	s22 =	sshrl.u32 s22, $0x1;
	s0 =	smul.u32 $0x7D00, s0  }
0x8b: {  	s22 =	smul.u32 $0xFFFE8900, s22;
	v4 =	vshift.insert v4, v1, s21  }
0x8c: {  	s0 =	sshrl.u32 s0, $0x2  }
0x8d: {  	s22 =	sshra.s32 s22, $0x2;
	s30 =	sadd.s32 $0x9D40, s0;
	[tilespmem:s2+$0x10] =	vst.msk $0x1, v4  }
0x8e: {  	s22 =	sadd.s32 s22, s19;
	v6 =	vld [tilespmem:s30+$0x0]  }
0x8f: {  	v7 =	vld [tilespmem:s22+$0x0];
	_ =	sdelay $0x3  }
0x90: {  	v5 =	vadd.f32 v6, v5  }
0x91: {  	vm4 =	vne.s32 v7, $0xFFFFFFFF  }
0x92: {  	(xrf2) =	vadd.seg.scan.f32 vm4, v5;
	_ =	sdelay $0x3  }
0x93: {  	s31 =	sadd.s32 $0x5EC0, s0;
	v5 =	vperm.xlane v4, v1  }
0x94: {  	v6 =	vld [tilespmem:s31+$0x0]  }
0x95: {  	vm5 =	veq.s32 v7, v3;
	vm6 =	veq.s32 v7, v5  }
0x96: {  	vm7 =	vgt.u32 v7, $0xFFFFFFFD;
	vm6 =	vmor vm6, vm5  }
0x97: {  	vm6 =	vmor vm6, vm7  }
0x98: {  	v9 =	vld [tilespmem:$0xA0];
	v7 =	vsel vm6, $0xFFFFFFFF, v7  }
0x99: {  	v10 =	vld [tilespmem:$0x90];
	v6 =	vsel vm5, $0x0, v6;
	v8, _, _ =	vpop (xrf2)  }
0x9a: {  	v6 =	vadd.f32 v8, v6  }
0x9b: {  	s0 =	sadd.s32 $0xDBC0, s0  }
0x9c: {  	vm4 =	vmand vm4, vm3;
	[tilespmem:s0+$0x0] =	vst v6;
	(ifvalue) =	ssetifvalue $0xFFFFFFFF  }
0x9d: {  	vm6 =	veq.s32 v9, $0x1;
	[hbm4b:s1+s16] =	stream.indirect_vreg.scatter [tilespmem:s0], [sflag:$0x2], $0x1, v7, vm0, $0x4038;
	v7 =	vsel vm4, $0x0, v8;
	[tilespmem:$0x11A60] =	vst v63  }
0x9e: {  	s2 =	simm.s32 $0x0;
	s22 =	sadd.s32 $0x10, s22;
	vm4 =	vmor vm6, vm5;
	v6 =	vsel vm5, v8, v10;
	v7 =	vshift.insert v7, v0, s21  }
.LBB2_7:
0x9f: {  	v8 =	vld [tilespmem:s22+$0x0];
	s30 =	sadd.s32 $0x10, s30  }
0xa0: {  	s31 =	sadd.s32 $0x10, s31;
	v9 =	vld [tilespmem:s30+$0x0]  }
0xa1: {  	s2 =	sadd.s32 $0x10, s2;
	v10 =	vld [tilespmem:s31+$0x0]  }
0xa2: {  	p2 =	slt.u32 s2, $0x1F30;
	_ =	sdelay $0x2  }
0xa3: {  	v7 =	vadd.f32 v9, v7  }
0xa4: {  	vm5 =	vne.s32 v8, $0xFFFFFFFF  }
0xa5: {  	vm6 =	vmand vm5, vm3;
	(xrf2) =	vadd.seg.scan.f32 vm5, v7;
	_ =	sdelay $0x5  }
0xa6: {  	vm7 =	veq.s32 v8, v5;
	vm5 =	veq.s32 v8, v3  }
0xa7: {  	vm8 =	vgt.u32 v8, $0xFFFFFFFD;
	vm4 =	vmor vm4, vm5;
	vm7 =	vmor vm7, vm5  }
0xa8: {  	vm7 =	vmor vm7, vm8  }
0xa9: {  	v8 =	vsel vm7, $0xFFFFFFFF, v8  }
.Ltmp5:
0xaa: {  	v7 =	vsel vm5, $0x0, v10;
	v9, _, _ =	vpop (xrf2);
	(pc) =	sbr.rel @p2 .LBB2_7-.Ltmp5, $4  }
0xab: {  	v6 =	vsel vm5, v9, v6;
	v10 =	vadd.f32 v9, v7;
	v7 =	vsel vm6, $0x0, v9  }
0xac: {  	s0 =	sadd.s32 $0x10, s0;
	v7 =	vshift.insert v7, v0, s21  }
0xad: {  	s22 =	sadd.s32 $0x10, s22;
	[tilespmem:s0+$0x0] =	vst v10;
	(ifvalue) =	ssetifvalue $0xFFFFFFFF  }
0xae: {  	[hbm4b:s1+s16] =	stream.indirect_vreg.scatter [tilespmem:s0], [sflag:$0x2], $0x1, v8, vm0, $0x4038;
	[tilespmem:$0x11A60] =	vst v63  }
0xaf: {  	v3 =	vld [tilespmem:s29+$0xFAF0];
	_ =	sdelay $0x4  }
0xb0: {  	v3 =	vshift.insert v3, v0, s21  }
0xb1: {  	s0 =	simm.s32 $0x30  }
0xb2: {  	[tilespmem:s0+$0x0] =	vst.msk $0x1, v3  }
0xb3: {  	v3 =	vsel vm4, $0x1, v1;
	[tilespmem:$0x90] =	vst v6  }
0xb4: {  	s0 =	sadd.s32 @!p1 $0xFAFF, s29;
	[tilespmem:$0xA0] =	vst v3  }
0xb5: {  	[spmem:s14] =	stream.linear.scatter @!p1 [tilespmem:s0], [sflag:$0x1], $0x1, $0x38;
	[tilespmem:$0x11A60] =	vst v63  }
0xb6: {  	s0 =	simm.s32 @!p1 $0x1  }
0xb7: {  	v3 =	vmctz.xlane @!p1 vm4;
	_ =	swait.ge @!p1 [sflag:s0], $0x1  }
0xb8: {  	(v2sf) =	vpush @!p1 v4, $0x0  }
0xb9: {  	(v2sf) =	vpush @!p1 v3, $0x0;
	_ =	sdelay $0xd  }
0xba: {  	s2 =	spop @!p1 (v2sf)  }
0xbb: {  	s22 =	spop @!p1 (v2sf)  }
0xbc: {  	p2 =	sne.s32 @!p1 s28, s2;
	p3 =	slt.s32 @!p1 s22, $0xF  }
0xbd: {  	[sflag:s0] =	ssyncset.done @!p1 $0x0;
	p2 =	por p2, p1;
	p3 =	por !p3, p1  }
0xbe: {  	[sflag:s0] =	ssyncadd.s32 @!p1 $0xFFFFFFFF;
	v3 =	vimm.s32 @!p2 $0xFFFFFFFF;
	s22 =	simm.s32 @p3 $0xF  }
0xbf: {  	[tilespmem:$0x80] =	vst @!p2 v3;
	s2 =	sadd.s32 @!p1 $0x90, s22  }
0xc0: {  	[spmem:s10] =	stream.linear.scatter @!p1 [tilespmem:s2], [sflag:$0x1], $0x1, $0x38;
	[tilespmem:$0x11A60] =	vst v63  }
0xc1: {  	_ =	swait.ge @!p1 [sflag:s0], $0x1  }
0xc2: {  	[sflag:s0] =	ssyncset.done @!p1 $0x0  }
0xc3: {  	s2 =	simm.s32 @!p1 $0x80;
	[sflag:s0] =	ssyncadd.s32 @!p1 $0xFFFFFFFF  }
0xc4: {  	[spmem:s15] =	stream.linear.scatter @!p1 [tilespmem:s2], [sflag:$0x1], $0x1, $0x38;
	[tilespmem:$0x11A60] =	vst v63  }
0xc5: {  	_ =	swait.ge @!p1 [sflag:s0], $0x1  }
0xc6: {  	[sflag:s0] =	ssyncset.done @!p1 $0x0  }
0xc7: {  	[sflag:s0] =	ssyncadd.s32 @!p1 $0xFFFFFFFF;
	(ifvalue) =	ssetifvalue $0xFFFFFFFF;
	v3 =	vld [tilespmem:s25+$0x10];
	_ =	sdelay $0x3  }
.Ltmp6:
0xc8: {  	_ = 	snop;
	(pc) =	sbr.rel .LBB2_9-.Ltmp6, $3  }
0xc9: {  	_ =	sdelay $0x1  }
0xca: {  	(ifvalue) =	ssetifvalue $0xFFFFFFFF  }
0xcb: {  	[hbm4b:s1+s16] =	stream.indirect_vreg.scatter [tilespmem:s26], [sflag:$0x9], $0x1, v3, vm0, $0x4038;
	[tilespmem:$0x11A60] =	vst v63  }
.LBB2_10:
0xcc: {  	_ =	sfence.sel $0x180000  }
0xcd: {  	s0 =	simm.s32 $0x7;
	[bflag:$0x0] =	sbarrier.arrive $0xFFFF  }
0xce: {  	s26 =	simm.s32 $0x8;
	[sflag:s0] =	ssyncpa.u1 $0x1  }
0xcf: {  	s28 =	simm.s32 $0x9;
	[sflag:s26] =	ssyncpa.u1 $0x1  }
0xd0: {  	[sflag:s28] =	ssyncpa.u1 $0x1  }
0xd1: {  	_ =	sfence.stream.spmem  }
0xd2: {  	s29 =	simm.s32 $0x3;
	[bflag:$0x0] =	sbarrier.arrive $0xFFFF  }
0xd3: {  	s30 =	simm.s32 $0x4;
	[sflag:s29] =	ssyncpa.u1 $0x1  }
0xd4: {  	s31 =	simm.s32 $0x3C;
	s2 =	stileid.u32;
	[sflag:s30] =	ssyncpa.u1 $0x1  }
0xd5: {  	p0 =	sne.s32 s2, $0x0;
	[sflag:s31] =	ssyncpa.u1 $0x1  }
0xd6: {  	s0 =	simm.s32 @p0 $0x1;
	_ =	sfence @p0  }
0xd7: {  	[sflag:s0] =	ssyncpa.u1 @p0 $0x1;
	s0 =	simm.s32 @p0 $0x2  }
0xd8: {  	[sflag:s0] =	ssyncpa.u1 @p0 $0x1  }
0xd9: {  	_ =	strace @p0 $0x9000004A  }
0xda: {  	[bflag:$0x2] =	sbarrier.arrive @p0 $0xFFFF  }
0xdb: {  	_ =	shalt @p0  }
.LBB2_11:
0xdc: {  	_ =	sfence.stream.spmem;
	s0 =	simm.s32 $0x5  }
0xdd: {  	s2 =	simm.s32 $0x80;
	s3 =	simm.s32 $0xC0;
	[sflag:s0] =	ssyncpa.u1 $0x0  }
0xde: {  	[tilespmem:s3], [sflag:$0x5] =	stream.linear.gather [spmem:s2], $0x20, $0x38;
	[tilespmem:$0x11A60] =	vst v63  }
0xdf: {  	s2 =	simm.s32 $0x0;
	s3 =	simm.s32 $0xE0  }
0xe0: {  	[tilespmem:s3], [sflag:$0x5] =	stream.linear.gather [spmem:s2], $0x20, $0x38;
	[tilespmem:$0x11A60] =	vst v63  }
.Ltmp7:
0xe1: {  	_ = 	snop;
	(pc) =	sbr.rel .LBB2_12-.Ltmp7, $4  }
0xe2: {  	_ =	swait.ge [sflag:s0], $0x40  }
0xe3: {  	[sflag:s0] =	ssyncset.done $0x0  }
0xe4: {  	s31 =	simm.s32 $0x6;
	[sflag:s0] =	ssyncadd.s32 $0xFFFFFFC0  }
0xe5: {  	s4 =	simm.s32 $0x0;
	[sflag:s31] =	ssyncpa.u1 $0x0  }
.LBB2_17:
0xe6: {  	p0 =	sgt.u32 s5, $0x27FF  }
0xe7: {  	s0 =	sshrl.u32 @!p0 s5, $0x3  }
0xe8: {  	s5 =	sand.u32 @!p0 $0x7, s5;
	s6 =	simm.s32 @!p0 $0xB0;
	s0 =	sadd.s32 @!p0 s1, s0  }
0xe9: {  	[tilespmem:s6], [sflag:$0x6] =	stream.linear.gather @!p0 [hbm4b:s0+s5], $0x1, $0x38;
	[tilespmem:$0x11A60] =	vst v63  }
0xea: {  	s0 =	simm.s32 @!p0 $0x6  }
0xeb: {  	_ =	swait.ge @!p0 [sflag:s0], $0x1  }
0xec: {  	[sflag:s0] =	ssyncset.done @!p0 $0x0  }
0xed: {  	[sflag:s0] =	ssyncadd.s32 @!p0 $0xFFFFFFFF  }
0xee: {  	v2 =	vmov @!p0 s4;
	v1 =	vld.msk @!p0 [tilespmem:$0xB0], $0x1;
	_ =	sdelay $0x3  }
0xef: {  	s0 =	simm.s32 @!p0 $0xE0  }
0xf0: {  	[tilespmem:v2+s0+$0x0], v1 =	vst.idx.ret.add.f32.msk @!p0 $0x1, v1  }
0xf1: {  	[tilespmem:s2+$0xC0] =	vst.msk $0x1, v0  }
0xf2: {  	v0 =	vld.msk [tilespmem:s4+$0xE0], $0x1;
	_ =	sdelay $0x4  }
0xf3: {  	[tilespmem:s2+$0xE0] =	vst.msk $0x1, v0;
	s2 =	sadd.s32 $0x1, s2  }
.LBB2_19:
0xf4: {  	s4 =	sadd.s32 $0x1, s4  }
0xf5: {  	p0 =	sne.s32 s4, $0x20  }
.Ltmp8:
0xf6: {  	_ = 	snop;
	(pc) =	sbr.rel @!p0 .LBB2_20-.Ltmp8, $1  }
0xf7: {  	_ =	sdelay $0x3  }
.LBB2_12:
0xf8: {  	v0 =	vld.msk [tilespmem:s4+$0xC0], $0x1;
	_ =	sdelay $0x4  }
0xf9: {  	(v2sf) =	vpush v0, $0x0;
	_ =	sdelay $0xe  }
0xfa: {  	s5 =	spop (v2sf)  }
0xfb: {  	p0 =	seq.s32 s5, $0xFFFFFFFF  }
.Ltmp9:
0xfc: {  	_ = 	snop;
	(pc) =	sbr.rel @p0 .LBB2_19-.Ltmp9, $1  }
0xfd: {  	_ =	sdelay $0x3  }
0xfe: {  	p0 =	slt.s32 s2, $0x1  }
.Ltmp10:
0xff: {  	_ = 	snop;
	(pc) =	sbr.rel @p0 .LBB2_17-.Ltmp10, $1  }
0x100: {  	_ =	sdelay $0x3  }
0x101: {  	s0 =	simm.s32 $0xC0;
	p0 =	por $0x0, $0x0  }
0x102: {  	v1 =	vld.msk @!p0 [tilespmem:s0+$0x0], $0x1;
	_ =	sdelay $0x4  }
0x103: {  	(v2sf) =	vpush @!p0 v1, $0x0;
	_ =	sdelay $0xd  }
0x104: {  	p2 =	sne.s32 s2, $0x1  }
.Ltmp11:
0x105: {  	s6 =	spop @!p0 (v2sf);
	(pc) =	sbr.rel @!p2 .LBB2_16-.Ltmp11, $4  }
0x106: {  	p1 =	seq.s32 @!p0 s5, s6  }
0x107: {  	s6 =	simm.s32 $0x0;
	p1 =	por !p1, p0  }
0x108: {  	s8 =	simm.s32 $0xFFFFFFFF;
	s6 =	simm.s32 @p1 $0xFFFFFFFF  }
0x109: {  	s7 =	simm.s32 $0x1;
	s6 =	smov.u32 @p0 s8  }
.LBB2_15:
0x10a: {  	s8 =	smov.u32 s6;
	p0 =	sne.s32 s6, $0xFFFFFFFF  }
0x10b: {  	s0 =	sadd.s32 $0x1, s0;
	s6 =	smov.u32 s7;
	s7 =	sadd.s32 $0x1, s7  }
0x10c: {  	p1 =	sne.s32 s2, s7;
	v1 =	vld.msk @!p0 [tilespmem:s0+$0x0], $0x1;
	_ =	sdelay $0x4  }
0x10d: {  	(v2sf) =	vpush @!p0 v1, $0x0;
	_ =	sdelay $0xe  }
.Ltmp12:
0x10e: {  	s9 =	spop @!p0 (v2sf);
	(pc) =	sbr.rel @p1 .LBB2_15-.Ltmp12, $4  }
0x10f: {  	p2 =	seq.s32 @!p0 s5, s9  }
0x110: {  	p2 =	por !p2, p0  }
0x111: {  	s6 =	simm.s32 @p2 $0xFFFFFFFF  }
0x112: {  	s6 =	smov.u32 @p0 s8  }
.LBB2_16:
0x113: {  	p0 =	sne.s32 s6, $0xFFFFFFFF  }
.Ltmp13:
0x114: {  	_ = 	snop;
	(pc) =	sbr.rel @!p0 .LBB2_17-.Ltmp13, $1  }
0x115: {  	_ =	sdelay $0x3  }
0x116: {  	v0 =	vld.msk [tilespmem:s4+$0xE0], $0x1;
	v1 =	vmov s6  }
.Ltmp14:
0x117: {  	_ = 	snop;
	(pc) =	sbr.rel .LBB2_19-.Ltmp14, $2  }
0x118: {  	_ =	sdelay $0x2  }
0x119: {  	[tilespmem:v1+s3+$0x0], v0 =	vst.idx.ret.add.f32.msk $0x1, v0  }
.LBB2_20:
0x11a: {  	p0 =	slt.s32 s2, $0x1  }
.Ltmp15:
0x11b: {  	_ = 	snop;
	(pc) =	sbr.rel @p0 .LBB2_24-.Ltmp15, $3  }
0x11c: {  	_ =	sdelay $0x1  }
0x11d: {  	s0 =	simm.s32 $0x6  }
0x11e: {  	s3 =	simm.s32 $0x0;
	[sflag:s0] =	ssyncpa.u1 $0x1  }
0x11f: {  	s0 =	simm.s32 $0xC0  }
0x120: {  	v0 =	vld.msk [tilespmem:s0+$0x0], $0x1;
	_ =	sdelay $0x4  }
0x121: {  	(v2sf) =	vpush v0, $0x0;
	_ =	sdelay $0xe  }
0x122: {  	s2 =	sadd.s32 $0xFFFFFFFF, s2;
	s4 =	spop (v2sf)  }
0x123: {  	p1 =	sne.s32 s2, $0x0;
	p0 =	sgt.u32 s4, $0x27FF  }
.Ltmp16:
0x124: {  	s5 =	sshrl.u32 @!p0 s4, $0x3;
	(pc) =	sbr.rel @!p1 .LBB2_23-.Ltmp16, $4  }
0x125: {  	s0 =	simm.s32 $0xE0;
	s4 =	sand.u32 @!p0 $0x7, s4;
	s5 =	sadd.s32 @!p0 s1, s5  }
0x126: {  	[hbm4b:s5+s4] =	stream.linear.scatter @!p0 [tilespmem:s0], [sflag:$0x5], $0x1, $0x38;
	[tilespmem:$0x11A60] =	vst v63  }
0x127: {  	s5 =	simm.s32 $0x0  }
0x128: {  	s4 =	simm.s32 $0xC1;
	s5 =	simm.s32 @!p0 $0x4  }
.LBB2_22:
0x129: {  	v0 =	vld.msk [tilespmem:s4+$0x0], $0x1;
	s2 =	sadd.s32 $0xFFFFFFFF, s2;
	s3 =	sadd.s32 s3, s5  }
0x12a: {  	p0 =	sne.s32 s2, $0x0;
	_ =	sdelay $0x3  }
0x12b: {  	(v2sf) =	vpush v0, $0x0;
	_ =	sdelay $0xe  }
.Ltmp17:
0x12c: {  	s6 =	spop (v2sf);
	(pc) =	sbr.rel @p0 .LBB2_22-.Ltmp17, $4  }
0x12d: {  	s5 =	simm.s32 $0x0;
	p1 =	sgt.u32 s6, $0x27FF  }
0x12e: {  	s0 =	sadd.s32 $0x1, s0;
	s5 =	simm.s32 @!p1 $0x4;
	s7 =	sshrl.u32 @!p1 s6, $0x3  }
0x12f: {  	s4 =	sadd.s32 $0x1, s4;
	s6 =	sand.u32 @!p1 $0x7, s6;
	s7 =	sadd.s32 @!p1 s1, s7  }
0x130: {  	[hbm4b:s7+s6] =	stream.linear.scatter @!p1 [tilespmem:s0], [sflag:$0x5], $0x1, $0x38;
	[tilespmem:$0x11A60] =	vst v63  }
.LBB2_23:
0x131: {  	s0 =	sadd.s32 s3, s5  }
0x132: {  	s3 =	sshrl.u32 s0, $0x2  }
.LBB2_24:
0x133: {  	s0 =	simm.s32 $0x5  }
0x134: {  	_ =	swait.ge [sflag:s0], s3  }
0x135: {  	s1 =	ssub.s32 $0x0, s3;
	[sflag:s0] =	ssyncset.done $0x0  }
0x136: {  	[sflag:s0] =	ssyncadd.s32 s1  }
0x137: {  	[sflag:s0] =	ssyncpa.u1 $0x1  }
0x138: {  	s29 =	simm.s32 $0x1;
	_ =	sfence  }
0x139: {  	s30 =	simm.s32 $0x2;
	[sflag:s29] =	ssyncpa.u1 $0x1  }
0x13a: {  	[sflag:s30] =	ssyncpa.u1 $0x1  }
0x13b: {  	_ =	strace $0x9000004A  }
0x13c: {  	[bflag:$0x2] =	sbarrier.arrive $0xFFFF  }
0x13d: {  	s31 =	rddreg [dreg:$0x2]  }
0x13e: {  	s0 =	sadd.s32 $0x100000, s31  }
0x13f: {  	[sflag:s0] =	ssyncadd.tile.s32 $0x1;
	_ =	shalt  }
.Lfunc_end2:
_tile_overlayer_lowered:
.L_overlay_start_2:
0x140: {  	(tag) =	ssettag $0x2  }
0x141: {  	s0 =	rddreg [dreg:$0x0];
	s2 =	stileid.u32  }
0x142: {  	s1 =	rddreg [dreg:$0x1];
	p0 =	sne.s32 s2, $0x0  }
0x143: {  	s3 =	rddreg [dreg:$0x2];
	[bflag:$0x3] =	sbarrier.arrive $0xFFFF;
	s2 =	simm.s32 @!p0 $0x1C01  }
0x144: {  	[timem:s3], [sflag:s2] =	dma.local @!p0 [hbm:s0], s1  }
0x145: {  	s0 =	simm.s32 @!p0 $0x1  }
0x146: {  	_ =	swait.ge @!p0 [sflag:s0], s1  }
0x147: {  	s1 =	ssub.s32 @!p0 $0x0, s1;
	[sflag:s0] =	ssyncset.done @!p0 $0x0  }
0x148: {  	[sflag:s0] =	ssyncadd.s32 @!p0 s1  }
0x149: {  	[bflag:$0x3] =	sbarrier.arrive $0xFFFF  }
0x14a: {  	_ =	shalt  }

</sc_bundles>
